<compile_context>
chip_gen: v7x
topology: tpu7x:2x2x1
jax: 0.10.2.dev20260603
libtpu: 0.0.44.dev20260713+nightly
codegen_flags: <defaults>
</compile_context>

<pallas_src>
import functools

import jax
import jax.numpy as jnp
from jax import lax
from jax.experimental import pallas as pl
from jax.experimental.pallas import tpu as pltpu
from jax.experimental.pallas import tpu_sc as plsc

N = 10000
D = 128
NE = 320000

NC = 2
NS = 16
NW = NC * NS

CH = 128
NCH = 80
HALF = NCH // 2
E_TILE = CH * NCH
NE_PAD = E_TILE * NW
N_PAD = 10240
ROWS_PER_SUB = N_PAD // NS

_mesh = plsc.VectorSubcoreMesh(core_axis_name="c", subcore_axis_name="s")



@functools.partial(
    pl.kernel,
    mesh=_mesh,
    out_type=jax.ShapeDtypeStruct((NC, N_PAD), jnp.float32),
    scratch_types=[
        pltpu.VMEM((NCH, CH), jnp.int32),
        pltpu.VMEM((CH,), jnp.float32),
        pltpu.VMEM_SHARED((N_PAD,), jnp.float32),
    ],
)
def _sc_deg(ei3, zeros1, out, dst_idx, ones_v, acc):
    cid = lax.axis_index("c")
    sid = lax.axis_index("s")
    wid = sid * NC + cid
    for i in range(CH // 16):
        ones_v[pl.ds(i * 16, 16)] = jnp.ones((16,), jnp.float32)
    r0 = sid * ROWS_PER_SUB
    pltpu.sync_copy(zeros1.at[pl.ds(r0, ROWS_PER_SUB)],
                    acc.at[pl.ds(r0, ROWS_PER_SUB)])
    plsc.subcore_barrier()
    pltpu.sync_copy(ei3.at[1].at[pl.ds(wid * NCH, NCH)], dst_idx)

    def body(j, carry):
        pltpu.sync_copy(ones_v, acc.at[dst_idx.at[j]], add=True)
        return carry

    lax.fori_loop(0, NCH, body, 0)
    plsc.subcore_barrier()
    pltpu.sync_copy(acc.at[pl.ds(r0, ROWS_PER_SUB)],
                    out.at[cid].at[pl.ds(r0, ROWS_PER_SUB)])



@functools.partial(
    pl.kernel,
    mesh=_mesh,
    out_type=jax.ShapeDtypeStruct((NC, N_PAD), jnp.float32),
    scratch_types=[
        pltpu.VMEM((NCH, CH), jnp.int32),
        pltpu.VMEM((NCH, CH), jnp.int32),
        pltpu.VMEM((CH,), jnp.float32),
        pltpu.VMEM_SHARED((N_PAD,), jnp.float32),
        pltpu.SemaphoreType.DMA,
    ],
)
def _sc_cpre(dinv_h, ei3, zeros1, out, src_idx, dst_idx, vals, acc, sem):
    cid = lax.axis_index("c")
    sid = lax.axis_index("s")
    wid = sid * NC + cid
    r0 = sid * ROWS_PER_SUB
    pltpu.sync_copy(zeros1.at[pl.ds(r0, ROWS_PER_SUB)],
                    acc.at[pl.ds(r0, ROWS_PER_SUB)])
    plsc.subcore_barrier()
    pltpu.sync_copy(ei3.at[0].at[pl.ds(wid * NCH, NCH)], src_idx)
    pltpu.sync_copy(ei3.at[1].at[pl.ds(wid * NCH, NCH)], dst_idx)

    def body(j, carry):
        pltpu.async_copy(dinv_h.at[dst_idx.at[j]], vals, sem).wait()
        pltpu.sync_copy(vals, acc.at[src_idx.at[j]], add=True)
        return carry

    lax.fori_loop(0, NCH, body, 0)
    plsc.subcore_barrier()
    pltpu.sync_copy(acc.at[pl.ds(r0, ROWS_PER_SUB)],
                    out.at[cid].at[pl.ds(r0, ROWS_PER_SUB)])



SUB = CH // 2
QW = 40


@functools.partial(
    pl.kernel,
    mesh=_mesh,
    out_type=jax.ShapeDtypeStruct((NC, N_PAD, D), jnp.float32),
    scratch_types=[
        pltpu.VMEM((QW, CH), jnp.int32),
        pltpu.VMEM((QW, CH), jnp.int32),
        pltpu.VMEM((4 * SUB, D), jnp.float32),
        pltpu.VMEM_SHARED((N_PAD, D), jnp.float32),
        pltpu.SemaphoreType.DMA,
        pltpu.SemaphoreType.DMA,
        pltpu.SemaphoreType.DMA,
        pltpu.SemaphoreType.DMA,
    ],
)
def _sc_agg(g_h, ei3, zeros2, out, src_idx, dst_idx, rows, acc,
            gs0, gs1, gs2, gs3):
    cid = lax.axis_index("c")
    sid = lax.axis_index("s")
    wid = sid * NC + cid
    gsems = (gs0, gs1, gs2, gs3)
    r0 = sid * ROWS_PER_SUB
    pltpu.sync_copy(zeros2.at[pl.ds(r0, ROWS_PER_SUB)],
                    acc.at[pl.ds(r0, ROWS_PER_SUB)])
    plsc.subcore_barrier()

    def gather_sub(c, q, p):
        pltpu.async_copy(
            g_h.at[src_idx.at[c].at[pl.ds(SUB * p, SUB)]],
            rows.at[pl.ds(q * SUB, SUB)], gsems[q])

    for h in range(NCH // QW):
        base = wid * NCH + h * QW
        pltpu.sync_copy(ei3.at[0].at[pl.ds(base, QW)], src_idx)
        pltpu.sync_copy(ei3.at[1].at[pl.ds(base, QW)], dst_idx)
        for c0 in range(2):
            for p in range(2):
                gather_sub(c0, c0 * 2 + p, p)

        def body(cc, carry):
            for par in range(2):
                c = cc * 2 + par
                for p in range(2):
                    q = par * 2 + p
                    pltpu.make_async_copy(g_h.at[pl.ds(0, SUB)],
                                          rows.at[pl.ds(q * SUB, SUB)],
                                          gsems[q]).wait()
                pltpu.sync_copy(rows.at[pl.ds(par * CH, CH)],
                                acc.at[dst_idx.at[c]], add=True)

                @pl.when(c + 2 < QW)
                def _():
                    for p in range(2):
                        gather_sub(c + 2, par * 2 + p, p)
            return carry

        lax.fori_loop(0, QW // 2, body, 0)
    plsc.subcore_barrier()
    pltpu.sync_copy(acc.at[pl.ds(r0, ROWS_PER_SUB)],
                    out.at[cid].at[pl.ds(r0, ROWS_PER_SUB)])



_BM = 640


def _tc_g_body(x_ref, w_ref, dinv_ref, o_ref):
    h = jnp.dot(x_ref[...], w_ref[...], preferred_element_type=jnp.float32)
    o_ref[...] = h * dinv_ref[...]


def _tc_g(xp, W, dinv_col):
    return pl.pallas_call(
        _tc_g_body,
        grid=(N_PAD // _BM,),
        in_specs=[
            pl.BlockSpec((_BM, D), lambda i: (i, 0)),
            pl.BlockSpec((D, D), lambda i: (0, 0)),
            pl.BlockSpec((_BM, 1), lambda i: (i, 0)),
        ],
        out_specs=pl.BlockSpec((_BM, D), lambda i: (i, 0)),
        out_shape=jax.ShapeDtypeStruct((N_PAD, D), jnp.float32),
    )(xp, W, dinv_col)


def _tc_mid_body(agg_ref, g_ref, dinv_ref, b_ref, w_ref, o_ref):
    a = agg_ref[0] + agg_ref[1] + g_ref[...]
    z = jnp.maximum(a * dinv_ref[...] + b_ref[...], 0.0)
    h = jnp.dot(z, w_ref[...], preferred_element_type=jnp.float32)
    o_ref[...] = h * dinv_ref[...]


def _tc_mid(agg, g, dinv_col, b_row, W):
    return pl.pallas_call(
        _tc_mid_body,
        grid=(N_PAD // _BM,),
        in_specs=[
            pl.BlockSpec((NC, _BM, D), lambda i: (0, i, 0)),
            pl.BlockSpec((_BM, D), lambda i: (i, 0)),
            pl.BlockSpec((_BM, 1), lambda i: (i, 0)),
            pl.BlockSpec((1, D), lambda i: (0, 0)),
            pl.BlockSpec((D, D), lambda i: (0, 0)),
        ],
        out_specs=pl.BlockSpec((_BM, D), lambda i: (i, 0)),
        out_shape=jax.ShapeDtypeStruct((N_PAD, D), jnp.float32),
    )(agg, g, dinv_col, b_row, W)


def _tc_final_body(agg_ref, g_ref, dinv_ref, b_ref, c_ref, w3_ref, b3_ref,
                   wc1_ref, bc1_ref, wc2_ref, bc2_ref, o_ref):
    a = agg_ref[0] + agg_ref[1] + g_ref[...]
    z2 = jnp.maximum(a * dinv_ref[...] + b_ref[...], 0.0)
    s = jnp.sum(z2 * c_ref[...], axis=0, keepdims=True)
    pooled = jnp.dot(s, w3_ref[...], preferred_element_type=jnp.float32)
    pooled = pooled * (1.0 / N) + b3_ref[...]
    m = jnp.maximum(
        jnp.dot(pooled, wc1_ref[...], preferred_element_type=jnp.float32)
        + bc1_ref[...], 0.0)
    o_ref[...] = (jnp.dot(m, wc2_ref[...], preferred_element_type=jnp.float32)
                  + bc2_ref[...])


def _tc_final(agg, g, dinv_col, b_row, c_col, W3, b3_row, Wc1, bc1_row,
              Wc2p, bc2p_row):
    return pl.pallas_call(
        _tc_final_body,
        out_shape=jax.ShapeDtypeStruct((1, D), jnp.float32),
    )(agg, g, dinv_col, b_row, c_col, W3, b3_row, Wc1, bc1_row, Wc2p, bc2p_row)



def kernel(x, edge_index, W1, b1, W2, b2, W3, b3, Wc1, bc1, Wc2, bc2):
    ei = edge_index.astype(jnp.int32)
    pad_cols = jnp.full((2, NE_PAD - NE), N_PAD - 1, dtype=jnp.int32)
    ei2 = jnp.concatenate([ei, pad_cols], axis=1)
    ei3 = ei2.reshape(2, NE_PAD // CH, CH)
    xp = jnp.pad(x, ((0, N_PAD - N), (0, 0)))
    zeros1 = jnp.zeros((N_PAD,), jnp.float32)
    zeros2 = jnp.zeros((N_PAD, D), jnp.float32)

    deg_parts = _sc_deg(ei3, zeros1)
    deg = deg_parts[0] + deg_parts[1] + 1.0
    dinv = 1.0 / jnp.sqrt(deg)
    dinv_col = dinv[:, None]

    g1 = _tc_g(xp, W1, dinv_col)
    agg1 = _sc_agg(g1, ei3, zeros2)
    g2 = _tc_mid(agg1, g1, dinv_col, b1.reshape(1, D), W2)
    agg2 = _sc_agg(g2, ei3, zeros2)

    cparts = _sc_cpre(dinv, ei3, zeros1)
    c = dinv * (dinv + cparts[0] + cparts[1])
    c = jnp.where(jnp.arange(N_PAD) < N, c, 0.0)[:, None]

    Wc2p = jnp.pad(Wc2, ((0, 0), (0, D - Wc2.shape[1])))
    bc2p = jnp.pad(bc2, (0, D - bc2.shape[0])).reshape(1, D)
    res = _tc_final(agg2, g2, dinv_col, b2.reshape(1, D), c, W3,
                    b3.reshape(1, D), Wc1, bc1.reshape(1, Wc1.shape[1]),
                    Wc2p, bc2p)
    return res[:, :3]

# --- scband reference (transcript-rebuilt; emitter-appended) ---
"""Pipeline reference for scband-exercise-gnn-77171972374635 (READ-ONLY COPY).

The authoritative reference and input builder live on the scoring server;
editing this copy changes nothing except your own understanding.
"""

import jax, jax.numpy as jnp
import numpy as np

N_NODES = 10000
D_FEAT = 128
HIDDEN = 128
N_CLASSES = 3
N_EDGES = 320000


def gcn_conv(x, edge_index, W, b, num_nodes):
    # GCNConv with added self-loops and symmetric normalization
    src = edge_index[0]
    dst = edge_index[1]
    loop = jnp.arange(num_nodes, dtype=src.dtype)
    src = jnp.concatenate([src, loop])
    dst = jnp.concatenate([dst, loop])
    deg = jnp.zeros((num_nodes,), dtype=x.dtype).at[dst].add(1.0)
    deg_inv_sqrt = jnp.where(deg > 0, 1.0 / jnp.sqrt(deg), 0.0)
    norm = deg_inv_sqrt[src] * deg_inv_sqrt[dst]
    h = x @ W
    msgs = h[src] * norm[:, None]
    out = jnp.zeros((num_nodes, W.shape[1]), dtype=x.dtype).at[dst].add(msgs)
    return out + b


def setup_inputs(seed: int = 0) -> dict:
    key = jax.random.key(seed)
    ks = jax.random.split(key, 12)
    x = jax.random.normal(ks[0], (N_NODES, D_FEAT), dtype=jnp.float32)
    edge_index = jax.random.randint(ks[1], (2, N_EDGES), 0, N_NODES, dtype=jnp.int64 if jax.config.jax_enable_x64 else jnp.int32)
    def glorot(k, shape):
        lim = np.sqrt(6.0 / (shape[0] + shape[1]))
        return jax.random.uniform(k, shape, dtype=jnp.float32, minval=-lim, maxval=lim)
    W1 = glorot(ks[2], (D_FEAT, HIDDEN)); b1 = jnp.zeros((HIDDEN,), jnp.float32)
    W2 = glorot(ks[3], (HIDDEN, HIDDEN)); b2 = jnp.zeros((HIDDEN,), jnp.float32)
    W3 = glorot(ks[4], (HIDDEN, HIDDEN)); b3 = jnp.zeros((HIDDEN,), jnp.float32)
    Wc1 = glorot(ks[5], (HIDDEN, HIDDEN // 2)); bc1 = jnp.zeros((HIDDEN // 2,), jnp.float32)
    Wc2 = glorot(ks[6], (HIDDEN // 2, N_CLASSES)); bc2 = jnp.zeros((N_CLASSES,), jnp.float32)
    return {"x": x, "edge_index": edge_index, "W1": W1, "b1": b1, "W2": W2, "b2": b2, "W3": W3, "b3": b3, "Wc1": Wc1, "bc1": bc1, "Wc2": Wc2, "bc2": bc2}


def reference(x, edge_index, W1, b1, W2, b2, W3, b3, Wc1, bc1, Wc2, bc2):
    # ExerciseGNN forward (eval mode: dropout = identity), batch=None path
    n = x.shape[0]
    h = jax.nn.relu(gcn_conv(x, edge_index, W1, b1, n))
    h = jax.nn.relu(gcn_conv(h, edge_index, W2, b2, n))
    h = gcn_conv(h, edge_index, W3, b3, n)
    h = jnp.mean(h, axis=0, keepdims=True)
    h = jax.nn.relu(h @ Wc1 + bc1)
    out = h @ Wc2 + bc2
    return out

if __name__ == "__main__":
    import jax
    _d = setup_inputs()
    print(jax.jit(kernel)(*tuple(_d.values())))

</pallas_src>

<mosaic_0001>
#map = affine_map<(d0, d1) -> (0, 0)>
#map1 = affine_map<(d0, d1) -> (0, 0, 0)>
module attributes {stable_mosaic.version = 14 : i64} {
  func.func @_sc_agg(%arg0: i32, %arg1: i32, %arg2: memref<10240x128xf32, #tpu.memory_space<hbm>>, %arg3: memref<2x2560x128xi32, #tpu.memory_space<hbm>>, %arg4: memref<10240x128xf32, #tpu.memory_space<hbm>>, %arg5: memref<2x10240x128xf32, #tpu.memory_space<hbm>>, %arg6: memref<40x128xi32, #tpu.memory_space<vmem>>, %arg7: memref<40x128xi32, #tpu.memory_space<vmem>>, %arg8: memref<256x128xf32, #tpu.memory_space<vmem>>, %arg9: memref<10240x128xf32, #tpu.memory_space<vmem_shared>>, %arg10: memref<!tpu.dma_semaphore, #tpu.memory_space<semaphore_mem>>, %arg11: memref<!tpu.dma_semaphore, #tpu.memory_space<semaphore_mem>>, %arg12: memref<!tpu.dma_semaphore, #tpu.memory_space<semaphore_mem>>, %arg13: memref<!tpu.dma_semaphore, #tpu.memory_space<semaphore_mem>>) attributes {dimension_semantics = [#tpu.dimension_semantics<core_parallel>, #tpu.dimension_semantics<subcore_parallel>], iteration_bounds = array<i64: 2, 16>, scalar_prefetch = 0 : i64, scratch_operands = 8 : i64, tpu.core_type = #tpu.core_type<sc_vector_subcore>, window_params = [{transform_indices = #map}, {transform_indices = #map1}, {transform_indices = #map}, {transform_indices = #map1}]} {
    %mul3A = arith.constant 2 : i32
    %mul3A_0 = arith.muli %arg1, %mul3A : i32
    %add3A = arith.addi %mul3A_0, %arg0 : i32
    %mul3A_1 = arith.constant 640 : i32
    %mul3A_2 = arith.muli %arg1, %mul3A_1 : i32
    "tpu.region"() ({
      %run_scoped3A_121 = tpu.sem_alloc : memref<!tpu.dma_semaphore, #tpu.memory_space<semaphore_mem>>
      %dma_start3A_122 = arith.constant 0 : i32
      %dma_start3A_123 = tpu.memref_slice %arg9[%mul3A_2, %dma_start3A_122] : memref<10240x128xf32, #tpu.memory_space<vmem_shared>> -> memref<640x128xf32, #tpu.memory_space<vmem_shared>>
      %dma_start3A_124 = arith.constant 0 : i32
      %dma_start3A_125 = tpu.memref_slice %arg4[%mul3A_2, %dma_start3A_124] : memref<10240x128xf32, #tpu.memory_space<hbm>> -> memref<640x128xf32, #tpu.memory_space<hbm>>
      tpu.enqueue_dma source(%dma_start3A_125 : memref<640x128xf32, #tpu.memory_space<hbm>>) target(%dma_start3A_123 : memref<640x128xf32, #tpu.memory_space<vmem_shared>>) target_semaphore(%run_scoped3A_121 : memref<!tpu.dma_semaphore, #tpu.memory_space<semaphore_mem>>)
      %dma_wait3A = arith.constant 0 : i32
      %dma_wait3A_126 = tpu.memref_slice %arg9[%mul3A_2, %dma_wait3A] : memref<10240x128xf32, #tpu.memory_space<vmem_shared>> -> memref<640x128xf32, #tpu.memory_space<vmem_shared>>
      %dma_wait3A_127 = arith.constant 0 : i32
      %dma_wait3A_128 = tpu.memref_slice %arg4[%mul3A_2, %dma_wait3A_127] : memref<10240x128xf32, #tpu.memory_space<hbm>> -> memref<640x128xf32, #tpu.memory_space<hbm>>
      tpu.wait_dma2 semaphore(%run_scoped3A_121 : memref<!tpu.dma_semaphore, #tpu.memory_space<semaphore_mem>>) src(%dma_wait3A_128 : memref<640x128xf32, #tpu.memory_space<hbm>>) dst(%dma_wait3A_126 : memref<640x128xf32, #tpu.memory_space<vmem_shared>>)
      tpu.yield
    }) : () -> ()
    %barrier3A = arith.constant 0 : index
    tpu.barrier barrier_id(%barrier3A)
    %mul3A_3 = arith.constant 80 : i32
    %mul3A_4 = arith.muli %add3A, %mul3A_3 : i32
    %add3A_5 = arith.constant 0 : i32
    %add3A_6 = arith.addi %mul3A_4, %add3A_5 : i32
    %run_scoped3A = arith.constant 0 : i32
    "tpu.region"() ({
      %run_scoped3A_121 = tpu.sem_alloc : memref<!tpu.dma_semaphore, #tpu.memory_space<semaphore_mem>>
      %dma_start3A_122 = arith.constant 0 : i32
      %dma_start3A_123 = arith.constant 0 : i32
      %dma_start3A_124 = tpu.memref_slice %arg3[%run_scoped3A, %dma_start3A_122, %dma_start3A_123] : memref<2x2560x128xi32, #tpu.memory_space<hbm>> -> memref<1x2560x128xi32, #tpu.memory_space<hbm>>
      %dma_start3A_125 = tpu.memref_squeeze %dma_start3A_124 : memref<1x2560x128xi32, #tpu.memory_space<hbm>> -> memref<2560x128xi32, #tpu.memory_space<hbm>>
      %dma_start3A_126 = arith.constant 0 : i32
      %dma_start3A_127 = tpu.memref_slice %dma_start3A_125[%add3A_6, %dma_start3A_126] : memref<2560x128xi32, #tpu.memory_space<hbm>> -> memref<40x128xi32, #tpu.memory_space<hbm>>
      %dma_start3A_128 = arith.constant 0 : i32
      %dma_start3A_129 = arith.constant 0 : i32
      %dma_start3A_130 = tpu.memref_slice %arg3[%run_scoped3A, %dma_start3A_128, %dma_start3A_129] : memref<2x2560x128xi32, #tpu.memory_space<hbm>> -> memref<1x2560x128xi32, #tpu.memory_space<hbm>>
      %dma_start3A_131 = tpu.memref_squeeze %dma_start3A_130 : memref<1x2560x128xi32, #tpu.memory_space<hbm>> -> memref<2560x128xi32, #tpu.memory_space<hbm>>
      %dma_start3A_132 = arith.constant 0 : i32
      %dma_start3A_133 = tpu.memref_slice %dma_start3A_131[%add3A_6, %dma_start3A_132] : memref<2560x128xi32, #tpu.memory_space<hbm>> -> memref<40x128xi32, #tpu.memory_space<hbm>>
      tpu.enqueue_dma source(%dma_start3A_133 : memref<40x128xi32, #tpu.memory_space<hbm>>) target(%arg6 : memref<40x128xi32, #tpu.memory_space<vmem>>) target_semaphore(%run_scoped3A_121 : memref<!tpu.dma_semaphore, #tpu.memory_space<semaphore_mem>>)
      %dma_wait3A = arith.constant 0 : i32
      %dma_wait3A_134 = arith.constant 0 : i32
      %dma_wait3A_135 = tpu.memref_slice %arg3[%run_scoped3A, %dma_wait3A, %dma_wait3A_134] : memref<2x2560x128xi32, #tpu.memory_space<hbm>> -> memref<1x2560x128xi32, #tpu.memory_space<hbm>>
      %dma_wait3A_136 = tpu.memref_squeeze %dma_wait3A_135 : memref<1x2560x128xi32, #tpu.memory_space<hbm>> -> memref<2560x128xi32, #tpu.memory_space<hbm>>
      %dma_wait3A_137 = arith.constant 0 : i32
      %dma_wait3A_138 = tpu.memref_slice %dma_wait3A_136[%add3A_6, %dma_wait3A_137] : memref<2560x128xi32, #tpu.memory_space<hbm>> -> memref<40x128xi32, #tpu.memory_space<hbm>>
      %dma_wait3A_139 = arith.constant 0 : i32
      %dma_wait3A_140 = arith.constant 0 : i32
      %dma_wait3A_141 = tpu.memref_slice %arg3[%run_scoped3A, %dma_wait3A_139, %dma_wait3A_140] : memref<2x2560x128xi32, #tpu.memory_space<hbm>> -> memref<1x2560x128xi32, #tpu.memory_space<hbm>>
      %dma_wait3A_142 = tpu.memref_squeeze %dma_wait3A_141 : memref<1x2560x128xi32, #tpu.memory_space<hbm>> -> memref<2560x128xi32, #tpu.memory_space<hbm>>
      %dma_wait3A_143 = arith.constant 0 : i32
      %dma_wait3A_144 = tpu.memref_slice %dma_wait3A_142[%add3A_6, %dma_wait3A_143] : memref<2560x128xi32, #tpu.memory_space<hbm>> -> memref<40x128xi32, #tpu.memory_space<hbm>>
      tpu.wait_dma2 semaphore(%run_scoped3A_121 : memref<!tpu.dma_semaphore, #tpu.memory_space<semaphore_mem>>) src(%dma_wait3A_144 : memref<40x128xi32, #tpu.memory_space<hbm>>) dst(%arg6 : memref<40x128xi32, #tpu.memory_space<vmem>>)
      tpu.yield
    }) : () -> ()
    %run_scoped3A_7 = arith.constant 1 : i32
    "tpu.region"() ({
      %run_scoped3A_121 = tpu.sem_alloc : memref<!tpu.dma_semaphore, #tpu.memory_space<semaphore_mem>>
      %dma_start3A_122 = arith.constant 0 : i32
      %dma_start3A_123 = arith.constant 0 : i32
      %dma_start3A_124 = tpu.memref_slice %arg3[%run_scoped3A_7, %dma_start3A_122, %dma_start3A_123] : memref<2x2560x128xi32, #tpu.memory_space<hbm>> -> memref<1x2560x128xi32, #tpu.memory_space<hbm>>
      %dma_start3A_125 = tpu.memref_squeeze %dma_start3A_124 : memref<1x2560x128xi32, #tpu.memory_space<hbm>> -> memref<2560x128xi32, #tpu.memory_space<hbm>>
      %dma_start3A_126 = arith.constant 0 : i32
      %dma_start3A_127 = tpu.memref_slice %dma_start3A_125[%add3A_6, %dma_start3A_126] : memref<2560x128xi32, #tpu.memory_space<hbm>> -> memref<40x128xi32, #tpu.memory_space<hbm>>
      %dma_start3A_128 = arith.constant 0 : i32
      %dma_start3A_129 = arith.constant 0 : i32
      %dma_start3A_130 = tpu.memref_slice %arg3[%run_scoped3A_7, %dma_start3A_128, %dma_start3A_129] : memref<2x2560x128xi32, #tpu.memory_space<hbm>> -> memref<1x2560x128xi32, #tpu.memory_space<hbm>>
      %dma_start3A_131 = tpu.memref_squeeze %dma_start3A_130 : memref<1x2560x128xi32, #tpu.memory_space<hbm>> -> memref<2560x128xi32, #tpu.memory_space<hbm>>
      %dma_start3A_132 = arith.constant 0 : i32
      %dma_start3A_133 = tpu.memref_slice %dma_start3A_131[%add3A_6, %dma_start3A_132] : memref<2560x128xi32, #tpu.memory_space<hbm>> -> memref<40x128xi32, #tpu.memory_space<hbm>>
      tpu.enqueue_dma source(%dma_start3A_133 : memref<40x128xi32, #tpu.memory_space<hbm>>) target(%arg7 : memref<40x128xi32, #tpu.memory_space<vmem>>) target_semaphore(%run_scoped3A_121 : memref<!tpu.dma_semaphore, #tpu.memory_space<semaphore_mem>>)
      %dma_wait3A = arith.constant 0 : i32
      %dma_wait3A_134 = arith.constant 0 : i32
      %dma_wait3A_135 = tpu.memref_slice %arg3[%run_scoped3A_7, %dma_wait3A, %dma_wait3A_134] : memref<2x2560x128xi32, #tpu.memory_space<hbm>> -> memref<1x2560x128xi32, #tpu.memory_space<hbm>>
      %dma_wait3A_136 = tpu.memref_squeeze %dma_wait3A_135 : memref<1x2560x128xi32, #tpu.memory_space<hbm>> -> memref<2560x128xi32, #tpu.memory_space<hbm>>
      %dma_wait3A_137 = arith.constant 0 : i32
      %dma_wait3A_138 = tpu.memref_slice %dma_wait3A_136[%add3A_6, %dma_wait3A_137] : memref<2560x128xi32, #tpu.memory_space<hbm>> -> memref<40x128xi32, #tpu.memory_space<hbm>>
      %dma_wait3A_139 = arith.constant 0 : i32
      %dma_wait3A_140 = arith.constant 0 : i32
      %dma_wait3A_141 = tpu.memref_slice %arg3[%run_scoped3A_7, %dma_wait3A_139, %dma_wait3A_140] : memref<2x2560x128xi32, #tpu.memory_space<hbm>> -> memref<1x2560x128xi32, #tpu.memory_space<hbm>>
      %dma_wait3A_142 = tpu.memref_squeeze %dma_wait3A_141 : memref<1x2560x128xi32, #tpu.memory_space<hbm>> -> memref<2560x128xi32, #tpu.memory_space<hbm>>
      %dma_wait3A_143 = arith.constant 0 : i32
      %dma_wait3A_144 = tpu.memref_slice %dma_wait3A_142[%add3A_6, %dma_wait3A_143] : memref<2560x128xi32, #tpu.memory_space<hbm>> -> memref<40x128xi32, #tpu.memory_space<hbm>>
      tpu.wait_dma2 semaphore(%run_scoped3A_121 : memref<!tpu.dma_semaphore, #tpu.memory_space<semaphore_mem>>) src(%dma_wait3A_144 : memref<40x128xi32, #tpu.memory_space<hbm>>) dst(%arg7 : memref<40x128xi32, #tpu.memory_space<vmem>>)
      tpu.yield
    }) : () -> ()
    %dma_start3A = arith.constant 0 : i32
    %dma_start3A_8 = arith.constant 0 : i32
    %dma_start3A_9 = arith.constant 0 : i32
    %dma_start3A_10 = tpu.memref_slice %arg8[%dma_start3A_8, %dma_start3A_9] : memref<256x128xf32, #tpu.memory_space<vmem>> -> memref<64x128xf32, #tpu.memory_space<vmem>>
    %dma_start3A_11 = arith.constant 0 : i32
    %dma_start3A_12 = tpu.memref_slice %arg6[%dma_start3A, %dma_start3A_11] : memref<40x128xi32, #tpu.memory_space<vmem>> -> memref<1x128xi32, #tpu.memory_space<vmem>>
    %dma_start3A_13 = tpu.memref_squeeze %dma_start3A_12 : memref<1x128xi32, #tpu.memory_space<vmem>> -> memref<128xi32, #tpu.memory_space<vmem>>
    %dma_start3A_14 = arith.constant 0 : i32
    %dma_start3A_15 = tpu.memref_slice %dma_start3A_13[%dma_start3A_14] : memref<128xi32, #tpu.memory_space<vmem>> -> memref<64xi32, #tpu.memory_space<vmem>>
    %dma_start3A_16 = arith.constant 0 : i32
    %dma_start3A_17 = arith.constant 0 : i32
    %dma_start3A_18 = tpu.memref_slice %arg2[%dma_start3A_16, %dma_start3A_17] : memref<10240x128xf32, #tpu.memory_space<hbm>> -> memref<10240x128xf32, #tpu.memory_space<hbm>>
    tpu.enqueue_indirect_dma source(%dma_start3A_18 : memref<10240x128xf32, #tpu.memory_space<hbm>>) target(%dma_start3A_10 : memref<64x128xf32, #tpu.memory_space<vmem>>) offsets(%dma_start3A_15 : memref<64xi32, #tpu.memory_space<vmem>>) semaphore(%arg10 : memref<!tpu.dma_semaphore, #tpu.memory_space<semaphore_mem>>)
    %dma_start3A_19 = arith.constant 0 : i32
    %dma_start3A_20 = arith.constant 64 : i32
    %dma_start3A_21 = arith.constant 0 : i32
    %dma_start3A_22 = tpu.memref_slice %arg8[%dma_start3A_20, %dma_start3A_21] : memref<256x128xf32, #tpu.memory_space<vmem>> -> memref<64x128xf32, #tpu.memory_space<vmem>>
    %dma_start3A_23 = arith.constant 0 : i32
    %dma_start3A_24 = tpu.memref_slice %arg6[%dma_start3A_19, %dma_start3A_23] : memref<40x128xi32, #tpu.memory_space<vmem>> -> memref<1x128xi32, #tpu.memory_space<vmem>>
    %dma_start3A_25 = tpu.memref_squeeze %dma_start3A_24 : memref<1x128xi32, #tpu.memory_space<vmem>> -> memref<128xi32, #tpu.memory_space<vmem>>
    %dma_start3A_26 = arith.constant 64 : i32
    %dma_start3A_27 = tpu.memref_slice %dma_start3A_25[%dma_start3A_26] : memref<128xi32, #tpu.memory_space<vmem>> -> memref<64xi32, #tpu.memory_space<vmem>>
    %dma_start3A_28 = arith.constant 0 : i32
    %dma_start3A_29 = arith.constant 0 : i32
    %dma_start3A_30 = tpu.memref_slice %arg2[%dma_start3A_28, %dma_start3A_29] : memref<10240x128xf32, #tpu.memory_space<hbm>> -> memref<10240x128xf32, #tpu.memory_space<hbm>>
    tpu.enqueue_indirect_dma source(%dma_start3A_30 : memref<10240x128xf32, #tpu.memory_space<hbm>>) target(%dma_start3A_22 : memref<64x128xf32, #tpu.memory_space<vmem>>) offsets(%dma_start3A_27 : memref<64xi32, #tpu.memory_space<vmem>>) semaphore(%arg11 : memref<!tpu.dma_semaphore, #tpu.memory_space<semaphore_mem>>)
    %dma_start3A_31 = arith.constant 1 : i32
    %dma_start3A_32 = arith.constant 128 : i32
    %dma_start3A_33 = arith.constant 0 : i32
    %dma_start3A_34 = tpu.memref_slice %arg8[%dma_start3A_32, %dma_start3A_33] : memref<256x128xf32, #tpu.memory_space<vmem>> -> memref<64x128xf32, #tpu.memory_space<vmem>>
    %dma_start3A_35 = arith.constant 0 : i32
    %dma_start3A_36 = tpu.memref_slice %arg6[%dma_start3A_31, %dma_start3A_35] : memref<40x128xi32, #tpu.memory_space<vmem>> -> memref<1x128xi32, #tpu.memory_space<vmem>>
    %dma_start3A_37 = tpu.memref_squeeze %dma_start3A_36 : memref<1x128xi32, #tpu.memory_space<vmem>> -> memref<128xi32, #tpu.memory_space<vmem>>
    %dma_start3A_38 = arith.constant 0 : i32
    %dma_start3A_39 = tpu.memref_slice %dma_start3A_37[%dma_start3A_38] : memref<128xi32, #tpu.memory_space<vmem>> -> memref<64xi32, #tpu.memory_space<vmem>>
    %dma_start3A_40 = arith.constant 0 : i32
    %dma_start3A_41 = arith.constant 0 : i32
    %dma_start3A_42 = tpu.memref_slice %arg2[%dma_start3A_40, %dma_start3A_41] : memref<10240x128xf32, #tpu.memory_space<hbm>> -> memref<10240x128xf32, #tpu.memory_space<hbm>>
    tpu.enqueue_indirect_dma source(%dma_start3A_42 : memref<10240x128xf32, #tpu.memory_space<hbm>>) target(%dma_start3A_34 : memref<64x128xf32, #tpu.memory_space<vmem>>) offsets(%dma_start3A_39 : memref<64xi32, #tpu.memory_space<vmem>>) semaphore(%arg12 : memref<!tpu.dma_semaphore, #tpu.memory_space<semaphore_mem>>)
    %dma_start3A_43 = arith.constant 1 : i32
    %dma_start3A_44 = arith.constant 192 : i32
    %dma_start3A_45 = arith.constant 0 : i32
    %dma_start3A_46 = tpu.memref_slice %arg8[%dma_start3A_44, %dma_start3A_45] : memref<256x128xf32, #tpu.memory_space<vmem>> -> memref<64x128xf32, #tpu.memory_space<vmem>>
    %dma_start3A_47 = arith.constant 0 : i32
    %dma_start3A_48 = tpu.memref_slice %arg6[%dma_start3A_43, %dma_start3A_47] : memref<40x128xi32, #tpu.memory_space<vmem>> -> memref<1x128xi32, #tpu.memory_space<vmem>>
    %dma_start3A_49 = tpu.memref_squeeze %dma_start3A_48 : memref<1x128xi32, #tpu.memory_space<vmem>> -> memref<128xi32, #tpu.memory_space<vmem>>
    %dma_start3A_50 = arith.constant 64 : i32
    %dma_start3A_51 = tpu.memref_slice %dma_start3A_49[%dma_start3A_50] : memref<128xi32, #tpu.memory_space<vmem>> -> memref<64xi32, #tpu.memory_space<vmem>>
    %dma_start3A_52 = arith.constant 0 : i32
    %dma_start3A_53 = arith.constant 0 : i32
    %dma_start3A_54 = tpu.memref_slice %arg2[%dma_start3A_52, %dma_start3A_53] : memref<10240x128xf32, #tpu.memory_space<hbm>> -> memref<10240x128xf32, #tpu.memory_space<hbm>>
    tpu.enqueue_indirect_dma source(%dma_start3A_54 : memref<10240x128xf32, #tpu.memory_space<hbm>>) target(%dma_start3A_46 : memref<64x128xf32, #tpu.memory_space<vmem>>) offsets(%dma_start3A_51 : memref<64xi32, #tpu.memory_space<vmem>>) semaphore(%arg13 : memref<!tpu.dma_semaphore, #tpu.memory_space<semaphore_mem>>)
    %scan3A = arith.constant 0 : i32
    %scan3A_55 = arith.constant 0 : i32
    %scan3A_56 = arith.constant 20 : i32
    %scan3A_57 = arith.addi %scan3A_55, %scan3A_56 : i32
    %scan3A_58 = arith.constant 1 : i32
    scf.for %scan3A_121 = %scan3A_55 to %scan3A_57 step %scan3A_58  : i32 {
      %mul3A_122 = arith.constant 2 : i32
      %mul3A_123 = arith.muli %scan3A_121, %mul3A_122 : i32
      %add3A_124 = arith.constant 0 : i32
      %add3A_125 = arith.addi %mul3A_123, %add3A_124 : i32
      %dma_wait3A = arith.constant 0 : i32
      %dma_wait3A_126 = arith.constant 0 : i32
      %dma_wait3A_127 = tpu.memref_slice %arg8[%dma_wait3A, %dma_wait3A_126] : memref<256x128xf32, #tpu.memory_space<vmem>> -> memref<64x128xf32, #tpu.memory_space<vmem>>
      %dma_wait3A_128 = arith.constant 0 : i32
      %dma_wait3A_129 = arith.constant 0 : i32
      %dma_wait3A_130 = tpu.memref_slice %arg2[%dma_wait3A_128, %dma_wait3A_129] : memref<10240x128xf32, #tpu.memory_space<hbm>> -> memref<64x128xf32, #tpu.memory_space<hbm>>
      %dma_wait3A_131 = arith.constant 0 : i32
      %dma_wait3A_132 = arith.constant 0 : i32
      %dma_wait3A_133 = tpu.memref_slice %arg8[%dma_wait3A_131, %dma_wait3A_132] : memref<256x128xf32, #tpu.memory_space<vmem>> -> memref<64x128xf32, #tpu.memory_space<vmem>>
      %dma_wait3A_134 = arith.constant 0 : i32
      %dma_wait3A_135 = arith.constant 0 : i32
      %dma_wait3A_136 = tpu.memref_slice %arg2[%dma_wait3A_134, %dma_wait3A_135] : memref<10240x128xf32, #tpu.memory_space<hbm>> -> memref<64x128xf32, #tpu.memory_space<hbm>>
      tpu.wait_dma2 semaphore(%arg10 : memref<!tpu.dma_semaphore, #tpu.memory_space<semaphore_mem>>) src(%dma_wait3A_136 : memref<64x128xf32, #tpu.memory_space<hbm>>) dst(%dma_wait3A_133 : memref<64x128xf32, #tpu.memory_space<vmem>>)
      %dma_wait3A_137 = arith.constant 64 : i32
      %dma_wait3A_138 = arith.constant 0 : i32
      %dma_wait3A_139 = tpu.memref_slice %arg8[%dma_wait3A_137, %dma_wait3A_138] : memref<256x128xf32, #tpu.memory_space<vmem>> -> memref<64x128xf32, #tpu.memory_space<vmem>>
      %dma_wait3A_140 = arith.constant 0 : i32
      %dma_wait3A_141 = arith.constant 0 : i32
      %dma_wait3A_142 = tpu.memref_slice %arg2[%dma_wait3A_140, %dma_wait3A_141] : memref<10240x128xf32, #tpu.memory_space<hbm>> -> memref<64x128xf32, #tpu.memory_space<hbm>>
      %dma_wait3A_143 = arith.constant 64 : i32
      %dma_wait3A_144 = arith.constant 0 : i32
      %dma_wait3A_145 = tpu.memref_slice %arg8[%dma_wait3A_143, %dma_wait3A_144] : memref<256x128xf32, #tpu.memory_space<vmem>> -> memref<64x128xf32, #tpu.memory_space<vmem>>
      %dma_wait3A_146 = arith.constant 0 : i32
      %dma_wait3A_147 = arith.constant 0 : i32
      %dma_wait3A_148 = tpu.memref_slice %arg2[%dma_wait3A_146, %dma_wait3A_147] : memref<10240x128xf32, #tpu.memory_space<hbm>> -> memref<64x128xf32, #tpu.memory_space<hbm>>
      tpu.wait_dma2 semaphore(%arg11 : memref<!tpu.dma_semaphore, #tpu.memory_space<semaphore_mem>>) src(%dma_wait3A_148 : memref<64x128xf32, #tpu.memory_space<hbm>>) dst(%dma_wait3A_145 : memref<64x128xf32, #tpu.memory_space<vmem>>)
      "tpu.region"() ({
        %run_scoped3A_188 = tpu.sem_alloc : memref<!tpu.dma_semaphore, #tpu.memory_space<semaphore_mem>>
        %dma_start3A_189 = arith.constant 0 : i32
        %dma_start3A_190 = arith.constant 0 : i32
        %dma_start3A_191 = tpu.memref_slice %arg8[%dma_start3A_189, %dma_start3A_190] : memref<256x128xf32, #tpu.memory_space<vmem>> -> memref<128x128xf32, #tpu.memory_space<vmem>>
        %dma_start3A_192 = arith.constant 0 : i32
        %dma_start3A_193 = tpu.memref_slice %arg7[%add3A_125, %dma_start3A_192] : memref<40x128xi32, #tpu.memory_space<vmem>> -> memref<1x128xi32, #tpu.memory_space<vmem>>
        %dma_start3A_194 = tpu.memref_squeeze %dma_start3A_193 : memref<1x128xi32, #tpu.memory_space<vmem>> -> memref<128xi32, #tpu.memory_space<vmem>>
        %dma_start3A_195 = arith.constant 0 : i32
        %dma_start3A_196 = arith.constant 0 : i32
        %dma_start3A_197 = tpu.memref_slice %arg9[%dma_start3A_195, %dma_start3A_196] : memref<10240x128xf32, #tpu.memory_space<vmem_shared>> -> memref<10240x128xf32, #tpu.memory_space<vmem_shared>>
        tpu.enqueue_indirect_dma source(%dma_start3A_191 : memref<128x128xf32, #tpu.memory_space<vmem>>) target(%dma_start3A_197 : memref<10240x128xf32, #tpu.memory_space<vmem_shared>>) offsets(%dma_start3A_194 : memref<128xi32, #tpu.memory_space<vmem>>) semaphore(%run_scoped3A_188 : memref<!tpu.dma_semaphore, #tpu.memory_space<semaphore_mem>>) {add = true}
        %dma_wait3A_198 = arith.constant 0 : i32
        %dma_wait3A_199 = arith.constant 0 : i32
        %dma_wait3A_200 = tpu.memref_slice %arg8[%dma_wait3A_198, %dma_wait3A_199] : memref<256x128xf32, #tpu.memory_space<vmem>> -> memref<128x128xf32, #tpu.memory_space<vmem>>
        %dma_wait3A_201 = arith.constant 0 : i32
        %dma_wait3A_202 = tpu.memref_slice %arg7[%add3A_125, %dma_wait3A_201] : memref<40x128xi32, #tpu.memory_space<vmem>> -> memref<1x128xi32, #tpu.memory_space<vmem>>
        %dma_wait3A_203 = tpu.memref_squeeze %dma_wait3A_202 : memref<1x128xi32, #tpu.memory_space<vmem>> -> memref<128xi32, #tpu.memory_space<vmem>>
        %dma_wait3A_204 = arith.constant 0 : i32
        %dma_wait3A_205 = arith.constant 0 : i32
        %dma_wait3A_206 = tpu.memref_slice %arg9[%dma_wait3A_204, %dma_wait3A_205] : memref<10240x128xf32, #tpu.memory_space<vmem_shared>> -> memref<10240x128xf32, #tpu.memory_space<vmem_shared>>
        tpu.wait_indirect_dma semaphore(%run_scoped3A_188 : memref<!tpu.dma_semaphore, #tpu.memory_space<semaphore_mem>>) src(%dma_wait3A_200 : memref<128x128xf32, #tpu.memory_space<vmem>>) dst(%dma_wait3A_206 : memref<10240x128xf32, #tpu.memory_space<vmem_shared>>)
        tpu.yield
      }) : () -> ()
      %add3A_149 = arith.constant 2 : i32
      %add3A_150 = arith.addi %add3A_125, %add3A_149 : i32
      %lt3A = arith.constant 40 : i32
      %lt3A_151 = arith.cmpi slt, %add3A_150, %lt3A : i32
      %convert_element_type3A = arith.extui %lt3A_151 : i1 to i32
      %cond3A = arith.constant 0 : i32
      %cond3A_152 = arith.cmpi ne, %convert_element_type3A, %cond3A : i32
      scf.if %cond3A_152 {
        %add3A_188 = arith.constant 2 : i32
        %add3A_189 = arith.addi %add3A_125, %add3A_188 : i32
        %dma_start3A_190 = arith.constant 0 : i32
        %dma_start3A_191 = arith.constant 0 : i32
        %dma_start3A_192 = tpu.memref_slice %arg8[%dma_start3A_190, %dma_start3A_191] : memref<256x128xf32, #tpu.memory_space<vmem>> -> memref<64x128xf32, #tpu.memory_space<vmem>>
        %dma_start3A_193 = arith.constant 0 : i32
        %dma_start3A_194 = tpu.memref_slice %arg6[%add3A_189, %dma_start3A_193] : memref<40x128xi32, #tpu.memory_space<vmem>> -> memref<1x128xi32, #tpu.memory_space<vmem>>
        %dma_start3A_195 = tpu.memref_squeeze %dma_start3A_194 : memref<1x128xi32, #tpu.memory_space<vmem>> -> memref<128xi32, #tpu.memory_space<vmem>>
        %dma_start3A_196 = arith.constant 0 : i32
        %dma_start3A_197 = tpu.memref_slice %dma_start3A_195[%dma_start3A_196] : memref<128xi32, #tpu.memory_space<vmem>> -> memref<64xi32, #tpu.memory_space<vmem>>
        %dma_start3A_198 = arith.constant 0 : i32
        %dma_start3A_199 = arith.constant 0 : i32
        %dma_start3A_200 = tpu.memref_slice %arg2[%dma_start3A_198, %dma_start3A_199] : memref<10240x128xf32, #tpu.memory_space<hbm>> -> memref<10240x128xf32, #tpu.memory_space<hbm>>
        tpu.enqueue_indirect_dma source(%dma_start3A_200 : memref<10240x128xf32, #tpu.memory_space<hbm>>) target(%dma_start3A_192 : memref<64x128xf32, #tpu.memory_space<vmem>>) offsets(%dma_start3A_197 : memref<64xi32, #tpu.memory_space<vmem>>) semaphore(%arg10 : memref<!tpu.dma_semaphore, #tpu.memory_space<semaphore_mem>>)
        %add3A_201 = arith.constant 2 : i32
        %add3A_202 = arith.addi %add3A_125, %add3A_201 : i32
        %dma_start3A_203 = arith.constant 64 : i32
        %dma_start3A_204 = arith.constant 0 : i32
        %dma_start3A_205 = tpu.memref_slice %arg8[%dma_start3A_203, %dma_start3A_204] : memref<256x128xf32, #tpu.memory_space<vmem>> -> memref<64x128xf32, #tpu.memory_space<vmem>>
        %dma_start3A_206 = arith.constant 0 : i32
        %dma_start3A_207 = tpu.memref_slice %arg6[%add3A_202, %dma_start3A_206] : memref<40x128xi32, #tpu.memory_space<vmem>> -> memref<1x128xi32, #tpu.memory_space<vmem>>
        %dma_start3A_208 = tpu.memref_squeeze %dma_start3A_207 : memref<1x128xi32, #tpu.memory_space<vmem>> -> memref<128xi32, #tpu.memory_space<vmem>>
        %dma_start3A_209 = arith.constant 64 : i32
        %dma_start3A_210 = tpu.memref_slice %dma_start3A_208[%dma_start3A_209] : memref<128xi32, #tpu.memory_space<vmem>> -> memref<64xi32, #tpu.memory_space<vmem>>
        %dma_start3A_211 = arith.constant 0 : i32
        %dma_start3A_212 = arith.constant 0 : i32
        %dma_start3A_213 = tpu.memref_slice %arg2[%dma_start3A_211, %dma_start3A_212] : memref<10240x128xf32, #tpu.memory_space<hbm>> -> memref<10240x128xf32, #tpu.memory_space<hbm>>
        tpu.enqueue_indirect_dma source(%dma_start3A_213 : memref<10240x128xf32, #tpu.memory_space<hbm>>) target(%dma_start3A_205 : memref<64x128xf32, #tpu.memory_space<vmem>>) offsets(%dma_start3A_210 : memref<64xi32, #tpu.memory_space<vmem>>) semaphore(%arg11 : memref<!tpu.dma_semaphore, #tpu.memory_space<semaphore_mem>>)
      } else {
      }
      %mul3A_153 = arith.constant 2 : i32
      %mul3A_154 = arith.muli %scan3A_121, %mul3A_153 : i32
      %add3A_155 = arith.constant 1 : i32
      %add3A_156 = arith.addi %mul3A_154, %add3A_155 : i32
      %dma_wait3A_157 = arith.constant 128 : i32
      %dma_wait3A_158 = arith.constant 0 : i32
      %dma_wait3A_159 = tpu.memref_slice %arg8[%dma_wait3A_157, %dma_wait3A_158] : memref<256x128xf32, #tpu.memory_space<vmem>> -> memref<64x128xf32, #tpu.memory_space<vmem>>
      %dma_wait3A_160 = arith.constant 0 : i32
      %dma_wait3A_161 = arith.constant 0 : i32
      %dma_wait3A_162 = tpu.memref_slice %arg2[%dma_wait3A_160, %dma_wait3A_161] : memref<10240x128xf32, #tpu.memory_space<hbm>> -> memref<64x128xf32, #tpu.memory_space<hbm>>
      %dma_wait3A_163 = arith.constant 128 : i32
      %dma_wait3A_164 = arith.constant 0 : i32
      %dma_wait3A_165 = tpu.memref_slice %arg8[%dma_wait3A_163, %dma_wait3A_164] : memref<256x128xf32, #tpu.memory_space<vmem>> -> memref<64x128xf32, #tpu.memory_space<vmem>>
      %dma_wait3A_166 = arith.constant 0 : i32
      %dma_wait3A_167 = arith.constant 0 : i32
      %dma_wait3A_168 = tpu.memref_slice %arg2[%dma_wait3A_166, %dma_wait3A_167] : memref<10240x128xf32, #tpu.memory_space<hbm>> -> memref<64x128xf32, #tpu.memory_space<hbm>>
      tpu.wait_dma2 semaphore(%arg12 : memref<!tpu.dma_semaphore, #tpu.memory_space<semaphore_mem>>) src(%dma_wait3A_168 : memref<64x128xf32, #tpu.memory_space<hbm>>) dst(%dma_wait3A_165 : memref<64x128xf32, #tpu.memory_space<vmem>>)
      %dma_wait3A_169 = arith.constant 192 : i32
      %dma_wait3A_170 = arith.constant 0 : i32
      %dma_wait3A_171 = tpu.memref_slice %arg8[%dma_wait3A_169, %dma_wait3A_170] : memref<256x128xf32, #tpu.memory_space<vmem>> -> memref<64x128xf32, #tpu.memory_space<vmem>>
      %dma_wait3A_172 = arith.constant 0 : i32
      %dma_wait3A_173 = arith.constant 0 : i32
      %dma_wait3A_174 = tpu.memref_slice %arg2[%dma_wait3A_172, %dma_wait3A_173] : memref<10240x128xf32, #tpu.memory_space<hbm>> -> memref<64x128xf32, #tpu.memory_space<hbm>>
      %dma_wait3A_175 = arith.constant 192 : i32
      %dma_wait3A_176 = arith.constant 0 : i32
      %dma_wait3A_177 = tpu.memref_slice %arg8[%dma_wait3A_175, %dma_wait3A_176] : memref<256x128xf32, #tpu.memory_space<vmem>> -> memref<64x128xf32, #tpu.memory_space<vmem>>
      %dma_wait3A_178 = arith.constant 0 : i32
      %dma_wait3A_179 = arith.constant 0 : i32
      %dma_wait3A_180 = tpu.memref_slice %arg2[%dma_wait3A_178, %dma_wait3A_179] : memref<10240x128xf32, #tpu.memory_space<hbm>> -> memref<64x128xf32, #tpu.memory_space<hbm>>
      tpu.wait_dma2 semaphore(%arg13 : memref<!tpu.dma_semaphore, #tpu.memory_space<semaphore_mem>>) src(%dma_wait3A_180 : memref<64x128xf32, #tpu.memory_space<hbm>>) dst(%dma_wait3A_177 : memref<64x128xf32, #tpu.memory_space<vmem>>)
      "tpu.region"() ({
        %run_scoped3A_188 = tpu.sem_alloc : memref<!tpu.dma_semaphore, #tpu.memory_space<semaphore_mem>>
        %dma_start3A_189 = arith.constant 128 : i32
        %dma_start3A_190 = arith.constant 0 : i32
        %dma_start3A_191 = tpu.memref_slice %arg8[%dma_start3A_189, %dma_start3A_190] : memref<256x128xf32, #tpu.memory_space<vmem>> -> memref<128x128xf32, #tpu.memory_space<vmem>>
        %dma_start3A_192 = arith.constant 0 : i32
        %dma_start3A_193 = tpu.memref_slice %arg7[%add3A_156, %dma_start3A_192] : memref<40x128xi32, #tpu.memory_space<vmem>> -> memref<1x128xi32, #tpu.memory_space<vmem>>
        %dma_start3A_194 = tpu.memref_squeeze %dma_start3A_193 : memref<1x128xi32, #tpu.memory_space<vmem>> -> memref<128xi32, #tpu.memory_space<vmem>>
        %dma_start3A_195 = arith.constant 0 : i32
        %dma_start3A_196 = arith.constant 0 : i32
        %dma_start3A_197 = tpu.memref_slice %arg9[%dma_start3A_195, %dma_start3A_196] : memref<10240x128xf32, #tpu.memory_space<vmem_shared>> -> memref<10240x128xf32, #tpu.memory_space<vmem_shared>>
        tpu.enqueue_indirect_dma source(%dma_start3A_191 : memref<128x128xf32, #tpu.memory_space<vmem>>) target(%dma_start3A_197 : memref<10240x128xf32, #tpu.memory_space<vmem_shared>>) offsets(%dma_start3A_194 : memref<128xi32, #tpu.memory_space<vmem>>) semaphore(%run_scoped3A_188 : memref<!tpu.dma_semaphore, #tpu.memory_space<semaphore_mem>>) {add = true}
        %dma_wait3A_198 = arith.constant 128 : i32
        %dma_wait3A_199 = arith.constant 0 : i32
        %dma_wait3A_200 = tpu.memref_slice %arg8[%dma_wait3A_198, %dma_wait3A_199] : memref<256x128xf32, #tpu.memory_space<vmem>> -> memref<128x128xf32, #tpu.memory_space<vmem>>
        %dma_wait3A_201 = arith.constant 0 : i32
        %dma_wait3A_202 = tpu.memref_slice %arg7[%add3A_156, %dma_wait3A_201] : memref<40x128xi32, #tpu.memory_space<vmem>> -> memref<1x128xi32, #tpu.memory_space<vmem>>
        %dma_wait3A_203 = tpu.memref_squeeze %dma_wait3A_202 : memref<1x128xi32, #tpu.memory_space<vmem>> -> memref<128xi32, #tpu.memory_space<vmem>>
        %dma_wait3A_204 = arith.constant 0 : i32
        %dma_wait3A_205 = arith.constant 0 : i32
        %dma_wait3A_206 = tpu.memref_slice %arg9[%dma_wait3A_204, %dma_wait3A_205] : memref<10240x128xf32, #tpu.memory_space<vmem_shared>> -> memref<10240x128xf32, #tpu.memory_space<vmem_shared>>
        tpu.wait_indirect_dma semaphore(%run_scoped3A_188 : memref<!tpu.dma_semaphore, #tpu.memory_space<semaphore_mem>>) src(%dma_wait3A_200 : memref<128x128xf32, #tpu.memory_space<vmem>>) dst(%dma_wait3A_206 : memref<10240x128xf32, #tpu.memory_space<vmem_shared>>)
        tpu.yield
      }) : () -> ()
      %add3A_181 = arith.constant 2 : i32
      %add3A_182 = arith.addi %add3A_156, %add3A_181 : i32
      %lt3A_183 = arith.constant 40 : i32
      %lt3A_184 = arith.cmpi slt, %add3A_182, %lt3A_183 : i32
      %convert_element_type3A_185 = arith.extui %lt3A_184 : i1 to i32
      %cond3A_186 = arith.constant 0 : i32
      %cond3A_187 = arith.cmpi ne, %convert_element_type3A_185, %cond3A_186 : i32
      scf.if %cond3A_187 {
        %add3A_188 = arith.constant 2 : i32
        %add3A_189 = arith.addi %add3A_156, %add3A_188 : i32
        %dma_start3A_190 = arith.constant 128 : i32
        %dma_start3A_191 = arith.constant 0 : i32
        %dma_start3A_192 = tpu.memref_slice %arg8[%dma_start3A_190, %dma_start3A_191] : memref<256x128xf32, #tpu.memory_space<vmem>> -> memref<64x128xf32, #tpu.memory_space<vmem>>
        %dma_start3A_193 = arith.constant 0 : i32
        %dma_start3A_194 = tpu.memref_slice %arg6[%add3A_189, %dma_start3A_193] : memref<40x128xi32, #tpu.memory_space<vmem>> -> memref<1x128xi32, #tpu.memory_space<vmem>>
        %dma_start3A_195 = tpu.memref_squeeze %dma_start3A_194 : memref<1x128xi32, #tpu.memory_space<vmem>> -> memref<128xi32, #tpu.memory_space<vmem>>
        %dma_start3A_196 = arith.constant 0 : i32
        %dma_start3A_197 = tpu.memref_slice %dma_start3A_195[%dma_start3A_196] : memref<128xi32, #tpu.memory_space<vmem>> -> memref<64xi32, #tpu.memory_space<vmem>>
        %dma_start3A_198 = arith.constant 0 : i32
        %dma_start3A_199 = arith.constant 0 : i32
        %dma_start3A_200 = tpu.memref_slice %arg2[%dma_start3A_198, %dma_start3A_199] : memref<10240x128xf32, #tpu.memory_space<hbm>> -> memref<10240x128xf32, #tpu.memory_space<hbm>>
        tpu.enqueue_indirect_dma source(%dma_start3A_200 : memref<10240x128xf32, #tpu.memory_space<hbm>>) target(%dma_start3A_192 : memref<64x128xf32, #tpu.memory_space<vmem>>) offsets(%dma_start3A_197 : memref<64xi32, #tpu.memory_space<vmem>>) semaphore(%arg12 : memref<!tpu.dma_semaphore, #tpu.memory_space<semaphore_mem>>)
        %add3A_201 = arith.constant 2 : i32
        %add3A_202 = arith.addi %add3A_156, %add3A_201 : i32
        %dma_start3A_203 = arith.constant 192 : i32
        %dma_start3A_204 = arith.constant 0 : i32
        %dma_start3A_205 = tpu.memref_slice %arg8[%dma_start3A_203, %dma_start3A_204] : memref<256x128xf32, #tpu.memory_space<vmem>> -> memref<64x128xf32, #tpu.memory_space<vmem>>
        %dma_start3A_206 = arith.constant 0 : i32
        %dma_start3A_207 = tpu.memref_slice %arg6[%add3A_202, %dma_start3A_206] : memref<40x128xi32, #tpu.memory_space<vmem>> -> memref<1x128xi32, #tpu.memory_space<vmem>>
        %dma_start3A_208 = tpu.memref_squeeze %dma_start3A_207 : memref<1x128xi32, #tpu.memory_space<vmem>> -> memref<128xi32, #tpu.memory_space<vmem>>
        %dma_start3A_209 = arith.constant 64 : i32
        %dma_start3A_210 = tpu.memref_slice %dma_start3A_208[%dma_start3A_209] : memref<128xi32, #tpu.memory_space<vmem>> -> memref<64xi32, #tpu.memory_space<vmem>>
        %dma_start3A_211 = arith.constant 0 : i32
        %dma_start3A_212 = arith.constant 0 : i32
        %dma_start3A_213 = tpu.memref_slice %arg2[%dma_start3A_211, %dma_start3A_212] : memref<10240x128xf32, #tpu.memory_space<hbm>> -> memref<10240x128xf32, #tpu.memory_space<hbm>>
        tpu.enqueue_indirect_dma source(%dma_start3A_213 : memref<10240x128xf32, #tpu.memory_space<hbm>>) target(%dma_start3A_205 : memref<64x128xf32, #tpu.memory_space<vmem>>) offsets(%dma_start3A_210 : memref<64xi32, #tpu.memory_space<vmem>>) semaphore(%arg13 : memref<!tpu.dma_semaphore, #tpu.memory_space<semaphore_mem>>)
      } else {
      }
    }
    %scan3A_59 = arith.constant 20 : i32
    %mul3A_60 = arith.constant 80 : i32
    %mul3A_61 = arith.muli %add3A, %mul3A_60 : i32
    %add3A_62 = arith.constant 40 : i32
    %add3A_63 = arith.addi %mul3A_61, %add3A_62 : i32
    %run_scoped3A_64 = arith.constant 0 : i32
    "tpu.region"() ({
      %run_scoped3A_121 = tpu.sem_alloc : memref<!tpu.dma_semaphore, #tpu.memory_space<semaphore_mem>>
      %dma_start3A_122 = arith.constant 0 : i32
      %dma_start3A_123 = arith.constant 0 : i32
      %dma_start3A_124 = tpu.memref_slice %arg3[%run_scoped3A_64, %dma_start3A_122, %dma_start3A_123] : memref<2x2560x128xi32, #tpu.memory_space<hbm>> -> memref<1x2560x128xi32, #tpu.memory_space<hbm>>
      %dma_start3A_125 = tpu.memref_squeeze %dma_start3A_124 : memref<1x2560x128xi32, #tpu.memory_space<hbm>> -> memref<2560x128xi32, #tpu.memory_space<hbm>>
      %dma_start3A_126 = arith.constant 0 : i32
      %dma_start3A_127 = tpu.memref_slice %dma_start3A_125[%add3A_63, %dma_start3A_126] : memref<2560x128xi32, #tpu.memory_space<hbm>> -> memref<40x128xi32, #tpu.memory_space<hbm>>
      %dma_start3A_128 = arith.constant 0 : i32
      %dma_start3A_129 = arith.constant 0 : i32
      %dma_start3A_130 = tpu.memref_slice %arg3[%run_scoped3A_64, %dma_start3A_128, %dma_start3A_129] : memref<2x2560x128xi32, #tpu.memory_space<hbm>> -> memref<1x2560x128xi32, #tpu.memory_space<hbm>>
      %dma_start3A_131 = tpu.memref_squeeze %dma_start3A_130 : memref<1x2560x128xi32, #tpu.memory_space<hbm>> -> memref<2560x128xi32, #tpu.memory_space<hbm>>
      %dma_start3A_132 = arith.constant 0 : i32
      %dma_start3A_133 = tpu.memref_slice %dma_start3A_131[%add3A_63, %dma_start3A_132] : memref<2560x128xi32, #tpu.memory_space<hbm>> -> memref<40x128xi32, #tpu.memory_space<hbm>>
      tpu.enqueue_dma source(%dma_start3A_133 : memref<40x128xi32, #tpu.memory_space<hbm>>) target(%arg6 : memref<40x128xi32, #tpu.memory_space<vmem>>) target_semaphore(%run_scoped3A_121 : memref<!tpu.dma_semaphore, #tpu.memory_space<semaphore_mem>>)
      %dma_wait3A = arith.constant 0 : i32
      %dma_wait3A_134 = arith.constant 0 : i32
      %dma_wait3A_135 = tpu.memref_slice %arg3[%run_scoped3A_64, %dma_wait3A, %dma_wait3A_134] : memref<2x2560x128xi32, #tpu.memory_space<hbm>> -> memref<1x2560x128xi32, #tpu.memory_space<hbm>>
      %dma_wait3A_136 = tpu.memref_squeeze %dma_wait3A_135 : memref<1x2560x128xi32, #tpu.memory_space<hbm>> -> memref<2560x128xi32, #tpu.memory_space<hbm>>
      %dma_wait3A_137 = arith.constant 0 : i32
      %dma_wait3A_138 = tpu.memref_slice %dma_wait3A_136[%add3A_63, %dma_wait3A_137] : memref<2560x128xi32, #tpu.memory_space<hbm>> -> memref<40x128xi32, #tpu.memory_space<hbm>>
      %dma_wait3A_139 = arith.constant 0 : i32
      %dma_wait3A_140 = arith.constant 0 : i32
      %dma_wait3A_141 = tpu.memref_slice %arg3[%run_scoped3A_64, %dma_wait3A_139, %dma_wait3A_140] : memref<2x2560x128xi32, #tpu.memory_space<hbm>> -> memref<1x2560x128xi32, #tpu.memory_space<hbm>>
      %dma_wait3A_142 = tpu.memref_squeeze %dma_wait3A_141 : memref<1x2560x128xi32, #tpu.memory_space<hbm>> -> memref<2560x128xi32, #tpu.memory_space<hbm>>
      %dma_wait3A_143 = arith.constant 0 : i32
      %dma_wait3A_144 = tpu.memref_slice %dma_wait3A_142[%add3A_63, %dma_wait3A_143] : memref<2560x128xi32, #tpu.memory_space<hbm>> -> memref<40x128xi32, #tpu.memory_space<hbm>>
      tpu.wait_dma2 semaphore(%run_scoped3A_121 : memref<!tpu.dma_semaphore, #tpu.memory_space<semaphore_mem>>) src(%dma_wait3A_144 : memref<40x128xi32, #tpu.memory_space<hbm>>) dst(%arg6 : memref<40x128xi32, #tpu.memory_space<vmem>>)
      tpu.yield
    }) : () -> ()
    %run_scoped3A_65 = arith.constant 1 : i32
    "tpu.region"() ({
      %run_scoped3A_121 = tpu.sem_alloc : memref<!tpu.dma_semaphore, #tpu.memory_space<semaphore_mem>>
      %dma_start3A_122 = arith.constant 0 : i32
      %dma_start3A_123 = arith.constant 0 : i32
      %dma_start3A_124 = tpu.memref_slice %arg3[%run_scoped3A_65, %dma_start3A_122, %dma_start3A_123] : memref<2x2560x128xi32, #tpu.memory_space<hbm>> -> memref<1x2560x128xi32, #tpu.memory_space<hbm>>
      %dma_start3A_125 = tpu.memref_squeeze %dma_start3A_124 : memref<1x2560x128xi32, #tpu.memory_space<hbm>> -> memref<2560x128xi32, #tpu.memory_space<hbm>>
      %dma_start3A_126 = arith.constant 0 : i32
      %dma_start3A_127 = tpu.memref_slice %dma_start3A_125[%add3A_63, %dma_start3A_126] : memref<2560x128xi32, #tpu.memory_space<hbm>> -> memref<40x128xi32, #tpu.memory_space<hbm>>
      %dma_start3A_128 = arith.constant 0 : i32
      %dma_start3A_129 = arith.constant 0 : i32
      %dma_start3A_130 = tpu.memref_slice %arg3[%run_scoped3A_65, %dma_start3A_128, %dma_start3A_129] : memref<2x2560x128xi32, #tpu.memory_space<hbm>> -> memref<1x2560x128xi32, #tpu.memory_space<hbm>>
      %dma_start3A_131 = tpu.memref_squeeze %dma_start3A_130 : memref<1x2560x128xi32, #tpu.memory_space<hbm>> -> memref<2560x128xi32, #tpu.memory_space<hbm>>
      %dma_start3A_132 = arith.constant 0 : i32
      %dma_start3A_133 = tpu.memref_slice %dma_start3A_131[%add3A_63, %dma_start3A_132] : memref<2560x128xi32, #tpu.memory_space<hbm>> -> memref<40x128xi32, #tpu.memory_space<hbm>>
      tpu.enqueue_dma source(%dma_start3A_133 : memref<40x128xi32, #tpu.memory_space<hbm>>) target(%arg7 : memref<40x128xi32, #tpu.memory_space<vmem>>) target_semaphore(%run_scoped3A_121 : memref<!tpu.dma_semaphore, #tpu.memory_space<semaphore_mem>>)
      %dma_wait3A = arith.constant 0 : i32
      %dma_wait3A_134 = arith.constant 0 : i32
      %dma_wait3A_135 = tpu.memref_slice %arg3[%run_scoped3A_65, %dma_wait3A, %dma_wait3A_134] : memref<2x2560x128xi32, #tpu.memory_space<hbm>> -> memref<1x2560x128xi32, #tpu.memory_space<hbm>>
      %dma_wait3A_136 = tpu.memref_squeeze %dma_wait3A_135 : memref<1x2560x128xi32, #tpu.memory_space<hbm>> -> memref<2560x128xi32, #tpu.memory_space<hbm>>
      %dma_wait3A_137 = arith.constant 0 : i32
      %dma_wait3A_138 = tpu.memref_slice %dma_wait3A_136[%add3A_63, %dma_wait3A_137] : memref<2560x128xi32, #tpu.memory_space<hbm>> -> memref<40x128xi32, #tpu.memory_space<hbm>>
      %dma_wait3A_139 = arith.constant 0 : i32
      %dma_wait3A_140 = arith.constant 0 : i32
      %dma_wait3A_141 = tpu.memref_slice %arg3[%run_scoped3A_65, %dma_wait3A_139, %dma_wait3A_140] : memref<2x2560x128xi32, #tpu.memory_space<hbm>> -> memref<1x2560x128xi32, #tpu.memory_space<hbm>>
      %dma_wait3A_142 = tpu.memref_squeeze %dma_wait3A_141 : memref<1x2560x128xi32, #tpu.memory_space<hbm>> -> memref<2560x128xi32, #tpu.memory_space<hbm>>
      %dma_wait3A_143 = arith.constant 0 : i32
      %dma_wait3A_144 = tpu.memref_slice %dma_wait3A_142[%add3A_63, %dma_wait3A_143] : memref<2560x128xi32, #tpu.memory_space<hbm>> -> memref<40x128xi32, #tpu.memory_space<hbm>>
      tpu.wait_dma2 semaphore(%run_scoped3A_121 : memref<!tpu.dma_semaphore, #tpu.memory_space<semaphore_mem>>) src(%dma_wait3A_144 : memref<40x128xi32, #tpu.memory_space<hbm>>) dst(%arg7 : memref<40x128xi32, #tpu.memory_space<vmem>>)
      tpu.yield
    }) : () -> ()
    %dma_start3A_66 = arith.constant 0 : i32
    %dma_start3A_67 = arith.constant 0 : i32
    %dma_start3A_68 = arith.constant 0 : i32
    %dma_start3A_69 = tpu.memref_slice %arg8[%dma_start3A_67, %dma_start3A_68] : memref<256x128xf32, #tpu.memory_space<vmem>> -> memref<64x128xf32, #tpu.memory_space<vmem>>
    %dma_start3A_70 = arith.constant 0 : i32
    %dma_start3A_71 = tpu.memref_slice %arg6[%dma_start3A_66, %dma_start3A_70] : memref<40x128xi32, #tpu.memory_space<vmem>> -> memref<1x128xi32, #tpu.memory_space<vmem>>
    %dma_start3A_72 = tpu.memref_squeeze %dma_start3A_71 : memref<1x128xi32, #tpu.memory_space<vmem>> -> memref<128xi32, #tpu.memory_space<vmem>>
    %dma_start3A_73 = arith.constant 0 : i32
    %dma_start3A_74 = tpu.memref_slice %dma_start3A_72[%dma_start3A_73] : memref<128xi32, #tpu.memory_space<vmem>> -> memref<64xi32, #tpu.memory_space<vmem>>
    %dma_start3A_75 = arith.constant 0 : i32
    %dma_start3A_76 = arith.constant 0 : i32
    %dma_start3A_77 = tpu.memref_slice %arg2[%dma_start3A_75, %dma_start3A_76] : memref<10240x128xf32, #tpu.memory_space<hbm>> -> memref<10240x128xf32, #tpu.memory_space<hbm>>
    tpu.enqueue_indirect_dma source(%dma_start3A_77 : memref<10240x128xf32, #tpu.memory_space<hbm>>) target(%dma_start3A_69 : memref<64x128xf32, #tpu.memory_space<vmem>>) offsets(%dma_start3A_74 : memref<64xi32, #tpu.memory_space<vmem>>) semaphore(%arg10 : memref<!tpu.dma_semaphore, #tpu.memory_space<semaphore_mem>>)
    %dma_start3A_78 = arith.constant 0 : i32
    %dma_start3A_79 = arith.constant 64 : i32
    %dma_start3A_80 = arith.constant 0 : i32
    %dma_start3A_81 = tpu.memref_slice %arg8[%dma_start3A_79, %dma_start3A_80] : memref<256x128xf32, #tpu.memory_space<vmem>> -> memref<64x128xf32, #tpu.memory_space<vmem>>
    %dma_start3A_82 = arith.constant 0 : i32
    %dma_start3A_83 = tpu.memref_slice %arg6[%dma_start3A_78, %dma_start3A_82] : memref<40x128xi32, #tpu.memory_space<vmem>> -> memref<1x128xi32, #tpu.memory_space<vmem>>
    %dma_start3A_84 = tpu.memref_squeeze %dma_start3A_83 : memref<1x128xi32, #tpu.memory_space<vmem>> -> memref<128xi32, #tpu.memory_space<vmem>>
    %dma_start3A_85 = arith.constant 64 : i32
    %dma_start3A_86 = tpu.memref_slice %dma_start3A_84[%dma_start3A_85] : memref<128xi32, #tpu.memory_space<vmem>> -> memref<64xi32, #tpu.memory_space<vmem>>
    %dma_start3A_87 = arith.constant 0 : i32
    %dma_start3A_88 = arith.constant 0 : i32
    %dma_start3A_89 = tpu.memref_slice %arg2[%dma_start3A_87, %dma_start3A_88] : memref<10240x128xf32, #tpu.memory_space<hbm>> -> memref<10240x128xf32, #tpu.memory_space<hbm>>
    tpu.enqueue_indirect_dma source(%dma_start3A_89 : memref<10240x128xf32, #tpu.memory_space<hbm>>) target(%dma_start3A_81 : memref<64x128xf32, #tpu.memory_space<vmem>>) offsets(%dma_start3A_86 : memref<64xi32, #tpu.memory_space<vmem>>) semaphore(%arg11 : memref<!tpu.dma_semaphore, #tpu.memory_space<semaphore_mem>>)
    %dma_start3A_90 = arith.constant 1 : i32
    %dma_start3A_91 = arith.constant 128 : i32
    %dma_start3A_92 = arith.constant 0 : i32
    %dma_start3A_93 = tpu.memref_slice %arg8[%dma_start3A_91, %dma_start3A_92] : memref<256x128xf32, #tpu.memory_space<vmem>> -> memref<64x128xf32, #tpu.memory_space<vmem>>
    %dma_start3A_94 = arith.constant 0 : i32
    %dma_start3A_95 = tpu.memref_slice %arg6[%dma_start3A_90, %dma_start3A_94] : memref<40x128xi32, #tpu.memory_space<vmem>> -> memref<1x128xi32, #tpu.memory_space<vmem>>
    %dma_start3A_96 = tpu.memref_squeeze %dma_start3A_95 : memref<1x128xi32, #tpu.memory_space<vmem>> -> memref<128xi32, #tpu.memory_space<vmem>>
    %dma_start3A_97 = arith.constant 0 : i32
    %dma_start3A_98 = tpu.memref_slice %dma_start3A_96[%dma_start3A_97] : memref<128xi32, #tpu.memory_space<vmem>> -> memref<64xi32, #tpu.memory_space<vmem>>
    %dma_start3A_99 = arith.constant 0 : i32
    %dma_start3A_100 = arith.constant 0 : i32
    %dma_start3A_101 = tpu.memref_slice %arg2[%dma_start3A_99, %dma_start3A_100] : memref<10240x128xf32, #tpu.memory_space<hbm>> -> memref<10240x128xf32, #tpu.memory_space<hbm>>
    tpu.enqueue_indirect_dma source(%dma_start3A_101 : memref<10240x128xf32, #tpu.memory_space<hbm>>) target(%dma_start3A_93 : memref<64x128xf32, #tpu.memory_space<vmem>>) offsets(%dma_start3A_98 : memref<64xi32, #tpu.memory_space<vmem>>) semaphore(%arg12 : memref<!tpu.dma_semaphore, #tpu.memory_space<semaphore_mem>>)
    %dma_start3A_102 = arith.constant 1 : i32
    %dma_start3A_103 = arith.constant 192 : i32
    %dma_start3A_104 = arith.constant 0 : i32
    %dma_start3A_105 = tpu.memref_slice %arg8[%dma_start3A_103, %dma_start3A_104] : memref<256x128xf32, #tpu.memory_space<vmem>> -> memref<64x128xf32, #tpu.memory_space<vmem>>
    %dma_start3A_106 = arith.constant 0 : i32
    %dma_start3A_107 = tpu.memref_slice %arg6[%dma_start3A_102, %dma_start3A_106] : memref<40x128xi32, #tpu.memory_space<vmem>> -> memref<1x128xi32, #tpu.memory_space<vmem>>
    %dma_start3A_108 = tpu.memref_squeeze %dma_start3A_107 : memref<1x128xi32, #tpu.memory_space<vmem>> -> memref<128xi32, #tpu.memory_space<vmem>>
    %dma_start3A_109 = arith.constant 64 : i32
    %dma_start3A_110 = tpu.memref_slice %dma_start3A_108[%dma_start3A_109] : memref<128xi32, #tpu.memory_space<vmem>> -> memref<64xi32, #tpu.memory_space<vmem>>
    %dma_start3A_111 = arith.constant 0 : i32
    %dma_start3A_112 = arith.constant 0 : i32
    %dma_start3A_113 = tpu.memref_slice %arg2[%dma_start3A_111, %dma_start3A_112] : memref<10240x128xf32, #tpu.memory_space<hbm>> -> memref<10240x128xf32, #tpu.memory_space<hbm>>
    tpu.enqueue_indirect_dma source(%dma_start3A_113 : memref<10240x128xf32, #tpu.memory_space<hbm>>) target(%dma_start3A_105 : memref<64x128xf32, #tpu.memory_space<vmem>>) offsets(%dma_start3A_110 : memref<64xi32, #tpu.memory_space<vmem>>) semaphore(%arg13 : memref<!tpu.dma_semaphore, #tpu.memory_space<semaphore_mem>>)
    %scan3A_114 = arith.constant 0 : i32
    %scan3A_115 = arith.constant 0 : i32
    %scan3A_116 = arith.constant 20 : i32
    %scan3A_117 = arith.addi %scan3A_115, %scan3A_116 : i32
    %scan3A_118 = arith.constant 1 : i32
    scf.for %scan3A_121 = %scan3A_115 to %scan3A_117 step %scan3A_118  : i32 {
      %mul3A_122 = arith.constant 2 : i32
      %mul3A_123 = arith.muli %scan3A_121, %mul3A_122 : i32
      %add3A_124 = arith.constant 0 : i32
      %add3A_125 = arith.addi %mul3A_123, %add3A_124 : i32
      %dma_wait3A = arith.constant 0 : i32
      %dma_wait3A_126 = arith.constant 0 : i32
      %dma_wait3A_127 = tpu.memref_slice %arg8[%dma_wait3A, %dma_wait3A_126] : memref<256x128xf32, #tpu.memory_space<vmem>> -> memref<64x128xf32, #tpu.memory_space<vmem>>
      %dma_wait3A_128 = arith.constant 0 : i32
      %dma_wait3A_129 = arith.constant 0 : i32
      %dma_wait3A_130 = tpu.memref_slice %arg2[%dma_wait3A_128, %dma_wait3A_129] : memref<10240x128xf32, #tpu.memory_space<hbm>> -> memref<64x128xf32, #tpu.memory_space<hbm>>
      %dma_wait3A_131 = arith.constant 0 : i32
      %dma_wait3A_132 = arith.constant 0 : i32
      %dma_wait3A_133 = tpu.memref_slice %arg8[%dma_wait3A_131, %dma_wait3A_132] : memref<256x128xf32, #tpu.memory_space<vmem>> -> memref<64x128xf32, #tpu.memory_space<vmem>>
      %dma_wait3A_134 = arith.constant 0 : i32
      %dma_wait3A_135 = arith.constant 0 : i32
      %dma_wait3A_136 = tpu.memref_slice %arg2[%dma_wait3A_134, %dma_wait3A_135] : memref<10240x128xf32, #tpu.memory_space<hbm>> -> memref<64x128xf32, #tpu.memory_space<hbm>>
      tpu.wait_dma2 semaphore(%arg10 : memref<!tpu.dma_semaphore, #tpu.memory_space<semaphore_mem>>) src(%dma_wait3A_136 : memref<64x128xf32, #tpu.memory_space<hbm>>) dst(%dma_wait3A_133 : memref<64x128xf32, #tpu.memory_space<vmem>>)
      %dma_wait3A_137 = arith.constant 64 : i32
      %dma_wait3A_138 = arith.constant 0 : i32
      %dma_wait3A_139 = tpu.memref_slice %arg8[%dma_wait3A_137, %dma_wait3A_138] : memref<256x128xf32, #tpu.memory_space<vmem>> -> memref<64x128xf32, #tpu.memory_space<vmem>>
      %dma_wait3A_140 = arith.constant 0 : i32
      %dma_wait3A_141 = arith.constant 0 : i32
      %dma_wait3A_142 = tpu.memref_slice %arg2[%dma_wait3A_140, %dma_wait3A_141] : memref<10240x128xf32, #tpu.memory_space<hbm>> -> memref<64x128xf32, #tpu.memory_space<hbm>>
      %dma_wait3A_143 = arith.constant 64 : i32
      %dma_wait3A_144 = arith.constant 0 : i32
      %dma_wait3A_145 = tpu.memref_slice %arg8[%dma_wait3A_143, %dma_wait3A_144] : memref<256x128xf32, #tpu.memory_space<vmem>> -> memref<64x128xf32, #tpu.memory_space<vmem>>
      %dma_wait3A_146 = arith.constant 0 : i32
      %dma_wait3A_147 = arith.constant 0 : i32
      %dma_wait3A_148 = tpu.memref_slice %arg2[%dma_wait3A_146, %dma_wait3A_147] : memref<10240x128xf32, #tpu.memory_space<hbm>> -> memref<64x128xf32, #tpu.memory_space<hbm>>
      tpu.wait_dma2 semaphore(%arg11 : memref<!tpu.dma_semaphore, #tpu.memory_space<semaphore_mem>>) src(%dma_wait3A_148 : memref<64x128xf32, #tpu.memory_space<hbm>>) dst(%dma_wait3A_145 : memref<64x128xf32, #tpu.memory_space<vmem>>)
      "tpu.region"() ({
        %run_scoped3A_188 = tpu.sem_alloc : memref<!tpu.dma_semaphore, #tpu.memory_space<semaphore_mem>>
        %dma_start3A_189 = arith.constant 0 : i32
        %dma_start3A_190 = arith.constant 0 : i32
        %dma_start3A_191 = tpu.memref_slice %arg8[%dma_start3A_189, %dma_start3A_190] : memref<256x128xf32, #tpu.memory_space<vmem>> -> memref<128x128xf32, #tpu.memory_space<vmem>>
        %dma_start3A_192 = arith.constant 0 : i32
        %dma_start3A_193 = tpu.memref_slice %arg7[%add3A_125, %dma_start3A_192] : memref<40x128xi32, #tpu.memory_space<vmem>> -> memref<1x128xi32, #tpu.memory_space<vmem>>
        %dma_start3A_194 = tpu.memref_squeeze %dma_start3A_193 : memref<1x128xi32, #tpu.memory_space<vmem>> -> memref<128xi32, #tpu.memory_space<vmem>>
        %dma_start3A_195 = arith.constant 0 : i32
        %dma_start3A_196 = arith.constant 0 : i32
        %dma_start3A_197 = tpu.memref_slice %arg9[%dma_start3A_195, %dma_start3A_196] : memref<10240x128xf32, #tpu.memory_space<vmem_shared>> -> memref<10240x128xf32, #tpu.memory_space<vmem_shared>>
        tpu.enqueue_indirect_dma source(%dma_start3A_191 : memref<128x128xf32, #tpu.memory_space<vmem>>) target(%dma_start3A_197 : memref<10240x128xf32, #tpu.memory_space<vmem_shared>>) offsets(%dma_start3A_194 : memref<128xi32, #tpu.memory_space<vmem>>) semaphore(%run_scoped3A_188 : memref<!tpu.dma_semaphore, #tpu.memory_space<semaphore_mem>>) {add = true}
        %dma_wait3A_198 = arith.constant 0 : i32
        %dma_wait3A_199 = arith.constant 0 : i32
        %dma_wait3A_200 = tpu.memref_slice %arg8[%dma_wait3A_198, %dma_wait3A_199] : memref<256x128xf32, #tpu.memory_space<vmem>> -> memref<128x128xf32, #tpu.memory_space<vmem>>
        %dma_wait3A_201 = arith.constant 0 : i32
        %dma_wait3A_202 = tpu.memref_slice %arg7[%add3A_125, %dma_wait3A_201] : memref<40x128xi32, #tpu.memory_space<vmem>> -> memref<1x128xi32, #tpu.memory_space<vmem>>
        %dma_wait3A_203 = tpu.memref_squeeze %dma_wait3A_202 : memref<1x128xi32, #tpu.memory_space<vmem>> -> memref<128xi32, #tpu.memory_space<vmem>>
        %dma_wait3A_204 = arith.constant 0 : i32
        %dma_wait3A_205 = arith.constant 0 : i32
        %dma_wait3A_206 = tpu.memref_slice %arg9[%dma_wait3A_204, %dma_wait3A_205] : memref<10240x128xf32, #tpu.memory_space<vmem_shared>> -> memref<10240x128xf32, #tpu.memory_space<vmem_shared>>
        tpu.wait_indirect_dma semaphore(%run_scoped3A_188 : memref<!tpu.dma_semaphore, #tpu.memory_space<semaphore_mem>>) src(%dma_wait3A_200 : memref<128x128xf32, #tpu.memory_space<vmem>>) dst(%dma_wait3A_206 : memref<10240x128xf32, #tpu.memory_space<vmem_shared>>)
        tpu.yield
      }) : () -> ()
      %add3A_149 = arith.constant 2 : i32
      %add3A_150 = arith.addi %add3A_125, %add3A_149 : i32
      %lt3A = arith.constant 40 : i32
      %lt3A_151 = arith.cmpi slt, %add3A_150, %lt3A : i32
      %convert_element_type3A = arith.extui %lt3A_151 : i1 to i32
      %cond3A = arith.constant 0 : i32
      %cond3A_152 = arith.cmpi ne, %convert_element_type3A, %cond3A : i32
      scf.if %cond3A_152 {
        %add3A_188 = arith.constant 2 : i32
        %add3A_189 = arith.addi %add3A_125, %add3A_188 : i32
        %dma_start3A_190 = arith.constant 0 : i32
        %dma_start3A_191 = arith.constant 0 : i32
        %dma_start3A_192 = tpu.memref_slice %arg8[%dma_start3A_190, %dma_start3A_191] : memref<256x128xf32, #tpu.memory_space<vmem>> -> memref<64x128xf32, #tpu.memory_space<vmem>>
        %dma_start3A_193 = arith.constant 0 : i32
        %dma_start3A_194 = tpu.memref_slice %arg6[%add3A_189, %dma_start3A_193] : memref<40x128xi32, #tpu.memory_space<vmem>> -> memref<1x128xi32, #tpu.memory_space<vmem>>
        %dma_start3A_195 = tpu.memref_squeeze %dma_start3A_194 : memref<1x128xi32, #tpu.memory_space<vmem>> -> memref<128xi32, #tpu.memory_space<vmem>>
        %dma_start3A_196 = arith.constant 0 : i32
        %dma_start3A_197 = tpu.memref_slice %dma_start3A_195[%dma_start3A_196] : memref<128xi32, #tpu.memory_space<vmem>> -> memref<64xi32, #tpu.memory_space<vmem>>
        %dma_start3A_198 = arith.constant 0 : i32
        %dma_start3A_199 = arith.constant 0 : i32
        %dma_start3A_200 = tpu.memref_slice %arg2[%dma_start3A_198, %dma_start3A_199] : memref<10240x128xf32, #tpu.memory_space<hbm>> -> memref<10240x128xf32, #tpu.memory_space<hbm>>
        tpu.enqueue_indirect_dma source(%dma_start3A_200 : memref<10240x128xf32, #tpu.memory_space<hbm>>) target(%dma_start3A_192 : memref<64x128xf32, #tpu.memory_space<vmem>>) offsets(%dma_start3A_197 : memref<64xi32, #tpu.memory_space<vmem>>) semaphore(%arg10 : memref<!tpu.dma_semaphore, #tpu.memory_space<semaphore_mem>>)
        %add3A_201 = arith.constant 2 : i32
        %add3A_202 = arith.addi %add3A_125, %add3A_201 : i32
        %dma_start3A_203 = arith.constant 64 : i32
        %dma_start3A_204 = arith.constant 0 : i32
        %dma_start3A_205 = tpu.memref_slice %arg8[%dma_start3A_203, %dma_start3A_204] : memref<256x128xf32, #tpu.memory_space<vmem>> -> memref<64x128xf32, #tpu.memory_space<vmem>>
        %dma_start3A_206 = arith.constant 0 : i32
        %dma_start3A_207 = tpu.memref_slice %arg6[%add3A_202, %dma_start3A_206] : memref<40x128xi32, #tpu.memory_space<vmem>> -> memref<1x128xi32, #tpu.memory_space<vmem>>
        %dma_start3A_208 = tpu.memref_squeeze %dma_start3A_207 : memref<1x128xi32, #tpu.memory_space<vmem>> -> memref<128xi32, #tpu.memory_space<vmem>>
        %dma_start3A_209 = arith.constant 64 : i32
        %dma_start3A_210 = tpu.memref_slice %dma_start3A_208[%dma_start3A_209] : memref<128xi32, #tpu.memory_space<vmem>> -> memref<64xi32, #tpu.memory_space<vmem>>
        %dma_start3A_211 = arith.constant 0 : i32
        %dma_start3A_212 = arith.constant 0 : i32
        %dma_start3A_213 = tpu.memref_slice %arg2[%dma_start3A_211, %dma_start3A_212] : memref<10240x128xf32, #tpu.memory_space<hbm>> -> memref<10240x128xf32, #tpu.memory_space<hbm>>
        tpu.enqueue_indirect_dma source(%dma_start3A_213 : memref<10240x128xf32, #tpu.memory_space<hbm>>) target(%dma_start3A_205 : memref<64x128xf32, #tpu.memory_space<vmem>>) offsets(%dma_start3A_210 : memref<64xi32, #tpu.memory_space<vmem>>) semaphore(%arg11 : memref<!tpu.dma_semaphore, #tpu.memory_space<semaphore_mem>>)
      } else {
      }
      %mul3A_153 = arith.constant 2 : i32
      %mul3A_154 = arith.muli %scan3A_121, %mul3A_153 : i32
      %add3A_155 = arith.constant 1 : i32
      %add3A_156 = arith.addi %mul3A_154, %add3A_155 : i32
      %dma_wait3A_157 = arith.constant 128 : i32
      %dma_wait3A_158 = arith.constant 0 : i32
      %dma_wait3A_159 = tpu.memref_slice %arg8[%dma_wait3A_157, %dma_wait3A_158] : memref<256x128xf32, #tpu.memory_space<vmem>> -> memref<64x128xf32, #tpu.memory_space<vmem>>
      %dma_wait3A_160 = arith.constant 0 : i32
      %dma_wait3A_161 = arith.constant 0 : i32
      %dma_wait3A_162 = tpu.memref_slice %arg2[%dma_wait3A_160, %dma_wait3A_161] : memref<10240x128xf32, #tpu.memory_space<hbm>> -> memref<64x128xf32, #tpu.memory_space<hbm>>
      %dma_wait3A_163 = arith.constant 128 : i32
      %dma_wait3A_164 = arith.constant 0 : i32
      %dma_wait3A_165 = tpu.memref_slice %arg8[%dma_wait3A_163, %dma_wait3A_164] : memref<256x128xf32, #tpu.memory_space<vmem>> -> memref<64x128xf32, #tpu.memory_space<vmem>>
      %dma_wait3A_166 = arith.constant 0 : i32
      %dma_wait3A_167 = arith.constant 0 : i32
      %dma_wait3A_168 = tpu.memref_slice %arg2[%dma_wait3A_166, %dma_wait3A_167] : memref<10240x128xf32, #tpu.memory_space<hbm>> -> memref<64x128xf32, #tpu.memory_space<hbm>>
      tpu.wait_dma2 semaphore(%arg12 : memref<!tpu.dma_semaphore, #tpu.memory_space<semaphore_mem>>) src(%dma_wait3A_168 : memref<64x128xf32, #tpu.memory_space<hbm>>) dst(%dma_wait3A_165 : memref<64x128xf32, #tpu.memory_space<vmem>>)
      %dma_wait3A_169 = arith.constant 192 : i32
      %dma_wait3A_170 = arith.constant 0 : i32
      %dma_wait3A_171 = tpu.memref_slice %arg8[%dma_wait3A_169, %dma_wait3A_170] : memref<256x128xf32, #tpu.memory_space<vmem>> -> memref<64x128xf32, #tpu.memory_space<vmem>>
      %dma_wait3A_172 = arith.constant 0 : i32
      %dma_wait3A_173 = arith.constant 0 : i32
      %dma_wait3A_174 = tpu.memref_slice %arg2[%dma_wait3A_172, %dma_wait3A_173] : memref<10240x128xf32, #tpu.memory_space<hbm>> -> memref<64x128xf32, #tpu.memory_space<hbm>>
      %dma_wait3A_175 = arith.constant 192 : i32
      %dma_wait3A_176 = arith.constant 0 : i32
      %dma_wait3A_177 = tpu.memref_slice %arg8[%dma_wait3A_175, %dma_wait3A_176] : memref<256x128xf32, #tpu.memory_space<vmem>> -> memref<64x128xf32, #tpu.memory_space<vmem>>
      %dma_wait3A_178 = arith.constant 0 : i32
      %dma_wait3A_179 = arith.constant 0 : i32
      %dma_wait3A_180 = tpu.memref_slice %arg2[%dma_wait3A_178, %dma_wait3A_179] : memref<10240x128xf32, #tpu.memory_space<hbm>> -> memref<64x128xf32, #tpu.memory_space<hbm>>
      tpu.wait_dma2 semaphore(%arg13 : memref<!tpu.dma_semaphore, #tpu.memory_space<semaphore_mem>>) src(%dma_wait3A_180 : memref<64x128xf32, #tpu.memory_space<hbm>>) dst(%dma_wait3A_177 : memref<64x128xf32, #tpu.memory_space<vmem>>)
      "tpu.region"() ({
        %run_scoped3A_188 = tpu.sem_alloc : memref<!tpu.dma_semaphore, #tpu.memory_space<semaphore_mem>>
        %dma_start3A_189 = arith.constant 128 : i32
        %dma_start3A_190 = arith.constant 0 : i32
        %dma_start3A_191 = tpu.memref_slice %arg8[%dma_start3A_189, %dma_start3A_190] : memref<256x128xf32, #tpu.memory_space<vmem>> -> memref<128x128xf32, #tpu.memory_space<vmem>>
        %dma_start3A_192 = arith.constant 0 : i32
        %dma_start3A_193 = tpu.memref_slice %arg7[%add3A_156, %dma_start3A_192] : memref<40x128xi32, #tpu.memory_space<vmem>> -> memref<1x128xi32, #tpu.memory_space<vmem>>
        %dma_start3A_194 = tpu.memref_squeeze %dma_start3A_193 : memref<1x128xi32, #tpu.memory_space<vmem>> -> memref<128xi32, #tpu.memory_space<vmem>>
        %dma_start3A_195 = arith.constant 0 : i32
        %dma_start3A_196 = arith.constant 0 : i32
        %dma_start3A_197 = tpu.memref_slice %arg9[%dma_start3A_195, %dma_start3A_196] : memref<10240x128xf32, #tpu.memory_space<vmem_shared>> -> memref<10240x128xf32, #tpu.memory_space<vmem_shared>>
        tpu.enqueue_indirect_dma source(%dma_start3A_191 : memref<128x128xf32, #tpu.memory_space<vmem>>) target(%dma_start3A_197 : memref<10240x128xf32, #tpu.memory_space<vmem_shared>>) offsets(%dma_start3A_194 : memref<128xi32, #tpu.memory_space<vmem>>) semaphore(%run_scoped3A_188 : memref<!tpu.dma_semaphore, #tpu.memory_space<semaphore_mem>>) {add = true}
        %dma_wait3A_198 = arith.constant 128 : i32
        %dma_wait3A_199 = arith.constant 0 : i32
        %dma_wait3A_200 = tpu.memref_slice %arg8[%dma_wait3A_198, %dma_wait3A_199] : memref<256x128xf32, #tpu.memory_space<vmem>> -> memref<128x128xf32, #tpu.memory_space<vmem>>
        %dma_wait3A_201 = arith.constant 0 : i32
        %dma_wait3A_202 = tpu.memref_slice %arg7[%add3A_156, %dma_wait3A_201] : memref<40x128xi32, #tpu.memory_space<vmem>> -> memref<1x128xi32, #tpu.memory_space<vmem>>
        %dma_wait3A_203 = tpu.memref_squeeze %dma_wait3A_202 : memref<1x128xi32, #tpu.memory_space<vmem>> -> memref<128xi32, #tpu.memory_space<vmem>>
        %dma_wait3A_204 = arith.constant 0 : i32
        %dma_wait3A_205 = arith.constant 0 : i32
        %dma_wait3A_206 = tpu.memref_slice %arg9[%dma_wait3A_204, %dma_wait3A_205] : memref<10240x128xf32, #tpu.memory_space<vmem_shared>> -> memref<10240x128xf32, #tpu.memory_space<vmem_shared>>
        tpu.wait_indirect_dma semaphore(%run_scoped3A_188 : memref<!tpu.dma_semaphore, #tpu.memory_space<semaphore_mem>>) src(%dma_wait3A_200 : memref<128x128xf32, #tpu.memory_space<vmem>>) dst(%dma_wait3A_206 : memref<10240x128xf32, #tpu.memory_space<vmem_shared>>)
        tpu.yield
      }) : () -> ()
      %add3A_181 = arith.constant 2 : i32
      %add3A_182 = arith.addi %add3A_156, %add3A_181 : i32
      %lt3A_183 = arith.constant 40 : i32
      %lt3A_184 = arith.cmpi slt, %add3A_182, %lt3A_183 : i32
      %convert_element_type3A_185 = arith.extui %lt3A_184 : i1 to i32
      %cond3A_186 = arith.constant 0 : i32
      %cond3A_187 = arith.cmpi ne, %convert_element_type3A_185, %cond3A_186 : i32
      scf.if %cond3A_187 {
        %add3A_188 = arith.constant 2 : i32
        %add3A_189 = arith.addi %add3A_156, %add3A_188 : i32
        %dma_start3A_190 = arith.constant 128 : i32
        %dma_start3A_191 = arith.constant 0 : i32
        %dma_start3A_192 = tpu.memref_slice %arg8[%dma_start3A_190, %dma_start3A_191] : memref<256x128xf32, #tpu.memory_space<vmem>> -> memref<64x128xf32, #tpu.memory_space<vmem>>
        %dma_start3A_193 = arith.constant 0 : i32
        %dma_start3A_194 = tpu.memref_slice %arg6[%add3A_189, %dma_start3A_193] : memref<40x128xi32, #tpu.memory_space<vmem>> -> memref<1x128xi32, #tpu.memory_space<vmem>>
        %dma_start3A_195 = tpu.memref_squeeze %dma_start3A_194 : memref<1x128xi32, #tpu.memory_space<vmem>> -> memref<128xi32, #tpu.memory_space<vmem>>
        %dma_start3A_196 = arith.constant 0 : i32
        %dma_start3A_197 = tpu.memref_slice %dma_start3A_195[%dma_start3A_196] : memref<128xi32, #tpu.memory_space<vmem>> -> memref<64xi32, #tpu.memory_space<vmem>>
        %dma_start3A_198 = arith.constant 0 : i32
        %dma_start3A_199 = arith.constant 0 : i32
        %dma_start3A_200 = tpu.memref_slice %arg2[%dma_start3A_198, %dma_start3A_199] : memref<10240x128xf32, #tpu.memory_space<hbm>> -> memref<10240x128xf32, #tpu.memory_space<hbm>>
        tpu.enqueue_indirect_dma source(%dma_start3A_200 : memref<10240x128xf32, #tpu.memory_space<hbm>>) target(%dma_start3A_192 : memref<64x128xf32, #tpu.memory_space<vmem>>) offsets(%dma_start3A_197 : memref<64xi32, #tpu.memory_space<vmem>>) semaphore(%arg12 : memref<!tpu.dma_semaphore, #tpu.memory_space<semaphore_mem>>)
        %add3A_201 = arith.constant 2 : i32
        %add3A_202 = arith.addi %add3A_156, %add3A_201 : i32
        %dma_start3A_203 = arith.constant 192 : i32
        %dma_start3A_204 = arith.constant 0 : i32
        %dma_start3A_205 = tpu.memref_slice %arg8[%dma_start3A_203, %dma_start3A_204] : memref<256x128xf32, #tpu.memory_space<vmem>> -> memref<64x128xf32, #tpu.memory_space<vmem>>
        %dma_start3A_206 = arith.constant 0 : i32
        %dma_start3A_207 = tpu.memref_slice %arg6[%add3A_202, %dma_start3A_206] : memref<40x128xi32, #tpu.memory_space<vmem>> -> memref<1x128xi32, #tpu.memory_space<vmem>>
        %dma_start3A_208 = tpu.memref_squeeze %dma_start3A_207 : memref<1x128xi32, #tpu.memory_space<vmem>> -> memref<128xi32, #tpu.memory_space<vmem>>
        %dma_start3A_209 = arith.constant 64 : i32
        %dma_start3A_210 = tpu.memref_slice %dma_start3A_208[%dma_start3A_209] : memref<128xi32, #tpu.memory_space<vmem>> -> memref<64xi32, #tpu.memory_space<vmem>>
        %dma_start3A_211 = arith.constant 0 : i32
        %dma_start3A_212 = arith.constant 0 : i32
        %dma_start3A_213 = tpu.memref_slice %arg2[%dma_start3A_211, %dma_start3A_212] : memref<10240x128xf32, #tpu.memory_space<hbm>> -> memref<10240x128xf32, #tpu.memory_space<hbm>>
        tpu.enqueue_indirect_dma source(%dma_start3A_213 : memref<10240x128xf32, #tpu.memory_space<hbm>>) target(%dma_start3A_205 : memref<64x128xf32, #tpu.memory_space<vmem>>) offsets(%dma_start3A_210 : memref<64xi32, #tpu.memory_space<vmem>>) semaphore(%arg13 : memref<!tpu.dma_semaphore, #tpu.memory_space<semaphore_mem>>)
      } else {
      }
    }
    %scan3A_119 = arith.constant 20 : i32
    %barrier3A_120 = arith.constant 0 : index
    tpu.barrier barrier_id(%barrier3A_120)
    "tpu.region"() ({
      %run_scoped3A_121 = tpu.sem_alloc : memref<!tpu.dma_semaphore, #tpu.memory_space<semaphore_mem>>
      %dma_start3A_122 = arith.constant 0 : i32
      %dma_start3A_123 = arith.constant 0 : i32
      %dma_start3A_124 = tpu.memref_slice %arg5[%arg0, %dma_start3A_122, %dma_start3A_123] : memref<2x10240x128xf32, #tpu.memory_space<hbm>> -> memref<1x10240x128xf32, #tpu.memory_space<hbm>>
      %dma_start3A_125 = tpu.memref_squeeze %dma_start3A_124 : memref<1x10240x128xf32, #tpu.memory_space<hbm>> -> memref<10240x128xf32, #tpu.memory_space<hbm>>
      %dma_start3A_126 = arith.constant 0 : i32
      %dma_start3A_127 = tpu.memref_slice %dma_start3A_125[%mul3A_2, %dma_start3A_126] : memref<10240x128xf32, #tpu.memory_space<hbm>> -> memref<640x128xf32, #tpu.memory_space<hbm>>
      %dma_start3A_128 = arith.constant 0 : i32
      %dma_start3A_129 = tpu.memref_slice %arg9[%mul3A_2, %dma_start3A_128] : memref<10240x128xf32, #tpu.memory_space<vmem_shared>> -> memref<640x128xf32, #tpu.memory_space<vmem_shared>>
      tpu.enqueue_dma source(%dma_start3A_129 : memref<640x128xf32, #tpu.memory_space<vmem_shared>>) target(%dma_start3A_127 : memref<640x128xf32, #tpu.memory_space<hbm>>) target_semaphore(%run_scoped3A_121 : memref<!tpu.dma_semaphore, #tpu.memory_space<semaphore_mem>>)
      %dma_wait3A = arith.constant 0 : i32
      %dma_wait3A_130 = arith.constant 0 : i32
      %dma_wait3A_131 = tpu.memref_slice %arg5[%arg0, %dma_wait3A, %dma_wait3A_130] : memref<2x10240x128xf32, #tpu.memory_space<hbm>> -> memref<1x10240x128xf32, #tpu.memory_space<hbm>>
      %dma_wait3A_132 = tpu.memref_squeeze %dma_wait3A_131 : memref<1x10240x128xf32, #tpu.memory_space<hbm>> -> memref<10240x128xf32, #tpu.memory_space<hbm>>
      %dma_wait3A_133 = arith.constant 0 : i32
      %dma_wait3A_134 = tpu.memref_slice %dma_wait3A_132[%mul3A_2, %dma_wait3A_133] : memref<10240x128xf32, #tpu.memory_space<hbm>> -> memref<640x128xf32, #tpu.memory_space<hbm>>
      %dma_wait3A_135 = arith.constant 0 : i32
      %dma_wait3A_136 = tpu.memref_slice %arg9[%mul3A_2, %dma_wait3A_135] : memref<10240x128xf32, #tpu.memory_space<vmem_shared>> -> memref<640x128xf32, #tpu.memory_space<vmem_shared>>
      tpu.wait_dma2 semaphore(%run_scoped3A_121 : memref<!tpu.dma_semaphore, #tpu.memory_space<semaphore_mem>>) src(%dma_wait3A_136 : memref<640x128xf32, #tpu.memory_space<vmem_shared>>) dst(%dma_wait3A_134 : memref<640x128xf32, #tpu.memory_space<hbm>>)
      tpu.yield
    }) : () -> ()
    return
  }
}

#map = affine_map<(d0, d1) -> (0, 0, 0)>
#map1 = affine_map<(d0, d1) -> (0)>
#map2 = affine_map<(d0, d1) -> (0, 0)>
module attributes {stable_mosaic.version = 14 : i64} {
  func.func @_sc_deg(%arg0: i32, %arg1: i32, %arg2: memref<2x2560x128xi32, #tpu.memory_space<hbm>>, %arg3: memref<10240xf32, #tpu.memory_space<hbm>>, %arg4: memref<2x10240xf32, #tpu.memory_space<hbm>>, %arg5: memref<80x128xi32, #tpu.memory_space<vmem>>, %arg6: memref<128xf32, #tpu.memory_space<vmem>>, %arg7: memref<10240xf32, #tpu.memory_space<vmem_shared>>) attributes {dimension_semantics = [#tpu.dimension_semantics<core_parallel>, #tpu.dimension_semantics<subcore_parallel>], iteration_bounds = array<i64: 2, 16>, scalar_prefetch = 0 : i64, scratch_operands = 3 : i64, tpu.core_type = #tpu.core_type<sc_vector_subcore>, window_params = [{transform_indices = #map}, {transform_indices = #map1}, {transform_indices = #map2}]} {
    %mul3A = arith.constant 2 : i32
    %mul3A_0 = arith.muli %arg1, %mul3A : i32
    %add3A = arith.addi %mul3A_0, %arg0 : i32
    %broadcast_in_dim3A = arith.constant 1.000000e+00 : f32
    %broadcast_in_dim3A_1 = vector.broadcast %broadcast_in_dim3A : f32 to vector<16xf32>
    %swap3A = arith.constant 0 : index
    %swap3A_2 = tpu.vector_load %arg6[%swap3A] {strides = array<i32>} : memref<128xf32, #tpu.memory_space<vmem>>, vector<16xf32>,
    %swap3A_3 = vector.shape_cast %swap3A_2 : vector<16xf32> to vector<16xf32>
    %swap3A_4 = vector.shape_cast %broadcast_in_dim3A_1 : vector<16xf32> to vector<16xf32>
    tpu.vector_store %arg6[%swap3A], %swap3A_4 {strides = array<i32>} : memref<128xf32, #tpu.memory_space<vmem>>, vector<16xf32>,
    %broadcast_in_dim3A_5 = arith.constant 1.000000e+00 : f32
    %broadcast_in_dim3A_6 = vector.broadcast %broadcast_in_dim3A_5 : f32 to vector<16xf32>
    %swap3A_7 = arith.constant 16 : index
    %swap3A_8 = tpu.vector_load %arg6[%swap3A_7] {strides = array<i32>} : memref<128xf32, #tpu.memory_space<vmem>>, vector<16xf32>,
    %swap3A_9 = vector.shape_cast %swap3A_8 : vector<16xf32> to vector<16xf32>
    %swap3A_10 = vector.shape_cast %broadcast_in_dim3A_6 : vector<16xf32> to vector<16xf32>
    tpu.vector_store %arg6[%swap3A_7], %swap3A_10 {strides = array<i32>} : memref<128xf32, #tpu.memory_space<vmem>>, vector<16xf32>,
    %broadcast_in_dim3A_11 = arith.constant 1.000000e+00 : f32
    %broadcast_in_dim3A_12 = vector.broadcast %broadcast_in_dim3A_11 : f32 to vector<16xf32>
    %swap3A_13 = arith.constant 32 : index
    %swap3A_14 = tpu.vector_load %arg6[%swap3A_13] {strides = array<i32>} : memref<128xf32, #tpu.memory_space<vmem>>, vector<16xf32>,
    %swap3A_15 = vector.shape_cast %swap3A_14 : vector<16xf32> to vector<16xf32>
    %swap3A_16 = vector.shape_cast %broadcast_in_dim3A_12 : vector<16xf32> to vector<16xf32>
    tpu.vector_store %arg6[%swap3A_13], %swap3A_16 {strides = array<i32>} : memref<128xf32, #tpu.memory_space<vmem>>, vector<16xf32>,
    %broadcast_in_dim3A_17 = arith.constant 1.000000e+00 : f32
    %broadcast_in_dim3A_18 = vector.broadcast %broadcast_in_dim3A_17 : f32 to vector<16xf32>
    %swap3A_19 = arith.constant 48 : index
    %swap3A_20 = tpu.vector_load %arg6[%swap3A_19] {strides = array<i32>} : memref<128xf32, #tpu.memory_space<vmem>>, vector<16xf32>,
    %swap3A_21 = vector.shape_cast %swap3A_20 : vector<16xf32> to vector<16xf32>
    %swap3A_22 = vector.shape_cast %broadcast_in_dim3A_18 : vector<16xf32> to vector<16xf32>
    tpu.vector_store %arg6[%swap3A_19], %swap3A_22 {strides = array<i32>} : memref<128xf32, #tpu.memory_space<vmem>>, vector<16xf32>,
    %broadcast_in_dim3A_23 = arith.constant 1.000000e+00 : f32
    %broadcast_in_dim3A_24 = vector.broadcast %broadcast_in_dim3A_23 : f32 to vector<16xf32>
    %swap3A_25 = arith.constant 64 : index
    %swap3A_26 = tpu.vector_load %arg6[%swap3A_25] {strides = array<i32>} : memref<128xf32, #tpu.memory_space<vmem>>, vector<16xf32>,
    %swap3A_27 = vector.shape_cast %swap3A_26 : vector<16xf32> to vector<16xf32>
    %swap3A_28 = vector.shape_cast %broadcast_in_dim3A_24 : vector<16xf32> to vector<16xf32>
    tpu.vector_store %arg6[%swap3A_25], %swap3A_28 {strides = array<i32>} : memref<128xf32, #tpu.memory_space<vmem>>, vector<16xf32>,
    %broadcast_in_dim3A_29 = arith.constant 1.000000e+00 : f32
    %broadcast_in_dim3A_30 = vector.broadcast %broadcast_in_dim3A_29 : f32 to vector<16xf32>
    %swap3A_31 = arith.constant 80 : index
    %swap3A_32 = tpu.vector_load %arg6[%swap3A_31] {strides = array<i32>} : memref<128xf32, #tpu.memory_space<vmem>>, vector<16xf32>,
    %swap3A_33 = vector.shape_cast %swap3A_32 : vector<16xf32> to vector<16xf32>
    %swap3A_34 = vector.shape_cast %broadcast_in_dim3A_30 : vector<16xf32> to vector<16xf32>
    tpu.vector_store %arg6[%swap3A_31], %swap3A_34 {strides = array<i32>} : memref<128xf32, #tpu.memory_space<vmem>>, vector<16xf32>,
    %broadcast_in_dim3A_35 = arith.constant 1.000000e+00 : f32
    %broadcast_in_dim3A_36 = vector.broadcast %broadcast_in_dim3A_35 : f32 to vector<16xf32>
    %swap3A_37 = arith.constant 96 : index
    %swap3A_38 = tpu.vector_load %arg6[%swap3A_37] {strides = array<i32>} : memref<128xf32, #tpu.memory_space<vmem>>, vector<16xf32>,
    %swap3A_39 = vector.shape_cast %swap3A_38 : vector<16xf32> to vector<16xf32>
    %swap3A_40 = vector.shape_cast %broadcast_in_dim3A_36 : vector<16xf32> to vector<16xf32>
    tpu.vector_store %arg6[%swap3A_37], %swap3A_40 {strides = array<i32>} : memref<128xf32, #tpu.memory_space<vmem>>, vector<16xf32>,
    %broadcast_in_dim3A_41 = arith.constant 1.000000e+00 : f32
    %broadcast_in_dim3A_42 = vector.broadcast %broadcast_in_dim3A_41 : f32 to vector<16xf32>
    %swap3A_43 = arith.constant 112 : index
    %swap3A_44 = tpu.vector_load %arg6[%swap3A_43] {strides = array<i32>} : memref<128xf32, #tpu.memory_space<vmem>>, vector<16xf32>,
    %swap3A_45 = vector.shape_cast %swap3A_44 : vector<16xf32> to vector<16xf32>
    %swap3A_46 = vector.shape_cast %broadcast_in_dim3A_42 : vector<16xf32> to vector<16xf32>
    tpu.vector_store %arg6[%swap3A_43], %swap3A_46 {strides = array<i32>} : memref<128xf32, #tpu.memory_space<vmem>>, vector<16xf32>,
    %mul3A_47 = arith.constant 640 : i32
    %mul3A_48 = arith.muli %arg1, %mul3A_47 : i32
    "tpu.region"() ({
      %run_scoped3A_57 = tpu.sem_alloc : memref<!tpu.dma_semaphore, #tpu.memory_space<semaphore_mem>>
      %dma_start3A = tpu.memref_slice %arg7[%mul3A_48] : memref<10240xf32, #tpu.memory_space<vmem_shared>> -> memref<640xf32, #tpu.memory_space<vmem_shared>>
      %dma_start3A_58 = tpu.memref_slice %arg3[%mul3A_48] : memref<10240xf32, #tpu.memory_space<hbm>> -> memref<640xf32, #tpu.memory_space<hbm>>
      tpu.enqueue_dma source(%dma_start3A_58 : memref<640xf32, #tpu.memory_space<hbm>>) target(%dma_start3A : memref<640xf32, #tpu.memory_space<vmem_shared>>) target_semaphore(%run_scoped3A_57 : memref<!tpu.dma_semaphore, #tpu.memory_space<semaphore_mem>>)
      %dma_wait3A = tpu.memref_slice %arg7[%mul3A_48] : memref<10240xf32, #tpu.memory_space<vmem_shared>> -> memref<640xf32, #tpu.memory_space<vmem_shared>>
      %dma_wait3A_59 = tpu.memref_slice %arg3[%mul3A_48] : memref<10240xf32, #tpu.memory_space<hbm>> -> memref<640xf32, #tpu.memory_space<hbm>>
      tpu.wait_dma2 semaphore(%run_scoped3A_57 : memref<!tpu.dma_semaphore, #tpu.memory_space<semaphore_mem>>) src(%dma_wait3A_59 : memref<640xf32, #tpu.memory_space<hbm>>) dst(%dma_wait3A : memref<640xf32, #tpu.memory_space<vmem_shared>>)
      tpu.yield
    }) : () -> ()
    %barrier3A = arith.constant 0 : index
    tpu.barrier barrier_id(%barrier3A)
    %mul3A_49 = arith.constant 80 : i32
    %mul3A_50 = arith.muli %add3A, %mul3A_49 : i32
    %run_scoped3A = arith.constant 1 : i32
    "tpu.region"() ({
      %run_scoped3A_57 = tpu.sem_alloc : memref<!tpu.dma_semaphore, #tpu.memory_space<semaphore_mem>>
      %dma_start3A = arith.constant 0 : i32
      %dma_start3A_58 = arith.constant 0 : i32
      %dma_start3A_59 = tpu.memref_slice %arg2[%run_scoped3A, %dma_start3A, %dma_start3A_58] : memref<2x2560x128xi32, #tpu.memory_space<hbm>> -> memref<1x2560x128xi32, #tpu.memory_space<hbm>>
      %dma_start3A_60 = tpu.memref_squeeze %dma_start3A_59 : memref<1x2560x128xi32, #tpu.memory_space<hbm>> -> memref<2560x128xi32, #tpu.memory_space<hbm>>
      %dma_start3A_61 = arith.constant 0 : i32
      %dma_start3A_62 = tpu.memref_slice %dma_start3A_60[%mul3A_50, %dma_start3A_61] : memref<2560x128xi32, #tpu.memory_space<hbm>> -> memref<80x128xi32, #tpu.memory_space<hbm>>
      %dma_start3A_63 = arith.constant 0 : i32
      %dma_start3A_64 = arith.constant 0 : i32
      %dma_start3A_65 = tpu.memref_slice %arg2[%run_scoped3A, %dma_start3A_63, %dma_start3A_64] : memref<2x2560x128xi32, #tpu.memory_space<hbm>> -> memref<1x2560x128xi32, #tpu.memory_space<hbm>>
      %dma_start3A_66 = tpu.memref_squeeze %dma_start3A_65 : memref<1x2560x128xi32, #tpu.memory_space<hbm>> -> memref<2560x128xi32, #tpu.memory_space<hbm>>
      %dma_start3A_67 = arith.constant 0 : i32
      %dma_start3A_68 = tpu.memref_slice %dma_start3A_66[%mul3A_50, %dma_start3A_67] : memref<2560x128xi32, #tpu.memory_space<hbm>> -> memref<80x128xi32, #tpu.memory_space<hbm>>
      tpu.enqueue_dma source(%dma_start3A_68 : memref<80x128xi32, #tpu.memory_space<hbm>>) target(%arg5 : memref<80x128xi32, #tpu.memory_space<vmem>>) target_semaphore(%run_scoped3A_57 : memref<!tpu.dma_semaphore, #tpu.memory_space<semaphore_mem>>)
      %dma_wait3A = arith.constant 0 : i32
      %dma_wait3A_69 = arith.constant 0 : i32
      %dma_wait3A_70 = tpu.memref_slice %arg2[%run_scoped3A, %dma_wait3A, %dma_wait3A_69] : memref<2x2560x128xi32, #tpu.memory_space<hbm>> -> memref<1x2560x128xi32, #tpu.memory_space<hbm>>
      %dma_wait3A_71 = tpu.memref_squeeze %dma_wait3A_70 : memref<1x2560x128xi32, #tpu.memory_space<hbm>> -> memref<2560x128xi32, #tpu.memory_space<hbm>>
      %dma_wait3A_72 = arith.constant 0 : i32
      %dma_wait3A_73 = tpu.memref_slice %dma_wait3A_71[%mul3A_50, %dma_wait3A_72] : memref<2560x128xi32, #tpu.memory_space<hbm>> -> memref<80x128xi32, #tpu.memory_space<hbm>>
      %dma_wait3A_74 = arith.constant 0 : i32
      %dma_wait3A_75 = arith.constant 0 : i32
      %dma_wait3A_76 = tpu.memref_slice %arg2[%run_scoped3A, %dma_wait3A_74, %dma_wait3A_75] : memref<2x2560x128xi32, #tpu.memory_space<hbm>> -> memref<1x2560x128xi32, #tpu.memory_space<hbm>>
      %dma_wait3A_77 = tpu.memref_squeeze %dma_wait3A_76 : memref<1x2560x128xi32, #tpu.memory_space<hbm>> -> memref<2560x128xi32, #tpu.memory_space<hbm>>
      %dma_wait3A_78 = arith.constant 0 : i32
      %dma_wait3A_79 = tpu.memref_slice %dma_wait3A_77[%mul3A_50, %dma_wait3A_78] : memref<2560x128xi32, #tpu.memory_space<hbm>> -> memref<80x128xi32, #tpu.memory_space<hbm>>
      tpu.wait_dma2 semaphore(%run_scoped3A_57 : memref<!tpu.dma_semaphore, #tpu.memory_space<semaphore_mem>>) src(%dma_wait3A_79 : memref<80x128xi32, #tpu.memory_space<hbm>>) dst(%arg5 : memref<80x128xi32, #tpu.memory_space<vmem>>)
      tpu.yield
    }) : () -> ()
    %scan3A = arith.constant 0 : i32
    %scan3A_51 = arith.constant 0 : i32
    %scan3A_52 = arith.constant 80 : i32
    %scan3A_53 = arith.addi %scan3A_51, %scan3A_52 : i32
    %scan3A_54 = arith.constant 1 : i32
    scf.for %scan3A_57 = %scan3A_51 to %scan3A_53 step %scan3A_54  : i32 {
      "tpu.region"() ({
        %run_scoped3A_58 = tpu.sem_alloc : memref<!tpu.dma_semaphore, #tpu.memory_space<semaphore_mem>>
        %dma_start3A = arith.constant 0 : i32
        %dma_start3A_59 = tpu.memref_slice %arg5[%scan3A_57, %dma_start3A] : memref<80x128xi32, #tpu.memory_space<vmem>> -> memref<1x128xi32, #tpu.memory_space<vmem>>
        %dma_start3A_60 = tpu.memref_squeeze %dma_start3A_59 : memref<1x128xi32, #tpu.memory_space<vmem>> -> memref<128xi32, #tpu.memory_space<vmem>>
        %dma_start3A_61 = arith.constant 0 : i32
        %dma_start3A_62 = tpu.memref_slice %arg7[%dma_start3A_61] : memref<10240xf32, #tpu.memory_space<vmem_shared>> -> memref<10240xf32, #tpu.memory_space<vmem_shared>>
        tpu.enqueue_indirect_dma source(%arg6 : memref<128xf32, #tpu.memory_space<vmem>>) target(%dma_start3A_62 : memref<10240xf32, #tpu.memory_space<vmem_shared>>) offsets(%dma_start3A_60 : memref<128xi32, #tpu.memory_space<vmem>>) semaphore(%run_scoped3A_58 : memref<!tpu.dma_semaphore, #tpu.memory_space<semaphore_mem>>) {add = true}
        %dma_wait3A = arith.constant 0 : i32
        %dma_wait3A_63 = tpu.memref_slice %arg5[%scan3A_57, %dma_wait3A] : memref<80x128xi32, #tpu.memory_space<vmem>> -> memref<1x128xi32, #tpu.memory_space<vmem>>
        %dma_wait3A_64 = tpu.memref_squeeze %dma_wait3A_63 : memref<1x128xi32, #tpu.memory_space<vmem>> -> memref<128xi32, #tpu.memory_space<vmem>>
        %dma_wait3A_65 = arith.constant 0 : i32
        %dma_wait3A_66 = tpu.memref_slice %arg7[%dma_wait3A_65] : memref<10240xf32, #tpu.memory_space<vmem_shared>> -> memref<10240xf32, #tpu.memory_space<vmem_shared>>
        tpu.wait_indirect_dma semaphore(%run_scoped3A_58 : memref<!tpu.dma_semaphore, #tpu.memory_space<semaphore_mem>>) src(%arg6 : memref<128xf32, #tpu.memory_space<vmem>>) dst(%dma_wait3A_66 : memref<10240xf32, #tpu.memory_space<vmem_shared>>)
        tpu.yield
      }) : () -> ()
    }
    %scan3A_55 = arith.constant 80 : i32
    %barrier3A_56 = arith.constant 0 : index
    tpu.barrier barrier_id(%barrier3A_56)
    "tpu.region"() ({
      %run_scoped3A_57 = tpu.sem_alloc : memref<!tpu.dma_semaphore, #tpu.memory_space<semaphore_mem>>
      %dma_start3A = arith.constant 0 : i32
      %dma_start3A_58 = tpu.memref_slice %arg4[%arg0, %dma_start3A] : memref<2x10240xf32, #tpu.memory_space<hbm>> -> memref<1x10240xf32, #tpu.memory_space<hbm>>
      %dma_start3A_59 = tpu.memref_squeeze %dma_start3A_58 : memref<1x10240xf32, #tpu.memory_space<hbm>> -> memref<10240xf32, #tpu.memory_space<hbm>>
      %dma_start3A_60 = tpu.memref_slice %dma_start3A_59[%mul3A_48] : memref<10240xf32, #tpu.memory_space<hbm>> -> memref<640xf32, #tpu.memory_space<hbm>>
      %dma_start3A_61 = tpu.memref_slice %arg7[%mul3A_48] : memref<10240xf32, #tpu.memory_space<vmem_shared>> -> memref<640xf32, #tpu.memory_space<vmem_shared>>
      tpu.enqueue_dma source(%dma_start3A_61 : memref<640xf32, #tpu.memory_space<vmem_shared>>) target(%dma_start3A_60 : memref<640xf32, #tpu.memory_space<hbm>>) target_semaphore(%run_scoped3A_57 : memref<!tpu.dma_semaphore, #tpu.memory_space<semaphore_mem>>)
      %dma_wait3A = arith.constant 0 : i32
      %dma_wait3A_62 = tpu.memref_slice %arg4[%arg0, %dma_wait3A] : memref<2x10240xf32, #tpu.memory_space<hbm>> -> memref<1x10240xf32, #tpu.memory_space<hbm>>
      %dma_wait3A_63 = tpu.memref_squeeze %dma_wait3A_62 : memref<1x10240xf32, #tpu.memory_space<hbm>> -> memref<10240xf32, #tpu.memory_space<hbm>>
      %dma_wait3A_64 = tpu.memref_slice %dma_wait3A_63[%mul3A_48] : memref<10240xf32, #tpu.memory_space<hbm>> -> memref<640xf32, #tpu.memory_space<hbm>>
      %dma_wait3A_65 = tpu.memref_slice %arg7[%mul3A_48] : memref<10240xf32, #tpu.memory_space<vmem_shared>> -> memref<640xf32, #tpu.memory_space<vmem_shared>>
      tpu.wait_dma2 semaphore(%run_scoped3A_57 : memref<!tpu.dma_semaphore, #tpu.memory_space<semaphore_mem>>) src(%dma_wait3A_65 : memref<640xf32, #tpu.memory_space<vmem_shared>>) dst(%dma_wait3A_64 : memref<640xf32, #tpu.memory_space<hbm>>)
      tpu.yield
    }) : () -> ()
    return
  }
}

#map = affine_map<(d0, d1) -> (0)>
#map1 = affine_map<(d0, d1) -> (0, 0, 0)>
#map2 = affine_map<(d0, d1) -> (0, 0)>
module attributes {stable_mosaic.version = 14 : i64} {
  func.func @_sc_cpre(%arg0: i32, %arg1: i32, %arg2: memref<10240xf32, #tpu.memory_space<hbm>>, %arg3: memref<2x2560x128xi32, #tpu.memory_space<hbm>>, %arg4: memref<10240xf32, #tpu.memory_space<hbm>>, %arg5: memref<2x10240xf32, #tpu.memory_space<hbm>>, %arg6: memref<80x128xi32, #tpu.memory_space<vmem>>, %arg7: memref<80x128xi32, #tpu.memory_space<vmem>>, %arg8: memref<128xf32, #tpu.memory_space<vmem>>, %arg9: memref<10240xf32, #tpu.memory_space<vmem_shared>>, %arg10: memref<!tpu.dma_semaphore, #tpu.memory_space<semaphore_mem>>) attributes {dimension_semantics = [#tpu.dimension_semantics<core_parallel>, #tpu.dimension_semantics<subcore_parallel>], iteration_bounds = array<i64: 2, 16>, scalar_prefetch = 0 : i64, scratch_operands = 5 : i64, tpu.core_type = #tpu.core_type<sc_vector_subcore>, window_params = [{transform_indices = #map}, {transform_indices = #map1}, {transform_indices = #map}, {transform_indices = #map2}]} {
    %mul3A = arith.constant 2 : i32
    %mul3A_0 = arith.muli %arg1, %mul3A : i32
    %add3A = arith.addi %mul3A_0, %arg0 : i32
    %mul3A_1 = arith.constant 640 : i32
    %mul3A_2 = arith.muli %arg1, %mul3A_1 : i32
    "tpu.region"() ({
      %run_scoped3A_14 = tpu.sem_alloc : memref<!tpu.dma_semaphore, #tpu.memory_space<semaphore_mem>>
      %dma_start3A = tpu.memref_slice %arg9[%mul3A_2] : memref<10240xf32, #tpu.memory_space<vmem_shared>> -> memref<640xf32, #tpu.memory_space<vmem_shared>>
      %dma_start3A_15 = tpu.memref_slice %arg4[%mul3A_2] : memref<10240xf32, #tpu.memory_space<hbm>> -> memref<640xf32, #tpu.memory_space<hbm>>
      tpu.enqueue_dma source(%dma_start3A_15 : memref<640xf32, #tpu.memory_space<hbm>>) target(%dma_start3A : memref<640xf32, #tpu.memory_space<vmem_shared>>) target_semaphore(%run_scoped3A_14 : memref<!tpu.dma_semaphore, #tpu.memory_space<semaphore_mem>>)
      %dma_wait3A = tpu.memref_slice %arg9[%mul3A_2] : memref<10240xf32, #tpu.memory_space<vmem_shared>> -> memref<640xf32, #tpu.memory_space<vmem_shared>>
      %dma_wait3A_16 = tpu.memref_slice %arg4[%mul3A_2] : memref<10240xf32, #tpu.memory_space<hbm>> -> memref<640xf32, #tpu.memory_space<hbm>>
      tpu.wait_dma2 semaphore(%run_scoped3A_14 : memref<!tpu.dma_semaphore, #tpu.memory_space<semaphore_mem>>) src(%dma_wait3A_16 : memref<640xf32, #tpu.memory_space<hbm>>) dst(%dma_wait3A : memref<640xf32, #tpu.memory_space<vmem_shared>>)
      tpu.yield
    }) : () -> ()
    %barrier3A = arith.constant 0 : index
    tpu.barrier barrier_id(%barrier3A)
    %mul3A_3 = arith.constant 80 : i32
    %mul3A_4 = arith.muli %add3A, %mul3A_3 : i32
    %run_scoped3A = arith.constant 0 : i32
    "tpu.region"() ({
      %run_scoped3A_14 = tpu.sem_alloc : memref<!tpu.dma_semaphore, #tpu.memory_space<semaphore_mem>>
      %dma_start3A = arith.constant 0 : i32
      %dma_start3A_15 = arith.constant 0 : i32
      %dma_start3A_16 = tpu.memref_slice %arg3[%run_scoped3A, %dma_start3A, %dma_start3A_15] : memref<2x2560x128xi32, #tpu.memory_space<hbm>> -> memref<1x2560x128xi32, #tpu.memory_space<hbm>>
      %dma_start3A_17 = tpu.memref_squeeze %dma_start3A_16 : memref<1x2560x128xi32, #tpu.memory_space<hbm>> -> memref<2560x128xi32, #tpu.memory_space<hbm>>
      %dma_start3A_18 = arith.constant 0 : i32
      %dma_start3A_19 = tpu.memref_slice %dma_start3A_17[%mul3A_4, %dma_start3A_18] : memref<2560x128xi32, #tpu.memory_space<hbm>> -> memref<80x128xi32, #tpu.memory_space<hbm>>
      %dma_start3A_20 = arith.constant 0 : i32
      %dma_start3A_21 = arith.constant 0 : i32
      %dma_start3A_22 = tpu.memref_slice %arg3[%run_scoped3A, %dma_start3A_20, %dma_start3A_21] : memref<2x2560x128xi32, #tpu.memory_space<hbm>> -> memref<1x2560x128xi32, #tpu.memory_space<hbm>>
      %dma_start3A_23 = tpu.memref_squeeze %dma_start3A_22 : memref<1x2560x128xi32, #tpu.memory_space<hbm>> -> memref<2560x128xi32, #tpu.memory_space<hbm>>
      %dma_start3A_24 = arith.constant 0 : i32
      %dma_start3A_25 = tpu.memref_slice %dma_start3A_23[%mul3A_4, %dma_start3A_24] : memref<2560x128xi32, #tpu.memory_space<hbm>> -> memref<80x128xi32, #tpu.memory_space<hbm>>
      tpu.enqueue_dma source(%dma_start3A_25 : memref<80x128xi32, #tpu.memory_space<hbm>>) target(%arg6 : memref<80x128xi32, #tpu.memory_space<vmem>>) target_semaphore(%run_scoped3A_14 : memref<!tpu.dma_semaphore, #tpu.memory_space<semaphore_mem>>)
      %dma_wait3A = arith.constant 0 : i32
      %dma_wait3A_26 = arith.constant 0 : i32
      %dma_wait3A_27 = tpu.memref_slice %arg3[%run_scoped3A, %dma_wait3A, %dma_wait3A_26] : memref<2x2560x128xi32, #tpu.memory_space<hbm>> -> memref<1x2560x128xi32, #tpu.memory_space<hbm>>
      %dma_wait3A_28 = tpu.memref_squeeze %dma_wait3A_27 : memref<1x2560x128xi32, #tpu.memory_space<hbm>> -> memref<2560x128xi32, #tpu.memory_space<hbm>>
      %dma_wait3A_29 = arith.constant 0 : i32
      %dma_wait3A_30 = tpu.memref_slice %dma_wait3A_28[%mul3A_4, %dma_wait3A_29] : memref<2560x128xi32, #tpu.memory_space<hbm>> -> memref<80x128xi32, #tpu.memory_space<hbm>>
      %dma_wait3A_31 = arith.constant 0 : i32
      %dma_wait3A_32 = arith.constant 0 : i32
      %dma_wait3A_33 = tpu.memref_slice %arg3[%run_scoped3A, %dma_wait3A_31, %dma_wait3A_32] : memref<2x2560x128xi32, #tpu.memory_space<hbm>> -> memref<1x2560x128xi32, #tpu.memory_space<hbm>>
      %dma_wait3A_34 = tpu.memref_squeeze %dma_wait3A_33 : memref<1x2560x128xi32, #tpu.memory_space<hbm>> -> memref<2560x128xi32, #tpu.memory_space<hbm>>
      %dma_wait3A_35 = arith.constant 0 : i32
      %dma_wait3A_36 = tpu.memref_slice %dma_wait3A_34[%mul3A_4, %dma_wait3A_35] : memref<2560x128xi32, #tpu.memory_space<hbm>> -> memref<80x128xi32, #tpu.memory_space<hbm>>
      tpu.wait_dma2 semaphore(%run_scoped3A_14 : memref<!tpu.dma_semaphore, #tpu.memory_space<semaphore_mem>>) src(%dma_wait3A_36 : memref<80x128xi32, #tpu.memory_space<hbm>>) dst(%arg6 : memref<80x128xi32, #tpu.memory_space<vmem>>)
      tpu.yield
    }) : () -> ()
    %mul3A_5 = arith.constant 80 : i32
    %mul3A_6 = arith.muli %add3A, %mul3A_5 : i32
    %run_scoped3A_7 = arith.constant 1 : i32
    "tpu.region"() ({
      %run_scoped3A_14 = tpu.sem_alloc : memref<!tpu.dma_semaphore, #tpu.memory_space<semaphore_mem>>
      %dma_start3A = arith.constant 0 : i32
      %dma_start3A_15 = arith.constant 0 : i32
      %dma_start3A_16 = tpu.memref_slice %arg3[%run_scoped3A_7, %dma_start3A, %dma_start3A_15] : memref<2x2560x128xi32, #tpu.memory_space<hbm>> -> memref<1x2560x128xi32, #tpu.memory_space<hbm>>
      %dma_start3A_17 = tpu.memref_squeeze %dma_start3A_16 : memref<1x2560x128xi32, #tpu.memory_space<hbm>> -> memref<2560x128xi32, #tpu.memory_space<hbm>>
      %dma_start3A_18 = arith.constant 0 : i32
      %dma_start3A_19 = tpu.memref_slice %dma_start3A_17[%mul3A_6, %dma_start3A_18] : memref<2560x128xi32, #tpu.memory_space<hbm>> -> memref<80x128xi32, #tpu.memory_space<hbm>>
      %dma_start3A_20 = arith.constant 0 : i32
      %dma_start3A_21 = arith.constant 0 : i32
      %dma_start3A_22 = tpu.memref_slice %arg3[%run_scoped3A_7, %dma_start3A_20, %dma_start3A_21] : memref<2x2560x128xi32, #tpu.memory_space<hbm>> -> memref<1x2560x128xi32, #tpu.memory_space<hbm>>
      %dma_start3A_23 = tpu.memref_squeeze %dma_start3A_22 : memref<1x2560x128xi32, #tpu.memory_space<hbm>> -> memref<2560x128xi32, #tpu.memory_space<hbm>>
      %dma_start3A_24 = arith.constant 0 : i32
      %dma_start3A_25 = tpu.memref_slice %dma_start3A_23[%mul3A_6, %dma_start3A_24] : memref<2560x128xi32, #tpu.memory_space<hbm>> -> memref<80x128xi32, #tpu.memory_space<hbm>>
      tpu.enqueue_dma source(%dma_start3A_25 : memref<80x128xi32, #tpu.memory_space<hbm>>) target(%arg7 : memref<80x128xi32, #tpu.memory_space<vmem>>) target_semaphore(%run_scoped3A_14 : memref<!tpu.dma_semaphore, #tpu.memory_space<semaphore_mem>>)
      %dma_wait3A = arith.constant 0 : i32
      %dma_wait3A_26 = arith.constant 0 : i32
      %dma_wait3A_27 = tpu.memref_slice %arg3[%run_scoped3A_7, %dma_wait3A, %dma_wait3A_26] : memref<2x2560x128xi32, #tpu.memory_space<hbm>> -> memref<1x2560x128xi32, #tpu.memory_space<hbm>>
      %dma_wait3A_28 = tpu.memref_squeeze %dma_wait3A_27 : memref<1x2560x128xi32, #tpu.memory_space<hbm>> -> memref<2560x128xi32, #tpu.memory_space<hbm>>
      %dma_wait3A_29 = arith.constant 0 : i32
      %dma_wait3A_30 = tpu.memref_slice %dma_wait3A_28[%mul3A_6, %dma_wait3A_29] : memref<2560x128xi32, #tpu.memory_space<hbm>> -> memref<80x128xi32, #tpu.memory_space<hbm>>
      %dma_wait3A_31 = arith.constant 0 : i32
      %dma_wait3A_32 = arith.constant 0 : i32
      %dma_wait3A_33 = tpu.memref_slice %arg3[%run_scoped3A_7, %dma_wait3A_31, %dma_wait3A_32] : memref<2x2560x128xi32, #tpu.memory_space<hbm>> -> memref<1x2560x128xi32, #tpu.memory_space<hbm>>
      %dma_wait3A_34 = tpu.memref_squeeze %dma_wait3A_33 : memref<1x2560x128xi32, #tpu.memory_space<hbm>> -> memref<2560x128xi32, #tpu.memory_space<hbm>>
      %dma_wait3A_35 = arith.constant 0 : i32
      %dma_wait3A_36 = tpu.memref_slice %dma_wait3A_34[%mul3A_6, %dma_wait3A_35] : memref<2560x128xi32, #tpu.memory_space<hbm>> -> memref<80x128xi32, #tpu.memory_space<hbm>>
      tpu.wait_dma2 semaphore(%run_scoped3A_14 : memref<!tpu.dma_semaphore, #tpu.memory_space<semaphore_mem>>) src(%dma_wait3A_36 : memref<80x128xi32, #tpu.memory_space<hbm>>) dst(%arg7 : memref<80x128xi32, #tpu.memory_space<vmem>>)
      tpu.yield
    }) : () -> ()
    %scan3A = arith.constant 0 : i32
    %scan3A_8 = arith.constant 0 : i32
    %scan3A_9 = arith.constant 80 : i32
    %scan3A_10 = arith.addi %scan3A_8, %scan3A_9 : i32
    %scan3A_11 = arith.constant 1 : i32
    scf.for %scan3A_14 = %scan3A_8 to %scan3A_10 step %scan3A_11  : i32 {
      %dma_start3A = arith.constant 0 : i32
      %dma_start3A_15 = tpu.memref_slice %arg7[%scan3A_14, %dma_start3A] : memref<80x128xi32, #tpu.memory_space<vmem>> -> memref<1x128xi32, #tpu.memory_space<vmem>>
      %dma_start3A_16 = tpu.memref_squeeze %dma_start3A_15 : memref<1x128xi32, #tpu.memory_space<vmem>> -> memref<128xi32, #tpu.memory_space<vmem>>
      %dma_start3A_17 = arith.constant 0 : i32
      %dma_start3A_18 = tpu.memref_slice %arg2[%dma_start3A_17] : memref<10240xf32, #tpu.memory_space<hbm>> -> memref<10240xf32, #tpu.memory_space<hbm>>
      tpu.enqueue_indirect_dma source(%dma_start3A_18 : memref<10240xf32, #tpu.memory_space<hbm>>) target(%arg8 : memref<128xf32, #tpu.memory_space<vmem>>) offsets(%dma_start3A_16 : memref<128xi32, #tpu.memory_space<vmem>>) semaphore(%arg10 : memref<!tpu.dma_semaphore, #tpu.memory_space<semaphore_mem>>)
      %dma_wait3A = arith.constant 0 : i32
      %dma_wait3A_19 = tpu.memref_slice %arg7[%scan3A_14, %dma_wait3A] : memref<80x128xi32, #tpu.memory_space<vmem>> -> memref<1x128xi32, #tpu.memory_space<vmem>>
      %dma_wait3A_20 = tpu.memref_squeeze %dma_wait3A_19 : memref<1x128xi32, #tpu.memory_space<vmem>> -> memref<128xi32, #tpu.memory_space<vmem>>
      %dma_wait3A_21 = arith.constant 0 : i32
      %dma_wait3A_22 = tpu.memref_slice %arg2[%dma_wait3A_21] : memref<10240xf32, #tpu.memory_space<hbm>> -> memref<10240xf32, #tpu.memory_space<hbm>>
      tpu.wait_indirect_dma semaphore(%arg10 : memref<!tpu.dma_semaphore, #tpu.memory_space<semaphore_mem>>) src(%dma_wait3A_22 : memref<10240xf32, #tpu.memory_space<hbm>>) dst(%arg8 : memref<128xf32, #tpu.memory_space<vmem>>)
      "tpu.region"() ({
        %run_scoped3A_23 = tpu.sem_alloc : memref<!tpu.dma_semaphore, #tpu.memory_space<semaphore_mem>>
        %dma_start3A_24 = arith.constant 0 : i32
        %dma_start3A_25 = tpu.memref_slice %arg6[%scan3A_14, %dma_start3A_24] : memref<80x128xi32, #tpu.memory_space<vmem>> -> memref<1x128xi32, #tpu.memory_space<vmem>>
        %dma_start3A_26 = tpu.memref_squeeze %dma_start3A_25 : memref<1x128xi32, #tpu.memory_space<vmem>> -> memref<128xi32, #tpu.memory_space<vmem>>
        %dma_start3A_27 = arith.constant 0 : i32
        %dma_start3A_28 = tpu.memref_slice %arg9[%dma_start3A_27] : memref<10240xf32, #tpu.memory_space<vmem_shared>> -> memref<10240xf32, #tpu.memory_space<vmem_shared>>
        tpu.enqueue_indirect_dma source(%arg8 : memref<128xf32, #tpu.memory_space<vmem>>) target(%dma_start3A_28 : memref<10240xf32, #tpu.memory_space<vmem_shared>>) offsets(%dma_start3A_26 : memref<128xi32, #tpu.memory_space<vmem>>) semaphore(%run_scoped3A_23 : memref<!tpu.dma_semaphore, #tpu.memory_space<semaphore_mem>>) {add = true}
        %dma_wait3A_29 = arith.constant 0 : i32
        %dma_wait3A_30 = tpu.memref_slice %arg6[%scan3A_14, %dma_wait3A_29] : memref<80x128xi32, #tpu.memory_space<vmem>> -> memref<1x128xi32, #tpu.memory_space<vmem>>
        %dma_wait3A_31 = tpu.memref_squeeze %dma_wait3A_30 : memref<1x128xi32, #tpu.memory_space<vmem>> -> memref<128xi32, #tpu.memory_space<vmem>>
        %dma_wait3A_32 = arith.constant 0 : i32
        %dma_wait3A_33 = tpu.memref_slice %arg9[%dma_wait3A_32] : memref<10240xf32, #tpu.memory_space<vmem_shared>> -> memref<10240xf32, #tpu.memory_space<vmem_shared>>
        tpu.wait_indirect_dma semaphore(%run_scoped3A_23 : memref<!tpu.dma_semaphore, #tpu.memory_space<semaphore_mem>>) src(%arg8 : memref<128xf32, #tpu.memory_space<vmem>>) dst(%dma_wait3A_33 : memref<10240xf32, #tpu.memory_space<vmem_shared>>)
        tpu.yield
      }) : () -> ()
    }
    %scan3A_12 = arith.constant 80 : i32
    %barrier3A_13 = arith.constant 0 : index
    tpu.barrier barrier_id(%barrier3A_13)
    "tpu.region"() ({
      %run_scoped3A_14 = tpu.sem_alloc : memref<!tpu.dma_semaphore, #tpu.memory_space<semaphore_mem>>
      %dma_start3A = arith.constant 0 : i32
      %dma_start3A_15 = tpu.memref_slice %arg5[%arg0, %dma_start3A] : memref<2x10240xf32, #tpu.memory_space<hbm>> -> memref<1x10240xf32, #tpu.memory_space<hbm>>
      %dma_start3A_16 = tpu.memref_squeeze %dma_start3A_15 : memref<1x10240xf32, #tpu.memory_space<hbm>> -> memref<10240xf32, #tpu.memory_space<hbm>>
      %dma_start3A_17 = tpu.memref_slice %dma_start3A_16[%mul3A_2] : memref<10240xf32, #tpu.memory_space<hbm>> -> memref<640xf32, #tpu.memory_space<hbm>>
      %dma_start3A_18 = tpu.memref_slice %arg9[%mul3A_2] : memref<10240xf32, #tpu.memory_space<vmem_shared>> -> memref<640xf32, #tpu.memory_space<vmem_shared>>
      tpu.enqueue_dma source(%dma_start3A_18 : memref<640xf32, #tpu.memory_space<vmem_shared>>) target(%dma_start3A_17 : memref<640xf32, #tpu.memory_space<hbm>>) target_semaphore(%run_scoped3A_14 : memref<!tpu.dma_semaphore, #tpu.memory_space<semaphore_mem>>)
      %dma_wait3A = arith.constant 0 : i32
      %dma_wait3A_19 = tpu.memref_slice %arg5[%arg0, %dma_wait3A] : memref<2x10240xf32, #tpu.memory_space<hbm>> -> memref<1x10240xf32, #tpu.memory_space<hbm>>
      %dma_wait3A_20 = tpu.memref_squeeze %dma_wait3A_19 : memref<1x10240xf32, #tpu.memory_space<hbm>> -> memref<10240xf32, #tpu.memory_space<hbm>>
      %dma_wait3A_21 = tpu.memref_slice %dma_wait3A_20[%mul3A_2] : memref<10240xf32, #tpu.memory_space<hbm>> -> memref<640xf32, #tpu.memory_space<hbm>>
      %dma_wait3A_22 = tpu.memref_slice %arg9[%mul3A_2] : memref<10240xf32, #tpu.memory_space<vmem_shared>> -> memref<640xf32, #tpu.memory_space<vmem_shared>>
      tpu.wait_dma2 semaphore(%run_scoped3A_14 : memref<!tpu.dma_semaphore, #tpu.memory_space<semaphore_mem>>) src(%dma_wait3A_22 : memref<640xf32, #tpu.memory_space<vmem_shared>>) dst(%dma_wait3A_21 : memref<640xf32, #tpu.memory_space<hbm>>)
      tpu.yield
    }) : () -> ()
    return
  }
}

#map = affine_map<(d0, d1) -> (0, 0)>
#map1 = affine_map<(d0, d1) -> (0, 0, 0)>
module attributes {stable_mosaic.version = 14 : i64} {
  func.func @_sc_agg(%arg0: i32, %arg1: i32, %arg2: memref<10240x128xf32, #tpu.memory_space<hbm>>, %arg3: memref<2x2560x128xi32, #tpu.memory_space<hbm>>, %arg4: memref<10240x128xf32, #tpu.memory_space<hbm>>, %arg5: memref<2x10240x128xf32, #tpu.memory_space<hbm>>, %arg6: memref<40x128xi32, #tpu.memory_space<vmem>>, %arg7: memref<40x128xi32, #tpu.memory_space<vmem>>, %arg8: memref<256x128xf32, #tpu.memory_space<vmem>>, %arg9: memref<10240x128xf32, #tpu.memory_space<vmem_shared>>, %arg10: memref<!tpu.dma_semaphore, #tpu.memory_space<semaphore_mem>>, %arg11: memref<!tpu.dma_semaphore, #tpu.memory_space<semaphore_mem>>, %arg12: memref<!tpu.dma_semaphore, #tpu.memory_space<semaphore_mem>>, %arg13: memref<!tpu.dma_semaphore, #tpu.memory_space<semaphore_mem>>) attributes {dimension_semantics = [#tpu.dimension_semantics<core_parallel>, #tpu.dimension_semantics<subcore_parallel>], iteration_bounds = array<i64: 2, 16>, scalar_prefetch = 0 : i64, scratch_operands = 8 : i64, tpu.core_type = #tpu.core_type<sc_vector_subcore>, window_params = [{transform_indices = #map}, {transform_indices = #map1}, {transform_indices = #map}, {transform_indices = #map1}]} {
    %mul3A = arith.constant 2 : i32
    %mul3A_0 = arith.muli %arg1, %mul3A : i32
    %add3A = arith.addi %mul3A_0, %arg0 : i32
    %mul3A_1 = arith.constant 640 : i32
    %mul3A_2 = arith.muli %arg1, %mul3A_1 : i32
    "tpu.region"() ({
      %run_scoped3A_121 = tpu.sem_alloc : memref<!tpu.dma_semaphore, #tpu.memory_space<semaphore_mem>>
      %dma_start3A_122 = arith.constant 0 : i32
      %dma_start3A_123 = tpu.memref_slice %arg9[%mul3A_2, %dma_start3A_122] : memref<10240x128xf32, #tpu.memory_space<vmem_shared>> -> memref<640x128xf32, #tpu.memory_space<vmem_shared>>
      %dma_start3A_124 = arith.constant 0 : i32
      %dma_start3A_125 = tpu.memref_slice %arg4[%mul3A_2, %dma_start3A_124] : memref<10240x128xf32, #tpu.memory_space<hbm>> -> memref<640x128xf32, #tpu.memory_space<hbm>>
      tpu.enqueue_dma source(%dma_start3A_125 : memref<640x128xf32, #tpu.memory_space<hbm>>) target(%dma_start3A_123 : memref<640x128xf32, #tpu.memory_space<vmem_shared>>) target_semaphore(%run_scoped3A_121 : memref<!tpu.dma_semaphore, #tpu.memory_space<semaphore_mem>>)
      %dma_wait3A = arith.constant 0 : i32
      %dma_wait3A_126 = tpu.memref_slice %arg9[%mul3A_2, %dma_wait3A] : memref<10240x128xf32, #tpu.memory_space<vmem_shared>> -> memref<640x128xf32, #tpu.memory_space<vmem_shared>>
      %dma_wait3A_127 = arith.constant 0 : i32
      %dma_wait3A_128 = tpu.memref_slice %arg4[%mul3A_2, %dma_wait3A_127] : memref<10240x128xf32, #tpu.memory_space<hbm>> -> memref<640x128xf32, #tpu.memory_space<hbm>>
      tpu.wait_dma2 semaphore(%run_scoped3A_121 : memref<!tpu.dma_semaphore, #tpu.memory_space<semaphore_mem>>) src(%dma_wait3A_128 : memref<640x128xf32, #tpu.memory_space<hbm>>) dst(%dma_wait3A_126 : memref<640x128xf32, #tpu.memory_space<vmem_shared>>)
      tpu.yield
    }) : () -> ()
    %barrier3A = arith.constant 0 : index
    tpu.barrier barrier_id(%barrier3A)
    %mul3A_3 = arith.constant 80 : i32
    %mul3A_4 = arith.muli %add3A, %mul3A_3 : i32
    %add3A_5 = arith.constant 0 : i32
    %add3A_6 = arith.addi %mul3A_4, %add3A_5 : i32
    %run_scoped3A = arith.constant 0 : i32
    "tpu.region"() ({
      %run_scoped3A_121 = tpu.sem_alloc : memref<!tpu.dma_semaphore, #tpu.memory_space<semaphore_mem>>
      %dma_start3A_122 = arith.constant 0 : i32
      %dma_start3A_123 = arith.constant 0 : i32
      %dma_start3A_124 = tpu.memref_slice %arg3[%run_scoped3A, %dma_start3A_122, %dma_start3A_123] : memref<2x2560x128xi32, #tpu.memory_space<hbm>> -> memref<1x2560x128xi32, #tpu.memory_space<hbm>>
      %dma_start3A_125 = tpu.memref_squeeze %dma_start3A_124 : memref<1x2560x128xi32, #tpu.memory_space<hbm>> -> memref<2560x128xi32, #tpu.memory_space<hbm>>
      %dma_start3A_126 = arith.constant 0 : i32
      %dma_start3A_127 = tpu.memref_slice %dma_start3A_125[%add3A_6, %dma_start3A_126] : memref<2560x128xi32, #tpu.memory_space<hbm>> -> memref<40x128xi32, #tpu.memory_space<hbm>>
      %dma_start3A_128 = arith.constant 0 : i32
      %dma_start3A_129 = arith.constant 0 : i32
      %dma_start3A_130 = tpu.memref_slice %arg3[%run_scoped3A, %dma_start3A_128, %dma_start3A_129] : memref<2x2560x128xi32, #tpu.memory_space<hbm>> -> memref<1x2560x128xi32, #tpu.memory_space<hbm>>
      %dma_start3A_131 = tpu.memref_squeeze %dma_start3A_130 : memref<1x2560x128xi32, #tpu.memory_space<hbm>> -> memref<2560x128xi32, #tpu.memory_space<hbm>>
      %dma_start3A_132 = arith.constant 0 : i32
      %dma_start3A_133 = tpu.memref_slice %dma_start3A_131[%add3A_6, %dma_start3A_132] : memref<2560x128xi32, #tpu.memory_space<hbm>> -> memref<40x128xi32, #tpu.memory_space<hbm>>
      tpu.enqueue_dma source(%dma_start3A_133 : memref<40x128xi32, #tpu.memory_space<hbm>>) target(%arg6 : memref<40x128xi32, #tpu.memory_space<vmem>>) target_semaphore(%run_scoped3A_121 : memref<!tpu.dma_semaphore, #tpu.memory_space<semaphore_mem>>)
      %dma_wait3A = arith.constant 0 : i32
      %dma_wait3A_134 = arith.constant 0 : i32
      %dma_wait3A_135 = tpu.memref_slice %arg3[%run_scoped3A, %dma_wait3A, %dma_wait3A_134] : memref<2x2560x128xi32, #tpu.memory_space<hbm>> -> memref<1x2560x128xi32, #tpu.memory_space<hbm>>
      %dma_wait3A_136 = tpu.memref_squeeze %dma_wait3A_135 : memref<1x2560x128xi32, #tpu.memory_space<hbm>> -> memref<2560x128xi32, #tpu.memory_space<hbm>>
      %dma_wait3A_137 = arith.constant 0 : i32
      %dma_wait3A_138 = tpu.memref_slice %dma_wait3A_136[%add3A_6, %dma_wait3A_137] : memref<2560x128xi32, #tpu.memory_space<hbm>> -> memref<40x128xi32, #tpu.memory_space<hbm>>
      %dma_wait3A_139 = arith.constant 0 : i32
      %dma_wait3A_140 = arith.constant 0 : i32
      %dma_wait3A_141 = tpu.memref_slice %arg3[%run_scoped3A, %dma_wait3A_139, %dma_wait3A_140] : memref<2x2560x128xi32, #tpu.memory_space<hbm>> -> memref<1x2560x128xi32, #tpu.memory_space<hbm>>
      %dma_wait3A_142 = tpu.memref_squeeze %dma_wait3A_141 : memref<1x2560x128xi32, #tpu.memory_space<hbm>> -> memref<2560x128xi32, #tpu.memory_space<hbm>>
      %dma_wait3A_143 = arith.constant 0 : i32
      %dma_wait3A_144 = tpu.memref_slice %dma_wait3A_142[%add3A_6, %dma_wait3A_143] : memref<2560x128xi32, #tpu.memory_space<hbm>> -> memref<40x128xi32, #tpu.memory_space<hbm>>
      tpu.wait_dma2 semaphore(%run_scoped3A_121 : memref<!tpu.dma_semaphore, #tpu.memory_space<semaphore_mem>>) src(%dma_wait3A_144 : memref<40x128xi32, #tpu.memory_space<hbm>>) dst(%arg6 : memref<40x128xi32, #tpu.memory_space<vmem>>)
      tpu.yield
    }) : () -> ()
    %run_scoped3A_7 = arith.constant 1 : i32
    "tpu.region"() ({
      %run_scoped3A_121 = tpu.sem_alloc : memref<!tpu.dma_semaphore, #tpu.memory_space<semaphore_mem>>
      %dma_start3A_122 = arith.constant 0 : i32
      %dma_start3A_123 = arith.constant 0 : i32
      %dma_start3A_124 = tpu.memref_slice %arg3[%run_scoped3A_7, %dma_start3A_122, %dma_start3A_123] : memref<2x2560x128xi32, #tpu.memory_space<hbm>> -> memref<1x2560x128xi32, #tpu.memory_space<hbm>>
      %dma_start3A_125 = tpu.memref_squeeze %dma_start3A_124 : memref<1x2560x128xi32, #tpu.memory_space<hbm>> -> memref<2560x128xi32, #tpu.memory_space<hbm>>
      %dma_start3A_126 = arith.constant 0 : i32
      %dma_start3A_127 = tpu.memref_slice %dma_start3A_125[%add3A_6, %dma_start3A_126] : memref<2560x128xi32, #tpu.memory_space<hbm>> -> memref<40x128xi32, #tpu.memory_space<hbm>>
      %dma_start3A_128 = arith.constant 0 : i32
      %dma_start3A_129 = arith.constant 0 : i32
      %dma_start3A_130 = tpu.memref_slice %arg3[%run_scoped3A_7, %dma_start3A_128, %dma_start3A_129] : memref<2x2560x128xi32, #tpu.memory_space<hbm>> -> memref<1x2560x128xi32, #tpu.memory_space<hbm>>
      %dma_start3A_131 = tpu.memref_squeeze %dma_start3A_130 : memref<1x2560x128xi32, #tpu.memory_space<hbm>> -> memref<2560x128xi32, #tpu.memory_space<hbm>>
      %dma_start3A_132 = arith.constant 0 : i32
      %dma_start3A_133 = tpu.memref_slice %dma_start3A_131[%add3A_6, %dma_start3A_132] : memref<2560x128xi32, #tpu.memory_space<hbm>> -> memref<40x128xi32, #tpu.memory_space<hbm>>
      tpu.enqueue_dma source(%dma_start3A_133 : memref<40x128xi32, #tpu.memory_space<hbm>>) target(%arg7 : memref<40x128xi32, #tpu.memory_space<vmem>>) target_semaphore(%run_scoped3A_121 : memref<!tpu.dma_semaphore, #tpu.memory_space<semaphore_mem>>)
      %dma_wait3A = arith.constant 0 : i32
      %dma_wait3A_134 = arith.constant 0 : i32
      %dma_wait3A_135 = tpu.memref_slice %arg3[%run_scoped3A_7, %dma_wait3A, %dma_wait3A_134] : memref<2x2560x128xi32, #tpu.memory_space<hbm>> -> memref<1x2560x128xi32, #tpu.memory_space<hbm>>
      %dma_wait3A_136 = tpu.memref_squeeze %dma_wait3A_135 : memref<1x2560x128xi32, #tpu.memory_space<hbm>> -> memref<2560x128xi32, #tpu.memory_space<hbm>>
      %dma_wait3A_137 = arith.constant 0 : i32
      %dma_wait3A_138 = tpu.memref_slice %dma_wait3A_136[%add3A_6, %dma_wait3A_137] : memref<2560x128xi32, #tpu.memory_space<hbm>> -> memref<40x128xi32, #tpu.memory_space<hbm>>
      %dma_wait3A_139 = arith.constant 0 : i32
      %dma_wait3A_140 = arith.constant 0 : i32
      %dma_wait3A_141 = tpu.memref_slice %arg3[%run_scoped3A_7, %dma_wait3A_139, %dma_wait3A_140] : memref<2x2560x128xi32, #tpu.memory_space<hbm>> -> memref<1x2560x128xi32, #tpu.memory_space<hbm>>
      %dma_wait3A_142 = tpu.memref_squeeze %dma_wait3A_141 : memref<1x2560x128xi32, #tpu.memory_space<hbm>> -> memref<2560x128xi32, #tpu.memory_space<hbm>>
      %dma_wait3A_143 = arith.constant 0 : i32
      %dma_wait3A_144 = tpu.memref_slice %dma_wait3A_142[%add3A_6, %dma_wait3A_143] : memref<2560x128xi32, #tpu.memory_space<hbm>> -> memref<40x128xi32, #tpu.memory_space<hbm>>
      tpu.wait_dma2 semaphore(%run_scoped3A_121 : memref<!tpu.dma_semaphore, #tpu.memory_space<semaphore_mem>>) src(%dma_wait3A_144 : memref<40x128xi32, #tpu.memory_space<hbm>>) dst(%arg7 : memref<40x128xi32, #tpu.memory_space<vmem>>)
      tpu.yield
    }) : () -> ()
    %dma_start3A = arith.constant 0 : i32
    %dma_start3A_8 = arith.constant 0 : i32
    %dma_start3A_9 = arith.constant 0 : i32
    %dma_start3A_10 = tpu.memref_slice %arg8[%dma_start3A_8, %dma_start3A_9] : memref<256x128xf32, #tpu.memory_space<vmem>> -> memref<64x128xf32, #tpu.memory_space<vmem>>
    %dma_start3A_11 = arith.constant 0 : i32
    %dma_start3A_12 = tpu.memref_slice %arg6[%dma_start3A, %dma_start3A_11] : memref<40x128xi32, #tpu.memory_space<vmem>> -> memref<1x128xi32, #tpu.memory_space<vmem>>
    %dma_start3A_13 = tpu.memref_squeeze %dma_start3A_12 : memref<1x128xi32, #tpu.memory_space<vmem>> -> memref<128xi32, #tpu.memory_space<vmem>>
    %dma_start3A_14 = arith.constant 0 : i32
    %dma_start3A_15 = tpu.memref_slice %dma_start3A_13[%dma_start3A_14] : memref<128xi32, #tpu.memory_space<vmem>> -> memref<64xi32, #tpu.memory_space<vmem>>
    %dma_start3A_16 = arith.constant 0 : i32
    %dma_start3A_17 = arith.constant 0 : i32
    %dma_start3A_18 = tpu.memref_slice %arg2[%dma_start3A_16, %dma_start3A_17] : memref<10240x128xf32, #tpu.memory_space<hbm>> -> memref<10240x128xf32, #tpu.memory_space<hbm>>
    tpu.enqueue_indirect_dma source(%dma_start3A_18 : memref<10240x128xf32, #tpu.memory_space<hbm>>) target(%dma_start3A_10 : memref<64x128xf32, #tpu.memory_space<vmem>>) offsets(%dma_start3A_15 : memref<64xi32, #tpu.memory_space<vmem>>) semaphore(%arg10 : memref<!tpu.dma_semaphore, #tpu.memory_space<semaphore_mem>>)
    %dma_start3A_19 = arith.constant 0 : i32
    %dma_start3A_20 = arith.constant 64 : i32
    %dma_start3A_21 = arith.constant 0 : i32
    %dma_start3A_22 = tpu.memref_slice %arg8[%dma_start3A_20, %dma_start3A_21] : memref<256x128xf32, #tpu.memory_space<vmem>> -> memref<64x128xf32, #tpu.memory_space<vmem>>
    %dma_start3A_23 = arith.constant 0 : i32
    %dma_start3A_24 = tpu.memref_slice %arg6[%dma_start3A_19, %dma_start3A_23] : memref<40x128xi32, #tpu.memory_space<vmem>> -> memref<1x128xi32, #tpu.memory_space<vmem>>
    %dma_start3A_25 = tpu.memref_squeeze %dma_start3A_24 : memref<1x128xi32, #tpu.memory_space<vmem>> -> memref<128xi32, #tpu.memory_space<vmem>>
    %dma_start3A_26 = arith.constant 64 : i32
    %dma_start3A_27 = tpu.memref_slice %dma_start3A_25[%dma_start3A_26] : memref<128xi32, #tpu.memory_space<vmem>> -> memref<64xi32, #tpu.memory_space<vmem>>
    %dma_start3A_28 = arith.constant 0 : i32
    %dma_start3A_29 = arith.constant 0 : i32
    %dma_start3A_30 = tpu.memref_slice %arg2[%dma_start3A_28, %dma_start3A_29] : memref<10240x128xf32, #tpu.memory_space<hbm>> -> memref<10240x128xf32, #tpu.memory_space<hbm>>
    tpu.enqueue_indirect_dma source(%dma_start3A_30 : memref<10240x128xf32, #tpu.memory_space<hbm>>) target(%dma_start3A_22 : memref<64x128xf32, #tpu.memory_space<vmem>>) offsets(%dma_start3A_27 : memref<64xi32, #tpu.memory_space<vmem>>) semaphore(%arg11 : memref<!tpu.dma_semaphore, #tpu.memory_space<semaphore_mem>>)
    %dma_start3A_31 = arith.constant 1 : i32
    %dma_start3A_32 = arith.constant 128 : i32
    %dma_start3A_33 = arith.constant 0 : i32
    %dma_start3A_34 = tpu.memref_slice %arg8[%dma_start3A_32, %dma_start3A_33] : memref<256x128xf32, #tpu.memory_space<vmem>> -> memref<64x128xf32, #tpu.memory_space<vmem>>
    %dma_start3A_35 = arith.constant 0 : i32
    %dma_start3A_36 = tpu.memref_slice %arg6[%dma_start3A_31, %dma_start3A_35] : memref<40x128xi32, #tpu.memory_space<vmem>> -> memref<1x128xi32, #tpu.memory_space<vmem>>
    %dma_start3A_37 = tpu.memref_squeeze %dma_start3A_36 : memref<1x128xi32, #tpu.memory_space<vmem>> -> memref<128xi32, #tpu.memory_space<vmem>>
    %dma_start3A_38 = arith.constant 0 : i32
    %dma_start3A_39 = tpu.memref_slice %dma_start3A_37[%dma_start3A_38] : memref<128xi32, #tpu.memory_space<vmem>> -> memref<64xi32, #tpu.memory_space<vmem>>
    %dma_start3A_40 = arith.constant 0 : i32
    %dma_start3A_41 = arith.constant 0 : i32
    %dma_start3A_42 = tpu.memref_slice %arg2[%dma_start3A_40, %dma_start3A_41] : memref<10240x128xf32, #tpu.memory_space<hbm>> -> memref<10240x128xf32, #tpu.memory_space<hbm>>
    tpu.enqueue_indirect_dma source(%dma_start3A_42 : memref<10240x128xf32, #tpu.memory_space<hbm>>) target(%dma_start3A_34 : memref<64x128xf32, #tpu.memory_space<vmem>>) offsets(%dma_start3A_39 : memref<64xi32, #tpu.memory_space<vmem>>) semaphore(%arg12 : memref<!tpu.dma_semaphore, #tpu.memory_space<semaphore_mem>>)
    %dma_start3A_43 = arith.constant 1 : i32
    %dma_start3A_44 = arith.constant 192 : i32
    %dma_start3A_45 = arith.constant 0 : i32
    %dma_start3A_46 = tpu.memref_slice %arg8[%dma_start3A_44, %dma_start3A_45] : memref<256x128xf32, #tpu.memory_space<vmem>> -> memref<64x128xf32, #tpu.memory_space<vmem>>
    %dma_start3A_47 = arith.constant 0 : i32
    %dma_start3A_48 = tpu.memref_slice %arg6[%dma_start3A_43, %dma_start3A_47] : memref<40x128xi32, #tpu.memory_space<vmem>> -> memref<1x128xi32, #tpu.memory_space<vmem>>
    %dma_start3A_49 = tpu.memref_squeeze %dma_start3A_48 : memref<1x128xi32, #tpu.memory_space<vmem>> -> memref<128xi32, #tpu.memory_space<vmem>>
    %dma_start3A_50 = arith.constant 64 : i32
    %dma_start3A_51 = tpu.memref_slice %dma_start3A_49[%dma_start3A_50] : memref<128xi32, #tpu.memory_space<vmem>> -> memref<64xi32, #tpu.memory_space<vmem>>
    %dma_start3A_52 = arith.constant 0 : i32
    %dma_start3A_53 = arith.constant 0 : i32
    %dma_start3A_54 = tpu.memref_slice %arg2[%dma_start3A_52, %dma_start3A_53] : memref<10240x128xf32, #tpu.memory_space<hbm>> -> memref<10240x128xf32, #tpu.memory_space<hbm>>
    tpu.enqueue_indirect_dma source(%dma_start3A_54 : memref<10240x128xf32, #tpu.memory_space<hbm>>) target(%dma_start3A_46 : memref<64x128xf32, #tpu.memory_space<vmem>>) offsets(%dma_start3A_51 : memref<64xi32, #tpu.memory_space<vmem>>) semaphore(%arg13 : memref<!tpu.dma_semaphore, #tpu.memory_space<semaphore_mem>>)
    %scan3A = arith.constant 0 : i32
    %scan3A_55 = arith.constant 0 : i32
    %scan3A_56 = arith.constant 20 : i32
    %scan3A_57 = arith.addi %scan3A_55, %scan3A_56 : i32
    %scan3A_58 = arith.constant 1 : i32
    scf.for %scan3A_121 = %scan3A_55 to %scan3A_57 step %scan3A_58  : i32 {
      %mul3A_122 = arith.constant 2 : i32
      %mul3A_123 = arith.muli %scan3A_121, %mul3A_122 : i32
      %add3A_124 = arith.constant 0 : i32
      %add3A_125 = arith.addi %mul3A_123, %add3A_124 : i32
      %dma_wait3A = arith.constant 0 : i32
      %dma_wait3A_126 = arith.constant 0 : i32
      %dma_wait3A_127 = tpu.memref_slice %arg8[%dma_wait3A, %dma_wait3A_126] : memref<256x128xf32, #tpu.memory_space<vmem>> -> memref<64x128xf32, #tpu.memory_space<vmem>>
      %dma_wait3A_128 = arith.constant 0 : i32
      %dma_wait3A_129 = arith.constant 0 : i32
      %dma_wait3A_130 = tpu.memref_slice %arg2[%dma_wait3A_128, %dma_wait3A_129] : memref<10240x128xf32, #tpu.memory_space<hbm>> -> memref<64x128xf32, #tpu.memory_space<hbm>>
      %dma_wait3A_131 = arith.constant 0 : i32
      %dma_wait3A_132 = arith.constant 0 : i32
      %dma_wait3A_133 = tpu.memref_slice %arg8[%dma_wait3A_131, %dma_wait3A_132] : memref<256x128xf32, #tpu.memory_space<vmem>> -> memref<64x128xf32, #tpu.memory_space<vmem>>
      %dma_wait3A_134 = arith.constant 0 : i32
      %dma_wait3A_135 = arith.constant 0 : i32
      %dma_wait3A_136 = tpu.memref_slice %arg2[%dma_wait3A_134, %dma_wait3A_135] : memref<10240x128xf32, #tpu.memory_space<hbm>> -> memref<64x128xf32, #tpu.memory_space<hbm>>
      tpu.wait_dma2 semaphore(%arg10 : memref<!tpu.dma_semaphore, #tpu.memory_space<semaphore_mem>>) src(%dma_wait3A_136 : memref<64x128xf32, #tpu.memory_space<hbm>>) dst(%dma_wait3A_133 : memref<64x128xf32, #tpu.memory_space<vmem>>)
      %dma_wait3A_137 = arith.constant 64 : i32
      %dma_wait3A_138 = arith.constant 0 : i32
      %dma_wait3A_139 = tpu.memref_slice %arg8[%dma_wait3A_137, %dma_wait3A_138] : memref<256x128xf32, #tpu.memory_space<vmem>> -> memref<64x128xf32, #tpu.memory_space<vmem>>
      %dma_wait3A_140 = arith.constant 0 : i32
      %dma_wait3A_141 = arith.constant 0 : i32
      %dma_wait3A_142 = tpu.memref_slice %arg2[%dma_wait3A_140, %dma_wait3A_141] : memref<10240x128xf32, #tpu.memory_space<hbm>> -> memref<64x128xf32, #tpu.memory_space<hbm>>
      %dma_wait3A_143 = arith.constant 64 : i32
      %dma_wait3A_144 = arith.constant 0 : i32
      %dma_wait3A_145 = tpu.memref_slice %arg8[%dma_wait3A_143, %dma_wait3A_144] : memref<256x128xf32, #tpu.memory_space<vmem>> -> memref<64x128xf32, #tpu.memory_space<vmem>>
      %dma_wait3A_146 = arith.constant 0 : i32
      %dma_wait3A_147 = arith.constant 0 : i32
      %dma_wait3A_148 = tpu.memref_slice %arg2[%dma_wait3A_146, %dma_wait3A_147] : memref<10240x128xf32, #tpu.memory_space<hbm>> -> memref<64x128xf32, #tpu.memory_space<hbm>>
      tpu.wait_dma2 semaphore(%arg11 : memref<!tpu.dma_semaphore, #tpu.memory_space<semaphore_mem>>) src(%dma_wait3A_148 : memref<64x128xf32, #tpu.memory_space<hbm>>) dst(%dma_wait3A_145 : memref<64x128xf32, #tpu.memory_space<vmem>>)
      "tpu.region"() ({
        %run_scoped3A_188 = tpu.sem_alloc : memref<!tpu.dma_semaphore, #tpu.memory_space<semaphore_mem>>
        %dma_start3A_189 = arith.constant 0 : i32
        %dma_start3A_190 = arith.constant 0 : i32
        %dma_start3A_191 = tpu.memref_slice %arg8[%dma_start3A_189, %dma_start3A_190] : memref<256x128xf32, #tpu.memory_space<vmem>> -> memref<128x128xf32, #tpu.memory_space<vmem>>
        %dma_start3A_192 = arith.constant 0 : i32
        %dma_start3A_193 = tpu.memref_slice %arg7[%add3A_125, %dma_start3A_192] : memref<40x128xi32, #tpu.memory_space<vmem>> -> memref<1x128xi32, #tpu.memory_space<vmem>>
        %dma_start3A_194 = tpu.memref_squeeze %dma_start3A_193 : memref<1x128xi32, #tpu.memory_space<vmem>> -> memref<128xi32, #tpu.memory_space<vmem>>
        %dma_start3A_195 = arith.constant 0 : i32
        %dma_start3A_196 = arith.constant 0 : i32
        %dma_start3A_197 = tpu.memref_slice %arg9[%dma_start3A_195, %dma_start3A_196] : memref<10240x128xf32, #tpu.memory_space<vmem_shared>> -> memref<10240x128xf32, #tpu.memory_space<vmem_shared>>
        tpu.enqueue_indirect_dma source(%dma_start3A_191 : memref<128x128xf32, #tpu.memory_space<vmem>>) target(%dma_start3A_197 : memref<10240x128xf32, #tpu.memory_space<vmem_shared>>) offsets(%dma_start3A_194 : memref<128xi32, #tpu.memory_space<vmem>>) semaphore(%run_scoped3A_188 : memref<!tpu.dma_semaphore, #tpu.memory_space<semaphore_mem>>) {add = true}
        %dma_wait3A_198 = arith.constant 0 : i32
        %dma_wait3A_199 = arith.constant 0 : i32
        %dma_wait3A_200 = tpu.memref_slice %arg8[%dma_wait3A_198, %dma_wait3A_199] : memref<256x128xf32, #tpu.memory_space<vmem>> -> memref<128x128xf32, #tpu.memory_space<vmem>>
        %dma_wait3A_201 = arith.constant 0 : i32
        %dma_wait3A_202 = tpu.memref_slice %arg7[%add3A_125, %dma_wait3A_201] : memref<40x128xi32, #tpu.memory_space<vmem>> -> memref<1x128xi32, #tpu.memory_space<vmem>>
        %dma_wait3A_203 = tpu.memref_squeeze %dma_wait3A_202 : memref<1x128xi32, #tpu.memory_space<vmem>> -> memref<128xi32, #tpu.memory_space<vmem>>
        %dma_wait3A_204 = arith.constant 0 : i32
        %dma_wait3A_205 = arith.constant 0 : i32
        %dma_wait3A_206 = tpu.memref_slice %arg9[%dma_wait3A_204, %dma_wait3A_205] : memref<10240x128xf32, #tpu.memory_space<vmem_shared>> -> memref<10240x128xf32, #tpu.memory_space<vmem_shared>>
        tpu.wait_indirect_dma semaphore(%run_scoped3A_188 : memref<!tpu.dma_semaphore, #tpu.memory_space<semaphore_mem>>) src(%dma_wait3A_200 : memref<128x128xf32, #tpu.memory_space<vmem>>) dst(%dma_wait3A_206 : memref<10240x128xf32, #tpu.memory_space<vmem_shared>>)
        tpu.yield
      }) : () -> ()
      %add3A_149 = arith.constant 2 : i32
      %add3A_150 = arith.addi %add3A_125, %add3A_149 : i32
      %lt3A = arith.constant 40 : i32
      %lt3A_151 = arith.cmpi slt, %add3A_150, %lt3A : i32
      %convert_element_type3A = arith.extui %lt3A_151 : i1 to i32
      %cond3A = arith.constant 0 : i32
      %cond3A_152 = arith.cmpi ne, %convert_element_type3A, %cond3A : i32
      scf.if %cond3A_152 {
        %add3A_188 = arith.constant 2 : i32
        %add3A_189 = arith.addi %add3A_125, %add3A_188 : i32
        %dma_start3A_190 = arith.constant 0 : i32
        %dma_start3A_191 = arith.constant 0 : i32
        %dma_start3A_192 = tpu.memref_slice %arg8[%dma_start3A_190, %dma_start3A_191] : memref<256x128xf32, #tpu.memory_space<vmem>> -> memref<64x128xf32, #tpu.memory_space<vmem>>
        %dma_start3A_193 = arith.constant 0 : i32
        %dma_start3A_194 = tpu.memref_slice %arg6[%add3A_189, %dma_start3A_193] : memref<40x128xi32, #tpu.memory_space<vmem>> -> memref<1x128xi32, #tpu.memory_space<vmem>>
        %dma_start3A_195 = tpu.memref_squeeze %dma_start3A_194 : memref<1x128xi32, #tpu.memory_space<vmem>> -> memref<128xi32, #tpu.memory_space<vmem>>
        %dma_start3A_196 = arith.constant 0 : i32
        %dma_start3A_197 = tpu.memref_slice %dma_start3A_195[%dma_start3A_196] : memref<128xi32, #tpu.memory_space<vmem>> -> memref<64xi32, #tpu.memory_space<vmem>>
        %dma_start3A_198 = arith.constant 0 : i32
        %dma_start3A_199 = arith.constant 0 : i32
        %dma_start3A_200 = tpu.memref_slice %arg2[%dma_start3A_198, %dma_start3A_199] : memref<10240x128xf32, #tpu.memory_space<hbm>> -> memref<10240x128xf32, #tpu.memory_space<hbm>>
        tpu.enqueue_indirect_dma source(%dma_start3A_200 : memref<10240x128xf32, #tpu.memory_space<hbm>>) target(%dma_start3A_192 : memref<64x128xf32, #tpu.memory_space<vmem>>) offsets(%dma_start3A_197 : memref<64xi32, #tpu.memory_space<vmem>>) semaphore(%arg10 : memref<!tpu.dma_semaphore, #tpu.memory_space<semaphore_mem>>)
        %add3A_201 = arith.constant 2 : i32
        %add3A_202 = arith.addi %add3A_125, %add3A_201 : i32
        %dma_start3A_203 = arith.constant 64 : i32
        %dma_start3A_204 = arith.constant 0 : i32
        %dma_start3A_205 = tpu.memref_slice %arg8[%dma_start3A_203, %dma_start3A_204] : memref<256x128xf32, #tpu.memory_space<vmem>> -> memref<64x128xf32, #tpu.memory_space<vmem>>
        %dma_start3A_206 = arith.constant 0 : i32
        %dma_start3A_207 = tpu.memref_slice %arg6[%add3A_202, %dma_start3A_206] : memref<40x128xi32, #tpu.memory_space<vmem>> -> memref<1x128xi32, #tpu.memory_space<vmem>>
        %dma_start3A_208 = tpu.memref_squeeze %dma_start3A_207 : memref<1x128xi32, #tpu.memory_space<vmem>> -> memref<128xi32, #tpu.memory_space<vmem>>
        %dma_start3A_209 = arith.constant 64 : i32
        %dma_start3A_210 = tpu.memref_slice %dma_start3A_208[%dma_start3A_209] : memref<128xi32, #tpu.memory_space<vmem>> -> memref<64xi32, #tpu.memory_space<vmem>>
        %dma_start3A_211 = arith.constant 0 : i32
        %dma_start3A_212 = arith.constant 0 : i32
        %dma_start3A_213 = tpu.memref_slice %arg2[%dma_start3A_211, %dma_start3A_212] : memref<10240x128xf32, #tpu.memory_space<hbm>> -> memref<10240x128xf32, #tpu.memory_space<hbm>>
        tpu.enqueue_indirect_dma source(%dma_start3A_213 : memref<10240x128xf32, #tpu.memory_space<hbm>>) target(%dma_start3A_205 : memref<64x128xf32, #tpu.memory_space<vmem>>) offsets(%dma_start3A_210 : memref<64xi32, #tpu.memory_space<vmem>>) semaphore(%arg11 : memref<!tpu.dma_semaphore, #tpu.memory_space<semaphore_mem>>)
      } else {
      }
      %mul3A_153 = arith.constant 2 : i32
      %mul3A_154 = arith.muli %scan3A_121, %mul3A_153 : i32
      %add3A_155 = arith.constant 1 : i32
      %add3A_156 = arith.addi %mul3A_154, %add3A_155 : i32
      %dma_wait3A_157 = arith.constant 128 : i32
      %dma_wait3A_158 = arith.constant 0 : i32
      %dma_wait3A_159 = tpu.memref_slice %arg8[%dma_wait3A_157, %dma_wait3A_158] : memref<256x128xf32, #tpu.memory_space<vmem>> -> memref<64x128xf32, #tpu.memory_space<vmem>>
      %dma_wait3A_160 = arith.constant 0 : i32
      %dma_wait3A_161 = arith.constant 0 : i32
      %dma_wait3A_162 = tpu.memref_slice %arg2[%dma_wait3A_160, %dma_wait3A_161] : memref<10240x128xf32, #tpu.memory_space<hbm>> -> memref<64x128xf32, #tpu.memory_space<hbm>>
      %dma_wait3A_163 = arith.constant 128 : i32
      %dma_wait3A_164 = arith.constant 0 : i32
      %dma_wait3A_165 = tpu.memref_slice %arg8[%dma_wait3A_163, %dma_wait3A_164] : memref<256x128xf32, #tpu.memory_space<vmem>> -> memref<64x128xf32, #tpu.memory_space<vmem>>
      %dma_wait3A_166 = arith.constant 0 : i32
      %dma_wait3A_167 = arith.constant 0 : i32
      %dma_wait3A_168 = tpu.memref_slice %arg2[%dma_wait3A_166, %dma_wait3A_167] : memref<10240x128xf32, #tpu.memory_space<hbm>> -> memref<64x128xf32, #tpu.memory_space<hbm>>
      tpu.wait_dma2 semaphore(%arg12 : memref<!tpu.dma_semaphore, #tpu.memory_space<semaphore_mem>>) src(%dma_wait3A_168 : memref<64x128xf32, #tpu.memory_space<hbm>>) dst(%dma_wait3A_165 : memref<64x128xf32, #tpu.memory_space<vmem>>)
      %dma_wait3A_169 = arith.constant 192 : i32
      %dma_wait3A_170 = arith.constant 0 : i32
      %dma_wait3A_171 = tpu.memref_slice %arg8[%dma_wait3A_169, %dma_wait3A_170] : memref<256x128xf32, #tpu.memory_space<vmem>> -> memref<64x128xf32, #tpu.memory_space<vmem>>
      %dma_wait3A_172 = arith.constant 0 : i32
      %dma_wait3A_173 = arith.constant 0 : i32
      %dma_wait3A_174 = tpu.memref_slice %arg2[%dma_wait3A_172, %dma_wait3A_173] : memref<10240x128xf32, #tpu.memory_space<hbm>> -> memref<64x128xf32, #tpu.memory_space<hbm>>
      %dma_wait3A_175 = arith.constant 192 : i32
      %dma_wait3A_176 = arith.constant 0 : i32
      %dma_wait3A_177 = tpu.memref_slice %arg8[%dma_wait3A_175, %dma_wait3A_176] : memref<256x128xf32, #tpu.memory_space<vmem>> -> memref<64x128xf32, #tpu.memory_space<vmem>>
      %dma_wait3A_178 = arith.constant 0 : i32
      %dma_wait3A_179 = arith.constant 0 : i32
      %dma_wait3A_180 = tpu.memref_slice %arg2[%dma_wait3A_178, %dma_wait3A_179] : memref<10240x128xf32, #tpu.memory_space<hbm>> -> memref<64x128xf32, #tpu.memory_space<hbm>>
      tpu.wait_dma2 semaphore(%arg13 : memref<!tpu.dma_semaphore, #tpu.memory_space<semaphore_mem>>) src(%dma_wait3A_180 : memref<64x128xf32, #tpu.memory_space<hbm>>) dst(%dma_wait3A_177 : memref<64x128xf32, #tpu.memory_space<vmem>>)
      "tpu.region"() ({
        %run_scoped3A_188 = tpu.sem_alloc : memref<!tpu.dma_semaphore, #tpu.memory_space<semaphore_mem>>
        %dma_start3A_189 = arith.constant 128 : i32
        %dma_start3A_190 = arith.constant 0 : i32
        %dma_start3A_191 = tpu.memref_slice %arg8[%dma_start3A_189, %dma_start3A_190] : memref<256x128xf32, #tpu.memory_space<vmem>> -> memref<128x128xf32, #tpu.memory_space<vmem>>
        %dma_start3A_192 = arith.constant 0 : i32
        %dma_start3A_193 = tpu.memref_slice %arg7[%add3A_156, %dma_start3A_192] : memref<40x128xi32, #tpu.memory_space<vmem>> -> memref<1x128xi32, #tpu.memory_space<vmem>>
        %dma_start3A_194 = tpu.memref_squeeze %dma_start3A_193 : memref<1x128xi32, #tpu.memory_space<vmem>> -> memref<128xi32, #tpu.memory_space<vmem>>
        %dma_start3A_195 = arith.constant 0 : i32
        %dma_start3A_196 = arith.constant 0 : i32
        %dma_start3A_197 = tpu.memref_slice %arg9[%dma_start3A_195, %dma_start3A_196] : memref<10240x128xf32, #tpu.memory_space<vmem_shared>> -> memref<10240x128xf32, #tpu.memory_space<vmem_shared>>
        tpu.enqueue_indirect_dma source(%dma_start3A_191 : memref<128x128xf32, #tpu.memory_space<vmem>>) target(%dma_start3A_197 : memref<10240x128xf32, #tpu.memory_space<vmem_shared>>) offsets(%dma_start3A_194 : memref<128xi32, #tpu.memory_space<vmem>>) semaphore(%run_scoped3A_188 : memref<!tpu.dma_semaphore, #tpu.memory_space<semaphore_mem>>) {add = true}
        %dma_wait3A_198 = arith.constant 128 : i32
        %dma_wait3A_199 = arith.constant 0 : i32
        %dma_wait3A_200 = tpu.memref_slice %arg8[%dma_wait3A_198, %dma_wait3A_199] : memref<256x128xf32, #tpu.memory_space<vmem>> -> memref<128x128xf32, #tpu.memory_space<vmem>>
        %dma_wait3A_201 = arith.constant 0 : i32
        %dma_wait3A_202 = tpu.memref_slice %arg7[%add3A_156, %dma_wait3A_201] : memref<40x128xi32, #tpu.memory_space<vmem>> -> memref<1x128xi32, #tpu.memory_space<vmem>>
        %dma_wait3A_203 = tpu.memref_squeeze %dma_wait3A_202 : memref<1x128xi32, #tpu.memory_space<vmem>> -> memref<128xi32, #tpu.memory_space<vmem>>
        %dma_wait3A_204 = arith.constant 0 : i32
        %dma_wait3A_205 = arith.constant 0 : i32
        %dma_wait3A_206 = tpu.memref_slice %arg9[%dma_wait3A_204, %dma_wait3A_205] : memref<10240x128xf32, #tpu.memory_space<vmem_shared>> -> memref<10240x128xf32, #tpu.memory_space<vmem_shared>>
        tpu.wait_indirect_dma semaphore(%run_scoped3A_188 : memref<!tpu.dma_semaphore, #tpu.memory_space<semaphore_mem>>) src(%dma_wait3A_200 : memref<128x128xf32, #tpu.memory_space<vmem>>) dst(%dma_wait3A_206 : memref<10240x128xf32, #tpu.memory_space<vmem_shared>>)
        tpu.yield
      }) : () -> ()
      %add3A_181 = arith.constant 2 : i32
      %add3A_182 = arith.addi %add3A_156, %add3A_181 : i32
      %lt3A_183 = arith.constant 40 : i32
      %lt3A_184 = arith.cmpi slt, %add3A_182, %lt3A_183 : i32
      %convert_element_type3A_185 = arith.extui %lt3A_184 : i1 to i32
      %cond3A_186 = arith.constant 0 : i32
      %cond3A_187 = arith.cmpi ne, %convert_element_type3A_185, %cond3A_186 : i32
      scf.if %cond3A_187 {
        %add3A_188 = arith.constant 2 : i32
        %add3A_189 = arith.addi %add3A_156, %add3A_188 : i32
        %dma_start3A_190 = arith.constant 128 : i32
        %dma_start3A_191 = arith.constant 0 : i32
        %dma_start3A_192 = tpu.memref_slice %arg8[%dma_start3A_190, %dma_start3A_191] : memref<256x128xf32, #tpu.memory_space<vmem>> -> memref<64x128xf32, #tpu.memory_space<vmem>>
        %dma_start3A_193 = arith.constant 0 : i32
        %dma_start3A_194 = tpu.memref_slice %arg6[%add3A_189, %dma_start3A_193] : memref<40x128xi32, #tpu.memory_space<vmem>> -> memref<1x128xi32, #tpu.memory_space<vmem>>
        %dma_start3A_195 = tpu.memref_squeeze %dma_start3A_194 : memref<1x128xi32, #tpu.memory_space<vmem>> -> memref<128xi32, #tpu.memory_space<vmem>>
        %dma_start3A_196 = arith.constant 0 : i32
        %dma_start3A_197 = tpu.memref_slice %dma_start3A_195[%dma_start3A_196] : memref<128xi32, #tpu.memory_space<vmem>> -> memref<64xi32, #tpu.memory_space<vmem>>
        %dma_start3A_198 = arith.constant 0 : i32
        %dma_start3A_199 = arith.constant 0 : i32
        %dma_start3A_200 = tpu.memref_slice %arg2[%dma_start3A_198, %dma_start3A_199] : memref<10240x128xf32, #tpu.memory_space<hbm>> -> memref<10240x128xf32, #tpu.memory_space<hbm>>
        tpu.enqueue_indirect_dma source(%dma_start3A_200 : memref<10240x128xf32, #tpu.memory_space<hbm>>) target(%dma_start3A_192 : memref<64x128xf32, #tpu.memory_space<vmem>>) offsets(%dma_start3A_197 : memref<64xi32, #tpu.memory_space<vmem>>) semaphore(%arg12 : memref<!tpu.dma_semaphore, #tpu.memory_space<semaphore_mem>>)
        %add3A_201 = arith.constant 2 : i32
        %add3A_202 = arith.addi %add3A_156, %add3A_201 : i32
        %dma_start3A_203 = arith.constant 192 : i32
        %dma_start3A_204 = arith.constant 0 : i32
        %dma_start3A_205 = tpu.memref_slice %arg8[%dma_start3A_203, %dma_start3A_204] : memref<256x128xf32, #tpu.memory_space<vmem>> -> memref<64x128xf32, #tpu.memory_space<vmem>>
        %dma_start3A_206 = arith.constant 0 : i32
        %dma_start3A_207 = tpu.memref_slice %arg6[%add3A_202, %dma_start3A_206] : memref<40x128xi32, #tpu.memory_space<vmem>> -> memref<1x128xi32, #tpu.memory_space<vmem>>
        %dma_start3A_208 = tpu.memref_squeeze %dma_start3A_207 : memref<1x128xi32, #tpu.memory_space<vmem>> -> memref<128xi32, #tpu.memory_space<vmem>>
        %dma_start3A_209 = arith.constant 64 : i32
        %dma_start3A_210 = tpu.memref_slice %dma_start3A_208[%dma_start3A_209] : memref<128xi32, #tpu.memory_space<vmem>> -> memref<64xi32, #tpu.memory_space<vmem>>
        %dma_start3A_211 = arith.constant 0 : i32
        %dma_start3A_212 = arith.constant 0 : i32
        %dma_start3A_213 = tpu.memref_slice %arg2[%dma_start3A_211, %dma_start3A_212] : memref<10240x128xf32, #tpu.memory_space<hbm>> -> memref<10240x128xf32, #tpu.memory_space<hbm>>
        tpu.enqueue_indirect_dma source(%dma_start3A_213 : memref<10240x128xf32, #tpu.memory_space<hbm>>) target(%dma_start3A_205 : memref<64x128xf32, #tpu.memory_space<vmem>>) offsets(%dma_start3A_210 : memref<64xi32, #tpu.memory_space<vmem>>) semaphore(%arg13 : memref<!tpu.dma_semaphore, #tpu.memory_space<semaphore_mem>>)
      } else {
      }
    }
    %scan3A_59 = arith.constant 20 : i32
    %mul3A_60 = arith.constant 80 : i32
    %mul3A_61 = arith.muli %add3A, %mul3A_60 : i32
    %add3A_62 = arith.constant 40 : i32
    %add3A_63 = arith.addi %mul3A_61, %add3A_62 : i32
    %run_scoped3A_64 = arith.constant 0 : i32
    "tpu.region"() ({
      %run_scoped3A_121 = tpu.sem_alloc : memref<!tpu.dma_semaphore, #tpu.memory_space<semaphore_mem>>
      %dma_start3A_122 = arith.constant 0 : i32
      %dma_start3A_123 = arith.constant 0 : i32
      %dma_start3A_124 = tpu.memref_slice %arg3[%run_scoped3A_64, %dma_start3A_122, %dma_start3A_123] : memref<2x2560x128xi32, #tpu.memory_space<hbm>> -> memref<1x2560x128xi32, #tpu.memory_space<hbm>>
      %dma_start3A_125 = tpu.memref_squeeze %dma_start3A_124 : memref<1x2560x128xi32, #tpu.memory_space<hbm>> -> memref<2560x128xi32, #tpu.memory_space<hbm>>
      %dma_start3A_126 = arith.constant 0 : i32
      %dma_start3A_127 = tpu.memref_slice %dma_start3A_125[%add3A_63, %dma_start3A_126] : memref<2560x128xi32, #tpu.memory_space<hbm>> -> memref<40x128xi32, #tpu.memory_space<hbm>>
      %dma_start3A_128 = arith.constant 0 : i32
      %dma_start3A_129 = arith.constant 0 : i32
      %dma_start3A_130 = tpu.memref_slice %arg3[%run_scoped3A_64, %dma_start3A_128, %dma_start3A_129] : memref<2x2560x128xi32, #tpu.memory_space<hbm>> -> memref<1x2560x128xi32, #tpu.memory_space<hbm>>
      %dma_start3A_131 = tpu.memref_squeeze %dma_start3A_130 : memref<1x2560x128xi32, #tpu.memory_space<hbm>> -> memref<2560x128xi32, #tpu.memory_space<hbm>>
      %dma_start3A_132 = arith.constant 0 : i32
      %dma_start3A_133 = tpu.memref_slice %dma_start3A_131[%add3A_63, %dma_start3A_132] : memref<2560x128xi32, #tpu.memory_space<hbm>> -> memref<40x128xi32, #tpu.memory_space<hbm>>
      tpu.enqueue_dma source(%dma_start3A_133 : memref<40x128xi32, #tpu.memory_space<hbm>>) target(%arg6 : memref<40x128xi32, #tpu.memory_space<vmem>>) target_semaphore(%run_scoped3A_121 : memref<!tpu.dma_semaphore, #tpu.memory_space<semaphore_mem>>)
      %dma_wait3A = arith.constant 0 : i32
      %dma_wait3A_134 = arith.constant 0 : i32
      %dma_wait3A_135 = tpu.memref_slice %arg3[%run_scoped3A_64, %dma_wait3A, %dma_wait3A_134] : memref<2x2560x128xi32, #tpu.memory_space<hbm>> -> memref<1x2560x128xi32, #tpu.memory_space<hbm>>
      %dma_wait3A_136 = tpu.memref_squeeze %dma_wait3A_135 : memref<1x2560x128xi32, #tpu.memory_space<hbm>> -> memref<2560x128xi32, #tpu.memory_space<hbm>>
      %dma_wait3A_137 = arith.constant 0 : i32
      %dma_wait3A_138 = tpu.memref_slice %dma_wait3A_136[%add3A_63, %dma_wait3A_137] : memref<2560x128xi32, #tpu.memory_space<hbm>> -> memref<40x128xi32, #tpu.memory_space<hbm>>
      %dma_wait3A_139 = arith.constant 0 : i32
      %dma_wait3A_140 = arith.constant 0 : i32
      %dma_wait3A_141 = tpu.memref_slice %arg3[%run_scoped3A_64, %dma_wait3A_139, %dma_wait3A_140] : memref<2x2560x128xi32, #tpu.memory_space<hbm>> -> memref<1x2560x128xi32, #tpu.memory_space<hbm>>
      %dma_wait3A_142 = tpu.memref_squeeze %dma_wait3A_141 : memref<1x2560x128xi32, #tpu.memory_space<hbm>> -> memref<2560x128xi32, #tpu.memory_space<hbm>>
      %dma_wait3A_143 = arith.constant 0 : i32
      %dma_wait3A_144 = tpu.memref_slice %dma_wait3A_142[%add3A_63, %dma_wait3A_143] : memref<2560x128xi32, #tpu.memory_space<hbm>> -> memref<40x128xi32, #tpu.memory_space<hbm>>
      tpu.wait_dma2 semaphore(%run_scoped3A_121 : memref<!tpu.dma_semaphore, #tpu.memory_space<semaphore_mem>>) src(%dma_wait3A_144 : memref<40x128xi32, #tpu.memory_space<hbm>>) dst(%arg6 : memref<40x128xi32, #tpu.memory_space<vmem>>)
      tpu.yield
    }) : () -> ()
    %run_scoped3A_65 = arith.constant 1 : i32
    "tpu.region"() ({
      %run_scoped3A_121 = tpu.sem_alloc : memref<!tpu.dma_semaphore, #tpu.memory_space<semaphore_mem>>
      %dma_start3A_122 = arith.constant 0 : i32
      %dma_start3A_123 = arith.constant 0 : i32
      %dma_start3A_124 = tpu.memref_slice %arg3[%run_scoped3A_65, %dma_start3A_122, %dma_start3A_123] : memref<2x2560x128xi32, #tpu.memory_space<hbm>> -> memref<1x2560x128xi32, #tpu.memory_space<hbm>>
      %dma_start3A_125 = tpu.memref_squeeze %dma_start3A_124 : memref<1x2560x128xi32, #tpu.memory_space<hbm>> -> memref<2560x128xi32, #tpu.memory_space<hbm>>
      %dma_start3A_126 = arith.constant 0 : i32
      %dma_start3A_127 = tpu.memref_slice %dma_start3A_125[%add3A_63, %dma_start3A_126] : memref<2560x128xi32, #tpu.memory_space<hbm>> -> memref<40x128xi32, #tpu.memory_space<hbm>>
      %dma_start3A_128 = arith.constant 0 : i32
      %dma_start3A_129 = arith.constant 0 : i32
      %dma_start3A_130 = tpu.memref_slice %arg3[%run_scoped3A_65, %dma_start3A_128, %dma_start3A_129] : memref<2x2560x128xi32, #tpu.memory_space<hbm>> -> memref<1x2560x128xi32, #tpu.memory_space<hbm>>
      %dma_start3A_131 = tpu.memref_squeeze %dma_start3A_130 : memref<1x2560x128xi32, #tpu.memory_space<hbm>> -> memref<2560x128xi32, #tpu.memory_space<hbm>>
      %dma_start3A_132 = arith.constant 0 : i32
      %dma_start3A_133 = tpu.memref_slice %dma_start3A_131[%add3A_63, %dma_start3A_132] : memref<2560x128xi32, #tpu.memory_space<hbm>> -> memref<40x128xi32, #tpu.memory_space<hbm>>
      tpu.enqueue_dma source(%dma_start3A_133 : memref<40x128xi32, #tpu.memory_space<hbm>>) target(%arg7 : memref<40x128xi32, #tpu.memory_space<vmem>>) target_semaphore(%run_scoped3A_121 : memref<!tpu.dma_semaphore, #tpu.memory_space<semaphore_mem>>)
      %dma_wait3A = arith.constant 0 : i32
      %dma_wait3A_134 = arith.constant 0 : i32
      %dma_wait3A_135 = tpu.memref_slice %arg3[%run_scoped3A_65, %dma_wait3A, %dma_wait3A_134] : memref<2x2560x128xi32, #tpu.memory_space<hbm>> -> memref<1x2560x128xi32, #tpu.memory_space<hbm>>
      %dma_wait3A_136 = tpu.memref_squeeze %dma_wait3A_135 : memref<1x2560x128xi32, #tpu.memory_space<hbm>> -> memref<2560x128xi32, #tpu.memory_space<hbm>>
      %dma_wait3A_137 = arith.constant 0 : i32
      %dma_wait3A_138 = tpu.memref_slice %dma_wait3A_136[%add3A_63, %dma_wait3A_137] : memref<2560x128xi32, #tpu.memory_space<hbm>> -> memref<40x128xi32, #tpu.memory_space<hbm>>
      %dma_wait3A_139 = arith.constant 0 : i32
      %dma_wait3A_140 = arith.constant 0 : i32
      %dma_wait3A_141 = tpu.memref_slice %arg3[%run_scoped3A_65, %dma_wait3A_139, %dma_wait3A_140] : memref<2x2560x128xi32, #tpu.memory_space<hbm>> -> memref<1x2560x128xi32, #tpu.memory_space<hbm>>
      %dma_wait3A_142 = tpu.memref_squeeze %dma_wait3A_141 : memref<1x2560x128xi32, #tpu.memory_space<hbm>> -> memref<2560x128xi32, #tpu.memory_space<hbm>>
      %dma_wait3A_143 = arith.constant 0 : i32
      %dma_wait3A_144 = tpu.memref_slice %dma_wait3A_142[%add3A_63, %dma_wait3A_143] : memref<2560x128xi32, #tpu.memory_space<hbm>> -> memref<40x128xi32, #tpu.memory_space<hbm>>
      tpu.wait_dma2 semaphore(%run_scoped3A_121 : memref<!tpu.dma_semaphore, #tpu.memory_space<semaphore_mem>>) src(%dma_wait3A_144 : memref<40x128xi32, #tpu.memory_space<hbm>>) dst(%arg7 : memref<40x128xi32, #tpu.memory_space<vmem>>)
      tpu.yield
    }) : () -> ()
    %dma_start3A_66 = arith.constant 0 : i32
    %dma_start3A_67 = arith.constant 0 : i32
    %dma_start3A_68 = arith.constant 0 : i32
    %dma_start3A_69 = tpu.memref_slice %arg8[%dma_start3A_67, %dma_start3A_68] : memref<256x128xf32, #tpu.memory_space<vmem>> -> memref<64x128xf32, #tpu.memory_space<vmem>>
    %dma_start3A_70 = arith.constant 0 : i32
    %dma_start3A_71 = tpu.memref_slice %arg6[%dma_start3A_66, %dma_start3A_70] : memref<40x128xi32, #tpu.memory_space<vmem>> -> memref<1x128xi32, #tpu.memory_space<vmem>>
    %dma_start3A_72 = tpu.memref_squeeze %dma_start3A_71 : memref<1x128xi32, #tpu.memory_space<vmem>> -> memref<128xi32, #tpu.memory_space<vmem>>
    %dma_start3A_73 = arith.constant 0 : i32
    %dma_start3A_74 = tpu.memref_slice %dma_start3A_72[%dma_start3A_73] : memref<128xi32, #tpu.memory_space<vmem>> -> memref<64xi32, #tpu.memory_space<vmem>>
    %dma_start3A_75 = arith.constant 0 : i32
    %dma_start3A_76 = arith.constant 0 : i32
    %dma_start3A_77 = tpu.memref_slice %arg2[%dma_start3A_75, %dma_start3A_76] : memref<10240x128xf32, #tpu.memory_space<hbm>> -> memref<10240x128xf32, #tpu.memory_space<hbm>>
    tpu.enqueue_indirect_dma source(%dma_start3A_77 : memref<10240x128xf32, #tpu.memory_space<hbm>>) target(%dma_start3A_69 : memref<64x128xf32, #tpu.memory_space<vmem>>) offsets(%dma_start3A_74 : memref<64xi32, #tpu.memory_space<vmem>>) semaphore(%arg10 : memref<!tpu.dma_semaphore, #tpu.memory_space<semaphore_mem>>)
    %dma_start3A_78 = arith.constant 0 : i32
    %dma_start3A_79 = arith.constant 64 : i32
    %dma_start3A_80 = arith.constant 0 : i32
    %dma_start3A_81 = tpu.memref_slice %arg8[%dma_start3A_79, %dma_start3A_80] : memref<256x128xf32, #tpu.memory_space<vmem>> -> memref<64x128xf32, #tpu.memory_space<vmem>>
    %dma_start3A_82 = arith.constant 0 : i32
    %dma_start3A_83 = tpu.memref_slice %arg6[%dma_start3A_78, %dma_start3A_82] : memref<40x128xi32, #tpu.memory_space<vmem>> -> memref<1x128xi32, #tpu.memory_space<vmem>>
    %dma_start3A_84 = tpu.memref_squeeze %dma_start3A_83 : memref<1x128xi32, #tpu.memory_space<vmem>> -> memref<128xi32, #tpu.memory_space<vmem>>
    %dma_start3A_85 = arith.constant 64 : i32
    %dma_start3A_86 = tpu.memref_slice %dma_start3A_84[%dma_start3A_85] : memref<128xi32, #tpu.memory_space<vmem>> -> memref<64xi32, #tpu.memory_space<vmem>>
    %dma_start3A_87 = arith.constant 0 : i32
    %dma_start3A_88 = arith.constant 0 : i32
    %dma_start3A_89 = tpu.memref_slice %arg2[%dma_start3A_87, %dma_start3A_88] : memref<10240x128xf32, #tpu.memory_space<hbm>> -> memref<10240x128xf32, #tpu.memory_space<hbm>>
    tpu.enqueue_indirect_dma source(%dma_start3A_89 : memref<10240x128xf32, #tpu.memory_space<hbm>>) target(%dma_start3A_81 : memref<64x128xf32, #tpu.memory_space<vmem>>) offsets(%dma_start3A_86 : memref<64xi32, #tpu.memory_space<vmem>>) semaphore(%arg11 : memref<!tpu.dma_semaphore, #tpu.memory_space<semaphore_mem>>)
    %dma_start3A_90 = arith.constant 1 : i32
    %dma_start3A_91 = arith.constant 128 : i32
    %dma_start3A_92 = arith.constant 0 : i32
    %dma_start3A_93 = tpu.memref_slice %arg8[%dma_start3A_91, %dma_start3A_92] : memref<256x128xf32, #tpu.memory_space<vmem>> -> memref<64x128xf32, #tpu.memory_space<vmem>>
    %dma_start3A_94 = arith.constant 0 : i32
    %dma_start3A_95 = tpu.memref_slice %arg6[%dma_start3A_90, %dma_start3A_94] : memref<40x128xi32, #tpu.memory_space<vmem>> -> memref<1x128xi32, #tpu.memory_space<vmem>>
    %dma_start3A_96 = tpu.memref_squeeze %dma_start3A_95 : memref<1x128xi32, #tpu.memory_space<vmem>> -> memref<128xi32, #tpu.memory_space<vmem>>
    %dma_start3A_97 = arith.constant 0 : i32
    %dma_start3A_98 = tpu.memref_slice %dma_start3A_96[%dma_start3A_97] : memref<128xi32, #tpu.memory_space<vmem>> -> memref<64xi32, #tpu.memory_space<vmem>>
    %dma_start3A_99 = arith.constant 0 : i32
    %dma_start3A_100 = arith.constant 0 : i32
    %dma_start3A_101 = tpu.memref_slice %arg2[%dma_start3A_99, %dma_start3A_100] : memref<10240x128xf32, #tpu.memory_space<hbm>> -> memref<10240x128xf32, #tpu.memory_space<hbm>>
    tpu.enqueue_indirect_dma source(%dma_start3A_101 : memref<10240x128xf32, #tpu.memory_space<hbm>>) target(%dma_start3A_93 : memref<64x128xf32, #tpu.memory_space<vmem>>) offsets(%dma_start3A_98 : memref<64xi32, #tpu.memory_space<vmem>>) semaphore(%arg12 : memref<!tpu.dma_semaphore, #tpu.memory_space<semaphore_mem>>)
    %dma_start3A_102 = arith.constant 1 : i32
    %dma_start3A_103 = arith.constant 192 : i32
    %dma_start3A_104 = arith.constant 0 : i32
    %dma_start3A_105 = tpu.memref_slice %arg8[%dma_start3A_103, %dma_start3A_104] : memref<256x128xf32, #tpu.memory_space<vmem>> -> memref<64x128xf32, #tpu.memory_space<vmem>>
    %dma_start3A_106 = arith.constant 0 : i32
    %dma_start3A_107 = tpu.memref_slice %arg6[%dma_start3A_102, %dma_start3A_106] : memref<40x128xi32, #tpu.memory_space<vmem>> -> memref<1x128xi32, #tpu.memory_space<vmem>>
    %dma_start3A_108 = tpu.memref_squeeze %dma_start3A_107 : memref<1x128xi32, #tpu.memory_space<vmem>> -> memref<128xi32, #tpu.memory_space<vmem>>
    %dma_start3A_109 = arith.constant 64 : i32
    %dma_start3A_110 = tpu.memref_slice %dma_start3A_108[%dma_start3A_109] : memref<128xi32, #tpu.memory_space<vmem>> -> memref<64xi32, #tpu.memory_space<vmem>>
    %dma_start3A_111 = arith.constant 0 : i32
    %dma_start3A_112 = arith.constant 0 : i32
    %dma_start3A_113 = tpu.memref_slice %arg2[%dma_start3A_111, %dma_start3A_112] : memref<10240x128xf32, #tpu.memory_space<hbm>> -> memref<10240x128xf32, #tpu.memory_space<hbm>>
    tpu.enqueue_indirect_dma source(%dma_start3A_113 : memref<10240x128xf32, #tpu.memory_space<hbm>>) target(%dma_start3A_105 : memref<64x128xf32, #tpu.memory_space<vmem>>) offsets(%dma_start3A_110 : memref<64xi32, #tpu.memory_space<vmem>>) semaphore(%arg13 : memref<!tpu.dma_semaphore, #tpu.memory_space<semaphore_mem>>)
    %scan3A_114 = arith.constant 0 : i32
    %scan3A_115 = arith.constant 0 : i32
    %scan3A_116 = arith.constant 20 : i32
    %scan3A_117 = arith.addi %scan3A_115, %scan3A_116 : i32
    %scan3A_118 = arith.constant 1 : i32
    scf.for %scan3A_121 = %scan3A_115 to %scan3A_117 step %scan3A_118  : i32 {
      %mul3A_122 = arith.constant 2 : i32
      %mul3A_123 = arith.muli %scan3A_121, %mul3A_122 : i32
      %add3A_124 = arith.constant 0 : i32
      %add3A_125 = arith.addi %mul3A_123, %add3A_124 : i32
      %dma_wait3A = arith.constant 0 : i32
      %dma_wait3A_126 = arith.constant 0 : i32
      %dma_wait3A_127 = tpu.memref_slice %arg8[%dma_wait3A, %dma_wait3A_126] : memref<256x128xf32, #tpu.memory_space<vmem>> -> memref<64x128xf32, #tpu.memory_space<vmem>>
      %dma_wait3A_128 = arith.constant 0 : i32
      %dma_wait3A_129 = arith.constant 0 : i32
      %dma_wait3A_130 = tpu.memref_slice %arg2[%dma_wait3A_128, %dma_wait3A_129] : memref<10240x128xf32, #tpu.memory_space<hbm>> -> memref<64x128xf32, #tpu.memory_space<hbm>>
      %dma_wait3A_131 = arith.constant 0 : i32
      %dma_wait3A_132 = arith.constant 0 : i32
      %dma_wait3A_133 = tpu.memref_slice %arg8[%dma_wait3A_131, %dma_wait3A_132] : memref<256x128xf32, #tpu.memory_space<vmem>> -> memref<64x128xf32, #tpu.memory_space<vmem>>
      %dma_wait3A_134 = arith.constant 0 : i32
      %dma_wait3A_135 = arith.constant 0 : i32
      %dma_wait3A_136 = tpu.memref_slice %arg2[%dma_wait3A_134, %dma_wait3A_135] : memref<10240x128xf32, #tpu.memory_space<hbm>> -> memref<64x128xf32, #tpu.memory_space<hbm>>
      tpu.wait_dma2 semaphore(%arg10 : memref<!tpu.dma_semaphore, #tpu.memory_space<semaphore_mem>>) src(%dma_wait3A_136 : memref<64x128xf32, #tpu.memory_space<hbm>>) dst(%dma_wait3A_133 : memref<64x128xf32, #tpu.memory_space<vmem>>)
      %dma_wait3A_137 = arith.constant 64 : i32
      %dma_wait3A_138 = arith.constant 0 : i32
      %dma_wait3A_139 = tpu.memref_slice %arg8[%dma_wait3A_137, %dma_wait3A_138] : memref<256x128xf32, #tpu.memory_space<vmem>> -> memref<64x128xf32, #tpu.memory_space<vmem>>
      %dma_wait3A_140 = arith.constant 0 : i32
      %dma_wait3A_141 = arith.constant 0 : i32
      %dma_wait3A_142 = tpu.memref_slice %arg2[%dma_wait3A_140, %dma_wait3A_141] : memref<10240x128xf32, #tpu.memory_space<hbm>> -> memref<64x128xf32, #tpu.memory_space<hbm>>
      %dma_wait3A_143 = arith.constant 64 : i32
      %dma_wait3A_144 = arith.constant 0 : i32
      %dma_wait3A_145 = tpu.memref_slice %arg8[%dma_wait3A_143, %dma_wait3A_144] : memref<256x128xf32, #tpu.memory_space<vmem>> -> memref<64x128xf32, #tpu.memory_space<vmem>>
      %dma_wait3A_146 = arith.constant 0 : i32
      %dma_wait3A_147 = arith.constant 0 : i32
      %dma_wait3A_148 = tpu.memref_slice %arg2[%dma_wait3A_146, %dma_wait3A_147] : memref<10240x128xf32, #tpu.memory_space<hbm>> -> memref<64x128xf32, #tpu.memory_space<hbm>>
      tpu.wait_dma2 semaphore(%arg11 : memref<!tpu.dma_semaphore, #tpu.memory_space<semaphore_mem>>) src(%dma_wait3A_148 : memref<64x128xf32, #tpu.memory_space<hbm>>) dst(%dma_wait3A_145 : memref<64x128xf32, #tpu.memory_space<vmem>>)
      "tpu.region"() ({
        %run_scoped3A_188 = tpu.sem_alloc : memref<!tpu.dma_semaphore, #tpu.memory_space<semaphore_mem>>
        %dma_start3A_189 = arith.constant 0 : i32
        %dma_start3A_190 = arith.constant 0 : i32
        %dma_start3A_191 = tpu.memref_slice %arg8[%dma_start3A_189, %dma_start3A_190] : memref<256x128xf32, #tpu.memory_space<vmem>> -> memref<128x128xf32, #tpu.memory_space<vmem>>
        %dma_start3A_192 = arith.constant 0 : i32
        %dma_start3A_193 = tpu.memref_slice %arg7[%add3A_125, %dma_start3A_192] : memref<40x128xi32, #tpu.memory_space<vmem>> -> memref<1x128xi32, #tpu.memory_space<vmem>>
        %dma_start3A_194 = tpu.memref_squeeze %dma_start3A_193 : memref<1x128xi32, #tpu.memory_space<vmem>> -> memref<128xi32, #tpu.memory_space<vmem>>
        %dma_start3A_195 = arith.constant 0 : i32
        %dma_start3A_196 = arith.constant 0 : i32
        %dma_start3A_197 = tpu.memref_slice %arg9[%dma_start3A_195, %dma_start3A_196] : memref<10240x128xf32, #tpu.memory_space<vmem_shared>> -> memref<10240x128xf32, #tpu.memory_space<vmem_shared>>
        tpu.enqueue_indirect_dma source(%dma_start3A_191 : memref<128x128xf32, #tpu.memory_space<vmem>>) target(%dma_start3A_197 : memref<10240x128xf32, #tpu.memory_space<vmem_shared>>) offsets(%dma_start3A_194 : memref<128xi32, #tpu.memory_space<vmem>>) semaphore(%run_scoped3A_188 : memref<!tpu.dma_semaphore, #tpu.memory_space<semaphore_mem>>) {add = true}
        %dma_wait3A_198 = arith.constant 0 : i32
        %dma_wait3A_199 = arith.constant 0 : i32
        %dma_wait3A_200 = tpu.memref_slice %arg8[%dma_wait3A_198, %dma_wait3A_199] : memref<256x128xf32, #tpu.memory_space<vmem>> -> memref<128x128xf32, #tpu.memory_space<vmem>>
        %dma_wait3A_201 = arith.constant 0 : i32
        %dma_wait3A_202 = tpu.memref_slice %arg7[%add3A_125, %dma_wait3A_201] : memref<40x128xi32, #tpu.memory_space<vmem>> -> memref<1x128xi32, #tpu.memory_space<vmem>>
        %dma_wait3A_203 = tpu.memref_squeeze %dma_wait3A_202 : memref<1x128xi32, #tpu.memory_space<vmem>> -> memref<128xi32, #tpu.memory_space<vmem>>
        %dma_wait3A_204 = arith.constant 0 : i32
        %dma_wait3A_205 = arith.constant 0 : i32
        %dma_wait3A_206 = tpu.memref_slice %arg9[%dma_wait3A_204, %dma_wait3A_205] : memref<10240x128xf32, #tpu.memory_space<vmem_shared>> -> memref<10240x128xf32, #tpu.memory_space<vmem_shared>>
        tpu.wait_indirect_dma semaphore(%run_scoped3A_188 : memref<!tpu.dma_semaphore, #tpu.memory_space<semaphore_mem>>) src(%dma_wait3A_200 : memref<128x128xf32, #tpu.memory_space<vmem>>) dst(%dma_wait3A_206 : memref<10240x128xf32, #tpu.memory_space<vmem_shared>>)
        tpu.yield
      }) : () -> ()
      %add3A_149 = arith.constant 2 : i32
      %add3A_150 = arith.addi %add3A_125, %add3A_149 : i32
      %lt3A = arith.constant 40 : i32
      %lt3A_151 = arith.cmpi slt, %add3A_150, %lt3A : i32
      %convert_element_type3A = arith.extui %lt3A_151 : i1 to i32
      %cond3A = arith.constant 0 : i32
      %cond3A_152 = arith.cmpi ne, %convert_element_type3A, %cond3A : i32
      scf.if %cond3A_152 {
        %add3A_188 = arith.constant 2 : i32
        %add3A_189 = arith.addi %add3A_125, %add3A_188 : i32
        %dma_start3A_190 = arith.constant 0 : i32
        %dma_start3A_191 = arith.constant 0 : i32
        %dma_start3A_192 = tpu.memref_slice %arg8[%dma_start3A_190, %dma_start3A_191] : memref<256x128xf32, #tpu.memory_space<vmem>> -> memref<64x128xf32, #tpu.memory_space<vmem>>
        %dma_start3A_193 = arith.constant 0 : i32
        %dma_start3A_194 = tpu.memref_slice %arg6[%add3A_189, %dma_start3A_193] : memref<40x128xi32, #tpu.memory_space<vmem>> -> memref<1x128xi32, #tpu.memory_space<vmem>>
        %dma_start3A_195 = tpu.memref_squeeze %dma_start3A_194 : memref<1x128xi32, #tpu.memory_space<vmem>> -> memref<128xi32, #tpu.memory_space<vmem>>
        %dma_start3A_196 = arith.constant 0 : i32
        %dma_start3A_197 = tpu.memref_slice %dma_start3A_195[%dma_start3A_196] : memref<128xi32, #tpu.memory_space<vmem>> -> memref<64xi32, #tpu.memory_space<vmem>>
        %dma_start3A_198 = arith.constant 0 : i32
        %dma_start3A_199 = arith.constant 0 : i32
        %dma_start3A_200 = tpu.memref_slice %arg2[%dma_start3A_198, %dma_start3A_199] : memref<10240x128xf32, #tpu.memory_space<hbm>> -> memref<10240x128xf32, #tpu.memory_space<hbm>>
        tpu.enqueue_indirect_dma source(%dma_start3A_200 : memref<10240x128xf32, #tpu.memory_space<hbm>>) target(%dma_start3A_192 : memref<64x128xf32, #tpu.memory_space<vmem>>) offsets(%dma_start3A_197 : memref<64xi32, #tpu.memory_space<vmem>>) semaphore(%arg10 : memref<!tpu.dma_semaphore, #tpu.memory_space<semaphore_mem>>)
        %add3A_201 = arith.constant 2 : i32
        %add3A_202 = arith.addi %add3A_125, %add3A_201 : i32
        %dma_start3A_203 = arith.constant 64 : i32
        %dma_start3A_204 = arith.constant 0 : i32
        %dma_start3A_205 = tpu.memref_slice %arg8[%dma_start3A_203, %dma_start3A_204] : memref<256x128xf32, #tpu.memory_space<vmem>> -> memref<64x128xf32, #tpu.memory_space<vmem>>
        %dma_start3A_206 = arith.constant 0 : i32
        %dma_start3A_207 = tpu.memref_slice %arg6[%add3A_202, %dma_start3A_206] : memref<40x128xi32, #tpu.memory_space<vmem>> -> memref<1x128xi32, #tpu.memory_space<vmem>>
        %dma_start3A_208 = tpu.memref_squeeze %dma_start3A_207 : memref<1x128xi32, #tpu.memory_space<vmem>> -> memref<128xi32, #tpu.memory_space<vmem>>
        %dma_start3A_209 = arith.constant 64 : i32
        %dma_start3A_210 = tpu.memref_slice %dma_start3A_208[%dma_start3A_209] : memref<128xi32, #tpu.memory_space<vmem>> -> memref<64xi32, #tpu.memory_space<vmem>>
        %dma_start3A_211 = arith.constant 0 : i32
        %dma_start3A_212 = arith.constant 0 : i32
        %dma_start3A_213 = tpu.memref_slice %arg2[%dma_start3A_211, %dma_start3A_212] : memref<10240x128xf32, #tpu.memory_space<hbm>> -> memref<10240x128xf32, #tpu.memory_space<hbm>>
        tpu.enqueue_indirect_dma source(%dma_start3A_213 : memref<10240x128xf32, #tpu.memory_space<hbm>>) target(%dma_start3A_205 : memref<64x128xf32, #tpu.memory_space<vmem>>) offsets(%dma_start3A_210 : memref<64xi32, #tpu.memory_space<vmem>>) semaphore(%arg11 : memref<!tpu.dma_semaphore, #tpu.memory_space<semaphore_mem>>)
      } else {
      }
      %mul3A_153 = arith.constant 2 : i32
      %mul3A_154 = arith.muli %scan3A_121, %mul3A_153 : i32
      %add3A_155 = arith.constant 1 : i32
      %add3A_156 = arith.addi %mul3A_154, %add3A_155 : i32
      %dma_wait3A_157 = arith.constant 128 : i32
      %dma_wait3A_158 = arith.constant 0 : i32
      %dma_wait3A_159 = tpu.memref_slice %arg8[%dma_wait3A_157, %dma_wait3A_158] : memref<256x128xf32, #tpu.memory_space<vmem>> -> memref<64x128xf32, #tpu.memory_space<vmem>>
      %dma_wait3A_160 = arith.constant 0 : i32
      %dma_wait3A_161 = arith.constant 0 : i32
      %dma_wait3A_162 = tpu.memref_slice %arg2[%dma_wait3A_160, %dma_wait3A_161] : memref<10240x128xf32, #tpu.memory_space<hbm>> -> memref<64x128xf32, #tpu.memory_space<hbm>>
      %dma_wait3A_163 = arith.constant 128 : i32
      %dma_wait3A_164 = arith.constant 0 : i32
      %dma_wait3A_165 = tpu.memref_slice %arg8[%dma_wait3A_163, %dma_wait3A_164] : memref<256x128xf32, #tpu.memory_space<vmem>> -> memref<64x128xf32, #tpu.memory_space<vmem>>
      %dma_wait3A_166 = arith.constant 0 : i32
      %dma_wait3A_167 = arith.constant 0 : i32
      %dma_wait3A_168 = tpu.memref_slice %arg2[%dma_wait3A_166, %dma_wait3A_167] : memref<10240x128xf32, #tpu.memory_space<hbm>> -> memref<64x128xf32, #tpu.memory_space<hbm>>
      tpu.wait_dma2 semaphore(%arg12 : memref<!tpu.dma_semaphore, #tpu.memory_space<semaphore_mem>>) src(%dma_wait3A_168 : memref<64x128xf32, #tpu.memory_space<hbm>>) dst(%dma_wait3A_165 : memref<64x128xf32, #tpu.memory_space<vmem>>)
      %dma_wait3A_169 = arith.constant 192 : i32
      %dma_wait3A_170 = arith.constant 0 : i32
      %dma_wait3A_171 = tpu.memref_slice %arg8[%dma_wait3A_169, %dma_wait3A_170] : memref<256x128xf32, #tpu.memory_space<vmem>> -> memref<64x128xf32, #tpu.memory_space<vmem>>
      %dma_wait3A_172 = arith.constant 0 : i32
      %dma_wait3A_173 = arith.constant 0 : i32
      %dma_wait3A_174 = tpu.memref_slice %arg2[%dma_wait3A_172, %dma_wait3A_173] : memref<10240x128xf32, #tpu.memory_space<hbm>> -> memref<64x128xf32, #tpu.memory_space<hbm>>
      %dma_wait3A_175 = arith.constant 192 : i32
      %dma_wait3A_176 = arith.constant 0 : i32
      %dma_wait3A_177 = tpu.memref_slice %arg8[%dma_wait3A_175, %dma_wait3A_176] : memref<256x128xf32, #tpu.memory_space<vmem>> -> memref<64x128xf32, #tpu.memory_space<vmem>>
      %dma_wait3A_178 = arith.constant 0 : i32
      %dma_wait3A_179 = arith.constant 0 : i32
      %dma_wait3A_180 = tpu.memref_slice %arg2[%dma_wait3A_178, %dma_wait3A_179] : memref<10240x128xf32, #tpu.memory_space<hbm>> -> memref<64x128xf32, #tpu.memory_space<hbm>>
      tpu.wait_dma2 semaphore(%arg13 : memref<!tpu.dma_semaphore, #tpu.memory_space<semaphore_mem>>) src(%dma_wait3A_180 : memref<64x128xf32, #tpu.memory_space<hbm>>) dst(%dma_wait3A_177 : memref<64x128xf32, #tpu.memory_space<vmem>>)
      "tpu.region"() ({
        %run_scoped3A_188 = tpu.sem_alloc : memref<!tpu.dma_semaphore, #tpu.memory_space<semaphore_mem>>
        %dma_start3A_189 = arith.constant 128 : i32
        %dma_start3A_190 = arith.constant 0 : i32
        %dma_start3A_191 = tpu.memref_slice %arg8[%dma_start3A_189, %dma_start3A_190] : memref<256x128xf32, #tpu.memory_space<vmem>> -> memref<128x128xf32, #tpu.memory_space<vmem>>
        %dma_start3A_192 = arith.constant 0 : i32
        %dma_start3A_193 = tpu.memref_slice %arg7[%add3A_156, %dma_start3A_192] : memref<40x128xi32, #tpu.memory_space<vmem>> -> memref<1x128xi32, #tpu.memory_space<vmem>>
        %dma_start3A_194 = tpu.memref_squeeze %dma_start3A_193 : memref<1x128xi32, #tpu.memory_space<vmem>> -> memref<128xi32, #tpu.memory_space<vmem>>
        %dma_start3A_195 = arith.constant 0 : i32
        %dma_start3A_196 = arith.constant 0 : i32
        %dma_start3A_197 = tpu.memref_slice %arg9[%dma_start3A_195, %dma_start3A_196] : memref<10240x128xf32, #tpu.memory_space<vmem_shared>> -> memref<10240x128xf32, #tpu.memory_space<vmem_shared>>
        tpu.enqueue_indirect_dma source(%dma_start3A_191 : memref<128x128xf32, #tpu.memory_space<vmem>>) target(%dma_start3A_197 : memref<10240x128xf32, #tpu.memory_space<vmem_shared>>) offsets(%dma_start3A_194 : memref<128xi32, #tpu.memory_space<vmem>>) semaphore(%run_scoped3A_188 : memref<!tpu.dma_semaphore, #tpu.memory_space<semaphore_mem>>) {add = true}
        %dma_wait3A_198 = arith.constant 128 : i32
        %dma_wait3A_199 = arith.constant 0 : i32
        %dma_wait3A_200 = tpu.memref_slice %arg8[%dma_wait3A_198, %dma_wait3A_199] : memref<256x128xf32, #tpu.memory_space<vmem>> -> memref<128x128xf32, #tpu.memory_space<vmem>>
        %dma_wait3A_201 = arith.constant 0 : i32
        %dma_wait3A_202 = tpu.memref_slice %arg7[%add3A_156, %dma_wait3A_201] : memref<40x128xi32, #tpu.memory_space<vmem>> -> memref<1x128xi32, #tpu.memory_space<vmem>>
        %dma_wait3A_203 = tpu.memref_squeeze %dma_wait3A_202 : memref<1x128xi32, #tpu.memory_space<vmem>> -> memref<128xi32, #tpu.memory_space<vmem>>
        %dma_wait3A_204 = arith.constant 0 : i32
        %dma_wait3A_205 = arith.constant 0 : i32
        %dma_wait3A_206 = tpu.memref_slice %arg9[%dma_wait3A_204, %dma_wait3A_205] : memref<10240x128xf32, #tpu.memory_space<vmem_shared>> -> memref<10240x128xf32, #tpu.memory_space<vmem_shared>>
        tpu.wait_indirect_dma semaphore(%run_scoped3A_188 : memref<!tpu.dma_semaphore, #tpu.memory_space<semaphore_mem>>) src(%dma_wait3A_200 : memref<128x128xf32, #tpu.memory_space<vmem>>) dst(%dma_wait3A_206 : memref<10240x128xf32, #tpu.memory_space<vmem_shared>>)
        tpu.yield
      }) : () -> ()
      %add3A_181 = arith.constant 2 : i32
      %add3A_182 = arith.addi %add3A_156, %add3A_181 : i32
      %lt3A_183 = arith.constant 40 : i32
      %lt3A_184 = arith.cmpi slt, %add3A_182, %lt3A_183 : i32
      %convert_element_type3A_185 = arith.extui %lt3A_184 : i1 to i32
      %cond3A_186 = arith.constant 0 : i32
      %cond3A_187 = arith.cmpi ne, %convert_element_type3A_185, %cond3A_186 : i32
      scf.if %cond3A_187 {
        %add3A_188 = arith.constant 2 : i32
        %add3A_189 = arith.addi %add3A_156, %add3A_188 : i32
        %dma_start3A_190 = arith.constant 128 : i32
        %dma_start3A_191 = arith.constant 0 : i32
        %dma_start3A_192 = tpu.memref_slice %arg8[%dma_start3A_190, %dma_start3A_191] : memref<256x128xf32, #tpu.memory_space<vmem>> -> memref<64x128xf32, #tpu.memory_space<vmem>>
        %dma_start3A_193 = arith.constant 0 : i32
        %dma_start3A_194 = tpu.memref_slice %arg6[%add3A_189, %dma_start3A_193] : memref<40x128xi32, #tpu.memory_space<vmem>> -> memref<1x128xi32, #tpu.memory_space<vmem>>
        %dma_start3A_195 = tpu.memref_squeeze %dma_start3A_194 : memref<1x128xi32, #tpu.memory_space<vmem>> -> memref<128xi32, #tpu.memory_space<vmem>>
        %dma_start3A_196 = arith.constant 0 : i32
        %dma_start3A_197 = tpu.memref_slice %dma_start3A_195[%dma_start3A_196] : memref<128xi32, #tpu.memory_space<vmem>> -> memref<64xi32, #tpu.memory_space<vmem>>
        %dma_start3A_198 = arith.constant 0 : i32
        %dma_start3A_199 = arith.constant 0 : i32
        %dma_start3A_200 = tpu.memref_slice %arg2[%dma_start3A_198, %dma_start3A_199] : memref<10240x128xf32, #tpu.memory_space<hbm>> -> memref<10240x128xf32, #tpu.memory_space<hbm>>
        tpu.enqueue_indirect_dma source(%dma_start3A_200 : memref<10240x128xf32, #tpu.memory_space<hbm>>) target(%dma_start3A_192 : memref<64x128xf32, #tpu.memory_space<vmem>>) offsets(%dma_start3A_197 : memref<64xi32, #tpu.memory_space<vmem>>) semaphore(%arg12 : memref<!tpu.dma_semaphore, #tpu.memory_space<semaphore_mem>>)
        %add3A_201 = arith.constant 2 : i32
        %add3A_202 = arith.addi %add3A_156, %add3A_201 : i32
        %dma_start3A_203 = arith.constant 192 : i32
        %dma_start3A_204 = arith.constant 0 : i32
        %dma_start3A_205 = tpu.memref_slice %arg8[%dma_start3A_203, %dma_start3A_204] : memref<256x128xf32, #tpu.memory_space<vmem>> -> memref<64x128xf32, #tpu.memory_space<vmem>>
        %dma_start3A_206 = arith.constant 0 : i32
        %dma_start3A_207 = tpu.memref_slice %arg6[%add3A_202, %dma_start3A_206] : memref<40x128xi32, #tpu.memory_space<vmem>> -> memref<1x128xi32, #tpu.memory_space<vmem>>
        %dma_start3A_208 = tpu.memref_squeeze %dma_start3A_207 : memref<1x128xi32, #tpu.memory_space<vmem>> -> memref<128xi32, #tpu.memory_space<vmem>>
        %dma_start3A_209 = arith.constant 64 : i32
        %dma_start3A_210 = tpu.memref_slice %dma_start3A_208[%dma_start3A_209] : memref<128xi32, #tpu.memory_space<vmem>> -> memref<64xi32, #tpu.memory_space<vmem>>
        %dma_start3A_211 = arith.constant 0 : i32
        %dma_start3A_212 = arith.constant 0 : i32
        %dma_start3A_213 = tpu.memref_slice %arg2[%dma_start3A_211, %dma_start3A_212] : memref<10240x128xf32, #tpu.memory_space<hbm>> -> memref<10240x128xf32, #tpu.memory_space<hbm>>
        tpu.enqueue_indirect_dma source(%dma_start3A_213 : memref<10240x128xf32, #tpu.memory_space<hbm>>) target(%dma_start3A_205 : memref<64x128xf32, #tpu.memory_space<vmem>>) offsets(%dma_start3A_210 : memref<64xi32, #tpu.memory_space<vmem>>) semaphore(%arg13 : memref<!tpu.dma_semaphore, #tpu.memory_space<semaphore_mem>>)
      } else {
      }
    }
    %scan3A_119 = arith.constant 20 : i32
    %barrier3A_120 = arith.constant 0 : index
    tpu.barrier barrier_id(%barrier3A_120)
    "tpu.region"() ({
      %run_scoped3A_121 = tpu.sem_alloc : memref<!tpu.dma_semaphore, #tpu.memory_space<semaphore_mem>>
      %dma_start3A_122 = arith.constant 0 : i32
      %dma_start3A_123 = arith.constant 0 : i32
      %dma_start3A_124 = tpu.memref_slice %arg5[%arg0, %dma_start3A_122, %dma_start3A_123] : memref<2x10240x128xf32, #tpu.memory_space<hbm>> -> memref<1x10240x128xf32, #tpu.memory_space<hbm>>
      %dma_start3A_125 = tpu.memref_squeeze %dma_start3A_124 : memref<1x10240x128xf32, #tpu.memory_space<hbm>> -> memref<10240x128xf32, #tpu.memory_space<hbm>>
      %dma_start3A_126 = arith.constant 0 : i32
      %dma_start3A_127 = tpu.memref_slice %dma_start3A_125[%mul3A_2, %dma_start3A_126] : memref<10240x128xf32, #tpu.memory_space<hbm>> -> memref<640x128xf32, #tpu.memory_space<hbm>>
      %dma_start3A_128 = arith.constant 0 : i32
      %dma_start3A_129 = tpu.memref_slice %arg9[%mul3A_2, %dma_start3A_128] : memref<10240x128xf32, #tpu.memory_space<vmem_shared>> -> memref<640x128xf32, #tpu.memory_space<vmem_shared>>
      tpu.enqueue_dma source(%dma_start3A_129 : memref<640x128xf32, #tpu.memory_space<vmem_shared>>) target(%dma_start3A_127 : memref<640x128xf32, #tpu.memory_space<hbm>>) target_semaphore(%run_scoped3A_121 : memref<!tpu.dma_semaphore, #tpu.memory_space<semaphore_mem>>)
      %dma_wait3A = arith.constant 0 : i32
      %dma_wait3A_130 = arith.constant 0 : i32
      %dma_wait3A_131 = tpu.memref_slice %arg5[%arg0, %dma_wait3A, %dma_wait3A_130] : memref<2x10240x128xf32, #tpu.memory_space<hbm>> -> memref<1x10240x128xf32, #tpu.memory_space<hbm>>
      %dma_wait3A_132 = tpu.memref_squeeze %dma_wait3A_131 : memref<1x10240x128xf32, #tpu.memory_space<hbm>> -> memref<10240x128xf32, #tpu.memory_space<hbm>>
      %dma_wait3A_133 = arith.constant 0 : i32
      %dma_wait3A_134 = tpu.memref_slice %dma_wait3A_132[%mul3A_2, %dma_wait3A_133] : memref<10240x128xf32, #tpu.memory_space<hbm>> -> memref<640x128xf32, #tpu.memory_space<hbm>>
      %dma_wait3A_135 = arith.constant 0 : i32
      %dma_wait3A_136 = tpu.memref_slice %arg9[%mul3A_2, %dma_wait3A_135] : memref<10240x128xf32, #tpu.memory_space<vmem_shared>> -> memref<640x128xf32, #tpu.memory_space<vmem_shared>>
      tpu.wait_dma2 semaphore(%run_scoped3A_121 : memref<!tpu.dma_semaphore, #tpu.memory_space<semaphore_mem>>) src(%dma_wait3A_136 : memref<640x128xf32, #tpu.memory_space<vmem_shared>>) dst(%dma_wait3A_134 : memref<640x128xf32, #tpu.memory_space<hbm>>)
      tpu.yield
    }) : () -> ()
    return
  }
}

module attributes {stable_mosaic.version = 14 : i64} {
  func.func @_tc_g_body(%arg0: i32, %arg1: memref<640x128xf32, #tpu.memory_space<vmem>>, %arg2: memref<128x128xf32, #tpu.memory_space<vmem>>, %arg3: memref<640x1xf32, #tpu.memory_space<vmem>>, %arg4: memref<640x128xf32, #tpu.memory_space<vmem>>) attributes {dimension_semantics = [#tpu.dimension_semantics<arbitrary>], iteration_bounds = array<i64: 16>, scalar_prefetch = 0 : i64, scratch_operands = 0 : i64, tpu.core_type = #tpu.core_type<tc>, window_params = [{transform_indices = @transform_0, window_bounds = array<i64: 640, 128>}, {pipeline_mode = #tpu.pipeline_mode<synchronous>, transform_indices = @transform_1, window_bounds = array<i64: 128, 128>}, {transform_indices = @transform_2, window_bounds = array<i64: 640, 1>}, {transform_indices = @transform_3, window_bounds = array<i64: 640, 128>}]} {
    %get3A = arith.constant 0 : index
    %get3A_0 = arith.constant 0 : index
    %get3A_1 = vector.load %arg1[%get3A, %get3A_0] : memref<640x128xf32, #tpu.memory_space<vmem>>, vector<640x128xf32>
    %get3A_2 = arith.constant 0 : index
    %get3A_3 = arith.constant 0 : index
    %get3A_4 = vector.load %arg2[%get3A_2, %get3A_3] : memref<128x128xf32, #tpu.memory_space<vmem>>, vector<128x128xf32>
    %dot_general3A = arith.constant dense<0.000000e+00> : vector<640x128xf32>
    %dot_general3A_5 = tpu.matmul %get3A_1, %get3A_4, %dot_general3A {dimension_numbers = #tpu.dot_dimension_numbers<[1], [0], [0], [1], [0, 0, 1, 1], [], []>, transpose_lhs_hint = false} : vector<640x128xf32>, vector<128x128xf32>, vector<640x128xf32> -> vector<640x128xf32>
    %get3A_6 = arith.constant 0 : index
    %get3A_7 = arith.constant 0 : index
    %get3A_8 = vector.load %arg3[%get3A_6, %get3A_7] : memref<640x1xf32, #tpu.memory_space<vmem>>, vector<640x1xf32>
    %mul3A = vector.broadcast %get3A_8 : vector<640x1xf32> to vector<640x128xf32>
    %mul3A_9 = arith.mulf %dot_general3A_5, %mul3A : vector<640x128xf32>
    %swap3A = arith.constant 0 : index
    %swap3A_10 = arith.constant 0 : index
    %swap3A_11 = vector.load %arg4[%swap3A, %swap3A_10] : memref<640x128xf32, #tpu.memory_space<vmem>>, vector<640x128xf32>
    tpu.vector_store %arg4[%swap3A, %swap3A_10], %mul3A_9 {strides = array<i32>} : memref<640x128xf32, #tpu.memory_space<vmem>>, vector<640x128xf32>,
    return
  }
  func.func @transform_0(%arg0: i32) -> (i32, i32) {
    %c0_i32 = arith.constant 0 : i32
    %c0_i32_0 = arith.constant 0 : i32
    return %arg0, %c0_i32 : i32, i32
  }
  func.func @transform_1(%arg0: i32) -> (i32, i32) {
    %c0_i32 = arith.constant 0 : i32
    %c0_i32_0 = arith.constant 0 : i32
    %c0_i32_1 = arith.constant 0 : i32
    return %c0_i32, %c0_i32_0 : i32, i32
  }
  func.func @transform_2(%arg0: i32) -> (i32, i32) {
    %c0_i32 = arith.constant 0 : i32
    %c0_i32_0 = arith.constant 0 : i32
    return %arg0, %c0_i32 : i32, i32
  }
  func.func @transform_3(%arg0: i32) -> (i32, i32) {
    %c0_i32 = arith.constant 0 : i32
    %c0_i32_0 = arith.constant 0 : i32
    return %arg0, %c0_i32 : i32, i32
  }
}

module attributes {stable_mosaic.version = 14 : i64} {
  func.func @_tc_mid_body(%arg0: i32, %arg1: memref<2x640x128xf32, #tpu.memory_space<vmem>>, %arg2: memref<640x128xf32, #tpu.memory_space<vmem>>, %arg3: memref<640x1xf32, #tpu.memory_space<vmem>>, %arg4: memref<1x128xf32, #tpu.memory_space<vmem>>, %arg5: memref<128x128xf32, #tpu.memory_space<vmem>>, %arg6: memref<640x128xf32, #tpu.memory_space<vmem>>) attributes {dimension_semantics = [#tpu.dimension_semantics<arbitrary>], iteration_bounds = array<i64: 16>, scalar_prefetch = 0 : i64, scratch_operands = 0 : i64, tpu.core_type = #tpu.core_type<tc>, window_params = [{transform_indices = @transform_0, window_bounds = array<i64: 2, 640, 128>}, {transform_indices = @transform_1, window_bounds = array<i64: 640, 128>}, {transform_indices = @transform_2, window_bounds = array<i64: 640, 1>}, {pipeline_mode = #tpu.pipeline_mode<synchronous>, transform_indices = @transform_3, window_bounds = array<i64: 1, 128>}, {pipeline_mode = #tpu.pipeline_mode<synchronous>, transform_indices = @transform_4, window_bounds = array<i64: 128, 128>}, {transform_indices = @transform_5, window_bounds = array<i64: 640, 128>}]} {
    %get3A = arith.constant 0 : index
    %get3A_0 = arith.constant 0 : index
    %get3A_1 = arith.constant 0 : index
    %get3A_2 = vector.load %arg1[%get3A, %get3A_0, %get3A_1] : memref<2x640x128xf32, #tpu.memory_space<vmem>>, vector<1x640x128xf32>
    %get3A_3 = vector.shape_cast %get3A_2 : vector<1x640x128xf32> to vector<640x128xf32>
    %get3A_4 = arith.constant 1 : index
    %get3A_5 = arith.constant 0 : index
    %get3A_6 = arith.constant 0 : index
    %get3A_7 = vector.load %arg1[%get3A_4, %get3A_5, %get3A_6] : memref<2x640x128xf32, #tpu.memory_space<vmem>>, vector<1x640x128xf32>
    %get3A_8 = vector.shape_cast %get3A_7 : vector<1x640x128xf32> to vector<640x128xf32>
    %add3A = arith.addf %get3A_3, %get3A_8 : vector<640x128xf32>
    %get3A_9 = arith.constant 0 : index
    %get3A_10 = arith.constant 0 : index
    %get3A_11 = vector.load %arg2[%get3A_9, %get3A_10] : memref<640x128xf32, #tpu.memory_space<vmem>>, vector<640x128xf32>
    %add3A_12 = arith.addf %add3A, %get3A_11 : vector<640x128xf32>
    %get3A_13 = arith.constant 0 : index
    %get3A_14 = arith.constant 0 : index
    %get3A_15 = vector.load %arg3[%get3A_13, %get3A_14] : memref<640x1xf32, #tpu.memory_space<vmem>>, vector<640x1xf32>
    %mul3A = vector.broadcast %get3A_15 : vector<640x1xf32> to vector<640x128xf32>
    %mul3A_16 = arith.mulf %add3A_12, %mul3A : vector<640x128xf32>
    %get3A_17 = arith.constant 0 : index
    %get3A_18 = arith.constant 0 : index
    %get3A_19 = vector.load %arg4[%get3A_17, %get3A_18] : memref<1x128xf32, #tpu.memory_space<vmem>>, vector<1x128xf32>
    %add3A_20 = vector.broadcast %get3A_19 : vector<1x128xf32> to vector<640x128xf32>
    %add3A_21 = arith.addf %mul3A_16, %add3A_20 : vector<640x128xf32>
    %max3A = arith.constant 0.000000e+00 : f32
    %max3A_22 = vector.broadcast %max3A : f32 to vector<640x128xf32>
    %max3A_23 = arith.maximumf %add3A_21, %max3A_22 : vector<640x128xf32>
    %get3A_24 = arith.constant 0 : index
    %get3A_25 = arith.constant 0 : index
    %get3A_26 = vector.load %arg5[%get3A_24, %get3A_25] : memref<128x128xf32, #tpu.memory_space<vmem>>, vector<128x128xf32>
    %dot_general3A = arith.constant dense<0.000000e+00> : vector<640x128xf32>
    %dot_general3A_27 = tpu.matmul %max3A_23, %get3A_26, %dot_general3A {dimension_numbers = #tpu.dot_dimension_numbers<[1], [0], [0], [1], [0, 0, 1, 1], [], []>, transpose_lhs_hint = false} : vector<640x128xf32>, vector<128x128xf32>, vector<640x128xf32> -> vector<640x128xf32>
    %get3A_28 = arith.constant 0 : index
    %get3A_29 = arith.constant 0 : index
    %get3A_30 = vector.load %arg3[%get3A_28, %get3A_29] : memref<640x1xf32, #tpu.memory_space<vmem>>, vector<640x1xf32>
    %mul3A_31 = vector.broadcast %get3A_30 : vector<640x1xf32> to vector<640x128xf32>
    %mul3A_32 = arith.mulf %dot_general3A_27, %mul3A_31 : vector<640x128xf32>
    %swap3A = arith.constant 0 : index
    %swap3A_33 = arith.constant 0 : index
    %swap3A_34 = vector.load %arg6[%swap3A, %swap3A_33] : memref<640x128xf32, #tpu.memory_space<vmem>>, vector<640x128xf32>
    tpu.vector_store %arg6[%swap3A, %swap3A_33], %mul3A_32 {strides = array<i32>} : memref<640x128xf32, #tpu.memory_space<vmem>>, vector<640x128xf32>,
    return
  }
  func.func @transform_0(%arg0: i32) -> (i32, i32, i32) {
    %c0_i32 = arith.constant 0 : i32
    %c0_i32_0 = arith.constant 0 : i32
    %c0_i32_1 = arith.constant 0 : i32
    return %c0_i32, %arg0, %c0_i32_0 : i32, i32, i32
  }
  func.func @transform_1(%arg0: i32) -> (i32, i32) {
    %c0_i32 = arith.constant 0 : i32
    %c0_i32_0 = arith.constant 0 : i32
    return %arg0, %c0_i32 : i32, i32
  }
  func.func @transform_2(%arg0: i32) -> (i32, i32) {
    %c0_i32 = arith.constant 0 : i32
    %c0_i32_0 = arith.constant 0 : i32
    return %arg0, %c0_i32 : i32, i32
  }
  func.func @transform_3(%arg0: i32) -> (i32, i32) {
    %c0_i32 = arith.constant 0 : i32
    %c0_i32_0 = arith.constant 0 : i32
    %c0_i32_1 = arith.constant 0 : i32
    return %c0_i32, %c0_i32_0 : i32, i32
  }
  func.func @transform_4(%arg0: i32) -> (i32, i32) {
    %c0_i32 = arith.constant 0 : i32
    %c0_i32_0 = arith.constant 0 : i32
    %c0_i32_1 = arith.constant 0 : i32
    return %c0_i32, %c0_i32_0 : i32, i32
  }
  func.func @transform_5(%arg0: i32) -> (i32, i32) {
    %c0_i32 = arith.constant 0 : i32
    %c0_i32_0 = arith.constant 0 : i32
    return %arg0, %c0_i32 : i32, i32
  }
}

module attributes {stable_mosaic.version = 14 : i64} {
  func.func @_tc_final_body(%arg0: memref<2x10240x128xf32, #tpu.memory_space<vmem>>, %arg1: memref<10240x128xf32, #tpu.memory_space<vmem>>, %arg2: memref<10240x1xf32, #tpu.memory_space<vmem>>, %arg3: memref<1x128xf32, #tpu.memory_space<vmem>>, %arg4: memref<10240x1xf32, #tpu.memory_space<vmem>>, %arg5: memref<128x128xf32, #tpu.memory_space<vmem>>, %arg6: memref<1x128xf32, #tpu.memory_space<vmem>>, %arg7: memref<128x64xf32, #tpu.memory_space<vmem>>, %arg8: memref<1x64xf32, #tpu.memory_space<vmem>>, %arg9: memref<64x128xf32, #tpu.memory_space<vmem>>, %arg10: memref<1x128xf32, #tpu.memory_space<vmem>>, %arg11: memref<1x128xf32, #tpu.memory_space<vmem>>) attributes {dimension_semantics = [], scalar_prefetch = 0 : i64, scratch_operands = 0 : i64, tpu.core_type = #tpu.core_type<tc>} {
    %get3A = arith.constant 0 : index
    %get3A_0 = arith.constant 0 : index
    %get3A_1 = arith.constant 0 : index
    %get3A_2 = vector.load %arg0[%get3A, %get3A_0, %get3A_1] : memref<2x10240x128xf32, #tpu.memory_space<vmem>>, vector<1x10240x128xf32>
    %get3A_3 = vector.shape_cast %get3A_2 : vector<1x10240x128xf32> to vector<10240x128xf32>
    %get3A_4 = arith.constant 1 : index
    %get3A_5 = arith.constant 0 : index
    %get3A_6 = arith.constant 0 : index
    %get3A_7 = vector.load %arg0[%get3A_4, %get3A_5, %get3A_6] : memref<2x10240x128xf32, #tpu.memory_space<vmem>>, vector<1x10240x128xf32>
    %get3A_8 = vector.shape_cast %get3A_7 : vector<1x10240x128xf32> to vector<10240x128xf32>
    %add3A = arith.addf %get3A_3, %get3A_8 : vector<10240x128xf32>
    %get3A_9 = arith.constant 0 : index
    %get3A_10 = arith.constant 0 : index
    %get3A_11 = vector.load %arg1[%get3A_9, %get3A_10] : memref<10240x128xf32, #tpu.memory_space<vmem>>, vector<10240x128xf32>
    %add3A_12 = arith.addf %add3A, %get3A_11 : vector<10240x128xf32>
    %get3A_13 = arith.constant 0 : index
    %get3A_14 = arith.constant 0 : index
    %get3A_15 = vector.load %arg2[%get3A_13, %get3A_14] : memref<10240x1xf32, #tpu.memory_space<vmem>>, vector<10240x1xf32>
    %mul3A = vector.broadcast %get3A_15 : vector<10240x1xf32> to vector<10240x128xf32>
    %mul3A_16 = arith.mulf %add3A_12, %mul3A : vector<10240x128xf32>
    %get3A_17 = arith.constant 0 : index
    %get3A_18 = arith.constant 0 : index
    %get3A_19 = vector.load %arg3[%get3A_17, %get3A_18] : memref<1x128xf32, #tpu.memory_space<vmem>>, vector<1x128xf32>
    %add3A_20 = vector.broadcast %get3A_19 : vector<1x128xf32> to vector<10240x128xf32>
    %add3A_21 = arith.addf %mul3A_16, %add3A_20 : vector<10240x128xf32>
    %max3A = arith.constant 0.000000e+00 : f32
    %max3A_22 = vector.broadcast %max3A : f32 to vector<10240x128xf32>
    %max3A_23 = arith.maximumf %add3A_21, %max3A_22 : vector<10240x128xf32>
    %get3A_24 = arith.constant 0 : index
    %get3A_25 = arith.constant 0 : index
    %get3A_26 = vector.load %arg4[%get3A_24, %get3A_25] : memref<10240x1xf32, #tpu.memory_space<vmem>>, vector<10240x1xf32>
    %mul3A_27 = vector.broadcast %get3A_26 : vector<10240x1xf32> to vector<10240x128xf32>
    %mul3A_28 = arith.mulf %max3A_23, %mul3A_27 : vector<10240x128xf32>
    %reduce_sum3A = arith.constant dense<0.000000e+00> : vector<128xf32>
    %reduce_sum3A_29 = vector.multi_reduction <add>, %mul3A_28, %reduce_sum3A [0] : vector<10240x128xf32> to vector<128xf32>
    %broadcast_in_dim3A = vector.shape_cast %reduce_sum3A_29 : vector<128xf32> to vector<1x128xf32>
    %get3A_30 = arith.constant 0 : index
    %get3A_31 = arith.constant 0 : index
    %get3A_32 = vector.load %arg5[%get3A_30, %get3A_31] : memref<128x128xf32, #tpu.memory_space<vmem>>, vector<128x128xf32>
    %dot_general3A = arith.constant dense<0.000000e+00> : vector<1x128xf32>
    %dot_general3A_33 = tpu.matmul %broadcast_in_dim3A, %get3A_32, %dot_general3A {dimension_numbers = #tpu.dot_dimension_numbers<[1], [0], [0], [1], [0, 0, 1, 1], [], []>, transpose_lhs_hint = false} : vector<1x128xf32>, vector<128x128xf32>, vector<1x128xf32> -> vector<1x128xf32>
    %mul3A_34 = arith.constant 9.99999974E-5 : f32
    %mul3A_35 = vector.broadcast %mul3A_34 : f32 to vector<1x128xf32>
    %mul3A_36 = arith.mulf %dot_general3A_33, %mul3A_35 : vector<1x128xf32>
    %get3A_37 = arith.constant 0 : index
    %get3A_38 = arith.constant 0 : index
    %get3A_39 = vector.load %arg6[%get3A_37, %get3A_38] : memref<1x128xf32, #tpu.memory_space<vmem>>, vector<1x128xf32>
    %add3A_40 = arith.addf %mul3A_36, %get3A_39 : vector<1x128xf32>
    %get3A_41 = arith.constant 0 : index
    %get3A_42 = arith.constant 0 : index
    %get3A_43 = vector.load %arg7[%get3A_41, %get3A_42] : memref<128x64xf32, #tpu.memory_space<vmem>>, vector<128x64xf32>
    %dot_general3A_44 = arith.constant dense<0.000000e+00> : vector<1x64xf32>
    %dot_general3A_45 = tpu.matmul %add3A_40, %get3A_43, %dot_general3A_44 {dimension_numbers = #tpu.dot_dimension_numbers<[1], [0], [0], [1], [0, 0, 1, 1], [], []>, transpose_lhs_hint = false} : vector<1x128xf32>, vector<128x64xf32>, vector<1x64xf32> -> vector<1x64xf32>
    %get3A_46 = arith.constant 0 : index
    %get3A_47 = arith.constant 0 : index
    %get3A_48 = vector.load %arg8[%get3A_46, %get3A_47] : memref<1x64xf32, #tpu.memory_space<vmem>>, vector<1x64xf32>
    %add3A_49 = arith.addf %dot_general3A_45, %get3A_48 : vector<1x64xf32>
    %max3A_50 = arith.constant 0.000000e+00 : f32
    %max3A_51 = vector.broadcast %max3A_50 : f32 to vector<1x64xf32>
    %max3A_52 = arith.maximumf %add3A_49, %max3A_51 : vector<1x64xf32>
    %get3A_53 = arith.constant 0 : index
    %get3A_54 = arith.constant 0 : index
    %get3A_55 = vector.load %arg9[%get3A_53, %get3A_54] : memref<64x128xf32, #tpu.memory_space<vmem>>, vector<64x128xf32>
    %dot_general3A_56 = arith.constant dense<0.000000e+00> : vector<1x128xf32>
    %dot_general3A_57 = tpu.matmul %max3A_52, %get3A_55, %dot_general3A_56 {dimension_numbers = #tpu.dot_dimension_numbers<[1], [0], [0], [1], [0, 0, 1, 1], [], []>, transpose_lhs_hint = false} : vector<1x64xf32>, vector<64x128xf32>, vector<1x128xf32> -> vector<1x128xf32>
    %get3A_58 = arith.constant 0 : index
    %get3A_59 = arith.constant 0 : index
    %get3A_60 = vector.load %arg10[%get3A_58, %get3A_59] : memref<1x128xf32, #tpu.memory_space<vmem>>, vector<1x128xf32>
    %add3A_61 = arith.addf %dot_general3A_57, %get3A_60 : vector<1x128xf32>
    %swap3A = arith.constant 0 : index
    %swap3A_62 = arith.constant 0 : index
    %swap3A_63 = vector.load %arg11[%swap3A, %swap3A_62] : memref<1x128xf32, #tpu.memory_space<vmem>>, vector<1x128xf32>
    tpu.vector_store %arg11[%swap3A, %swap3A_62], %add3A_61 {strides = array<i32>} : memref<1x128xf32, #tpu.memory_space<vmem>>, vector<1x128xf32>,
    return
  }
}

</mosaic_0001>

<sc_bundles>
// kernel: kernel.12.cloned.1.call-start
scs
__scs_entry_jumppad:
0x0: {  	(pc) =	sbr.rel $0x88, $3  }
0x1: {  	(tag) =	ssettag $0x0;
	lr =	simm.s32 $0x1  }
0x2: {  	[smem:$0x3F95] =	sst lr;
	_ =	strace $0xD0000000  }
0x3: {  	_ = 	snop  }
0x4: {  	_ = 	snop  }
0x5: {  	_ = 	snop  }
0x6: {  	_ = 	snop  }
0x7: {  	_ = 	snop  }
__scs_overlays_trampoline_lowered:
0x8: {  	[smem:$0x3FA4] =	sst s0  }
0x9: {  	[smem:$0x3FA5] =	sst s1  }
0xa: {  	[smem:$0x3FA6] =	sst s2  }
0xb: {  	[smem:$0x3FA7] =	sst s3  }
0xc: {  	[smem:$0x3FA8] =	sst s4  }
0xd: {  	[smem:$0x3FA9] =	sst s5  }
0xe: {  	[smem:$0x3FAA] =	sst s6  }
0xf: {  	[smem:$0x3FAB] =	sst s7  }
0x10: {  	[smem:$0x3FAC] =	sst s8  }
0x11: {  	[smem:$0x3FAD] =	sst s9;
	s0 =	simm.s32 @!p0 $0x0  }
0x12: {  	s1 =	sld [smem:$0x3F93];
	s0 =	simm.s32 @p0 $0x1  }
0x13: {  	[smem:$0x3FAE] =	sst s0;
	s0 =	simm.s32 @!p1 $0x0  }
0x14: {  	s2 =	sld [smem:$0x3F92];
	s0 =	simm.s32 @p1 $0x1  }
0x15: {  	[smem:$0x3FAF] =	sst s0;
	s0 =	simm.s32 @!p2 $0x0  }
0x16: {  	s3 =	sld [smem:$0x3FDB];
	s0 =	simm.s32 @p2 $0x1  }
0x17: {  	s4 =	simm.s32 $0x1BF5;
	[smem:$0x3FB1] =	sst s0  }
0x18: {  	s0 =	sld [smem:$0x3F94];
	_ =	swait.ge [sflag:s4], $0x0  }
0x19: {  	s7 =	sld [smem:$0x3F95]  }
0x1a: {  	s8 =	sadd.s32 $0xFFFFE003, lr  }
0x1b: {  	s9 =	sadd.s32 $0xFFFFFEF7, lr;
	s5 =	simm.s32 $0xFFFFFFFF;
	p2 =	slt.u32 s8, $0xFFFFF086  }
0x1c: {  	p1 =	slt.u32 s9, $0xF7A;
	s5 =	simm.s32 @!p2 $0x0  }
0x1d: {  	s5 =	simm.s32 @p1 $0x1;
	p0 =	seq.s32 s7, s2  }
0x1e: {  	s7 =	smul.u32 @!p0 $0xF7A, s2;
	p2 =	seq.s32 @!p0 s5, $0x0  }
0x1f: {  	s9 =	smul.u32 $0xF7A, s1;
	s8 =	simm.s32 @!p0 $0x1BF5;
	p2 =	por !p2, p0  }
0x20: {  	[sflag:s8] =	ssyncset.s32 @!p0 $0xFFFFF086;
	s6 =	sadd.s32 @!p0 s3, s7;
	s7 =	simm.s32 @!p0 $0x108  }
0x21: {  	s3 =	sadd.s32 s3, s9;
	s6 =	sadd.s32 @!p0 $0x88, s6;
	s7 =	simm.s32 @p2 $0x1082  }
0x22: {  	[simem:s7], [sflag:s8] =	dma.local @!p0 [hbm:s6], $0xF7A  }
0x23: {  	s9 =	sor.u32 $0xD0000000, s2;
	s6 =	simm.s32 $0x108;
	_ =	swait.ge @!p0 [sflag:s8], $0x0  }
0x24: {  	s3 =	sadd.s32 $0x88, s3;
	s6 =	simm.s32 @!p1 $0x1082;
	[sflag:s4] =	ssyncset.s32 $0xFFFFF086  }
0x25: {  	[simem:s6], [sflag:s4] =	dma.local [hbm:s3], $0xF7A  }
0x26: {  	[smem:$0x3F95] =	sst s1;
	(tag) =	ssettag s2;
	_ =	strace s9  }
0x27: {  	s1 =	sld [smem:$0x3FA5]  }
0x28: {  	s2 =	sld [smem:$0x3FA6]  }
0x29: {  	s4 =	sld [smem:$0x3FA8]  }
0x2a: {  	p0 =	seq.s32 s5, $0x0;
	s5 =	sld [smem:$0x3FA9]  }
0x2b: {  	s6 =	sld [smem:$0x3FAA]  }
0x2c: {  	s7 =	sld [smem:$0x3FAB]  }
0x2d: {  	s3 =	simm.s32 $0x108;
	s8 =	sld [smem:$0x3FAC]  }
0x2e: {  	s3 =	simm.s32 @!p0 $0x1082;
	s9 =	sld [smem:$0x3FAD]  }
0x2f: {  	lr =	sadd.s32 s0, s3;
	s0 =	sld [smem:$0x3FA4]  }
0x30: {  	s3 =	sld [smem:$0x3FA7]  }
0x31: {  	[smem:$0x3FB0] =	sst s10  }
0x32: {  	s10 =	sld [smem:$0x3FAE];
	_ =	sdelay $0x3  }
0x33: {  	p0 =	seq.s32 s10, $0x1;
	s10 =	sld [smem:$0x3FB0];
	_ =	sdelay $0x3  }
0x34: {  	[smem:$0x3FB0] =	sst s10  }
0x35: {  	s10 =	sld [smem:$0x3FAF];
	_ =	sdelay $0x3  }
0x36: {  	p1 =	seq.s32 s10, $0x1;
	s10 =	sld [smem:$0x3FB0];
	_ =	sdelay $0x3  }
0x37: {  	[smem:$0x3FB0] =	sst s10  }
0x38: {  	s10 =	sld [smem:$0x3FB1]  }
0x39: {  	_ = 	snop;
	(pc) =	sbr.ind lr, $3  }
0x3a: {  	_ = 	snop  }
0x3b: {  	_ = 	snop  }
0x3c: {  	p2 =	seq.s32 s10, $0x1;
	s10 =	sld [smem:$0x3FB0]  }
0x3d: {  	_ =	shalt  }
0x3e: {  	_ =	shalt  }
0x3f: {  	_ =	shalt  }
0x40: {  	_ =	shalt  }
0x41: {  	_ =	shalt  }
0x42: {  	_ =	shalt  }
0x43: {  	_ =	shalt  }
0x44: {  	_ =	shalt  }
0x45: {  	_ =	shalt  }
0x46: {  	_ =	shalt  }
0x47: {  	_ =	shalt  }
0x48: {  	_ =	shalt  }
0x49: {  	_ =	shalt  }
0x4a: {  	_ =	shalt  }
0x4b: {  	_ =	shalt  }
0x4c: {  	_ =	shalt  }
0x4d: {  	_ =	shalt  }
0x4e: {  	_ =	shalt  }
0x4f: {  	_ =	shalt  }
0x50: {  	_ =	shalt  }
0x51: {  	_ =	shalt  }
0x52: {  	_ =	shalt  }
0x53: {  	_ =	shalt  }
0x54: {  	_ =	shalt  }
0x55: {  	_ =	shalt  }
0x56: {  	_ =	shalt  }
0x57: {  	_ =	shalt  }
0x58: {  	_ =	shalt  }
0x59: {  	_ =	shalt  }
0x5a: {  	_ =	shalt  }
0x5b: {  	_ =	shalt  }
0x5c: {  	_ =	shalt  }
0x5d: {  	_ =	shalt  }
0x5e: {  	_ =	shalt  }
0x5f: {  	_ =	shalt  }
0x60: {  	_ =	shalt  }
0x61: {  	_ =	shalt  }
0x62: {  	_ =	shalt  }
0x63: {  	_ =	shalt  }
0x64: {  	_ =	shalt  }
0x65: {  	_ =	shalt  }
0x66: {  	_ =	shalt  }
0x67: {  	_ =	shalt  }
0x68: {  	_ =	shalt  }
0x69: {  	_ =	shalt  }
0x6a: {  	_ =	shalt  }
0x6b: {  	_ =	shalt  }
0x6c: {  	_ =	shalt  }
0x6d: {  	_ =	shalt  }
0x6e: {  	_ =	shalt  }
0x6f: {  	_ =	shalt  }
0x70: {  	_ =	shalt  }
0x71: {  	_ =	shalt  }
0x72: {  	_ =	shalt  }
0x73: {  	_ =	shalt  }
0x74: {  	_ =	shalt  }
0x75: {  	_ =	shalt  }
0x76: {  	_ =	shalt  }
0x77: {  	_ =	shalt  }
0x78: {  	_ =	shalt  }
0x79: {  	_ =	shalt  }
0x7a: {  	_ =	shalt  }
0x7b: {  	_ =	shalt  }
0x7c: {  	_ =	shalt  }
0x7d: {  	_ =	shalt  }
0x7e: {  	_ =	shalt  }
0x7f: {  	_ =	shalt  }
0x80: {  	_ =	shalt  }
0x81: {  	_ =	shalt  }
0x82: {  	_ =	shalt  }
0x83: {  	_ =	shalt  }
0x84: {  	_ =	shalt  }
0x85: {  	_ =	shalt  }
0x86: {  	_ =	shalt  }
0x87: {  	_ =	shalt  }
.Lfunc_end0:
.L_simem_size_0:
called_computation.1_lowered:
.L_overlay_start_0:
0x88: {  	s2 =	sld [smem:$0x3FD9]  }
0x89: {  	s3 =	sld [smem:$0x3FFE];
	_ =	sdelay $0x1  }
0x8a: {  	s1 =	srdreg.scid  }
0x8b: {  	s0 =	sand.u32 $0x1, s1  }
0x8c: {  	s16 =	sshll.u32 s0, $0xA;
	s2 =	sadd.s32 s3, s2  }
0x8d: {  	s2 =	sadd.s32 s2, s16  }
0x8e: {  	[smem:$0x3FBC] =	sst s2  }
0x8f: {  	_ = 	snop  }
0x90: {  	(tm) =	ssettm $0x1  }
0x91: {  	s17 =	sld [smem:$0x3FFB];
	_ =	sdelay $0x3  }
0x92: {  	_ =	strace s17  }
0x93: {  	s2 =	sld [smem:$0x3FFC];
	_ =	sdelay $0x3  }
0x94: {  	_ =	strace s2  }
0x95: {  	s2 =	sld [smem:$0x3FFD];
	_ =	sdelay $0x3  }
0x96: {  	_ =	strace s2  }
0x97: {  	_ =	strace $0x8FFFFFFF  }
0x98: {  	s18 =	sld [smem:$0x3FDB];
	_ =	sdelay $0x1  }
0x99: {  	s19 =	simm.s32 $_scs_section_size  }
0x9a: {  	s4 =	simm.s32 $_size__tile_overlayer_lowered;
	s5 =	simm.s32 $_tile_overlayer_lowered  }
0x9b: {  	s22 =	simm.s32 $0x1BFF;
	s21 =	sshll.u32 s5, $0x1;
	s2 =	sadd.s32 s19, s18  }
0x9c: {  	s6 =	simm.s32 $0x0;
	s20 =	sshll.u32 s4, $0x1;
	s4 =	sadd.s32 s21, s2  }
0x9d: {  	[timem:s6], [sflag:s22] =	dma.local [hbm:s4], s20  }
0x9e: {  	_ =	swait.ge [sflag:s22], s20  }
0x9f: {  	s3 =	ssub.s32 $0x0, s20;
	[sflag:s22] =	ssyncset.done $0x0  }
0xa0: {  	[sflag:s22] =	ssyncadd.s32 s3;
	_ =	sdelay $0x1  }
0xa1: {  	s23 =	simm.s32 $0x1B8B  }
0xa2: {  	_ =	swait.ge [sflag:s23], $0x1  }
0xa3: {  	[sflag:s23] =	ssyncset.done $0x0  }
0xa4: {  	s25 =	simm.s32 $0x1B8E;
	s24 =	sld [smem:$0x3FFE];
	[sflag:s23] =	ssyncadd.s32 $0xFFFFFFFF  }
0xa5: {  	s26 =	simm.s32 $execute0_lowered;
	[smem:$0x3FD2] =	sst s25  }
0xa6: {  	s4 =	sshll.u32 s26, $0x1;
	_ =	strace $0x80000049;
	[dreg:$0x1] =	wrdreg $0xFFFFFFFF  }
0xa7: {  	s28 =	simm.s32 $_size_execute0_lowered;
	s2 =	sadd.s32 s2, s4;
	[dreg:$0x0] =	wrdreg $0x0  }
0xa8: {  	s4 =	sshll.u32 s28, $0x1;
	[dreg:$0x2] =	wrdreg s2  }
0xa9: {  	[dreg:$0x3] =	wrdreg s4  }
0xaa: {  	[dreg:$0x4] =	wrdreg $0xC0  }
0xab: {  	_ =	task [dreg:s6], $0x5FFFF  }
0xac: {  	[dreg:$0x1] =	wrdreg $0xFFFFFFFF  }
0xad: {  	[dreg:$0x0] =	wrdreg $0x60  }
0xae: {  	[dreg:$0x2] =	wrdreg s24  }
0xaf: {  	[dreg:$0x3] =	wrdreg $0xA8000  }
0xb0: {  	[dreg:$0x4] =	wrdreg $0xA  }
0xb1: {  	_ =	task.clear_ibuf [dreg:s6], $0x5FFFF;
	_ =	strace $0x90000049  }
0xb2: {  	s29 =	simm.s32 $0xA;
	_ =	strace $0x8000004B  }
0xb3: {  	_ =	swait.ge [sflag:s29], $0x1  }
0xb4: {  	[sflag:s29] =	ssyncadd.s32 $0xFFFFFFFF  }
0xb5: {  	_ =	strace $0x9000004B  }
0xb6: {  	_ =	sfence  }
0xb7: {  	s30 =	sld [smem:$0x0];
	_ =	sdelay $0x2  }
0xb8: {  	s31 =	sshll.u32 s1, $0xD;
	s1 =	sshrl.u32 s1, $0x2  }
0xb9: {  	s3 =	sand.u32 $0x4000, s31;
	s1 =	sadd.s32 s1, s30  }
0xba: {  	s0 =	sor.u32 s3, s0;
	s1 =	sshll.u32 s1, $0x11  }
0xbb: {  	s0 =	sor.u32 s1, s0  }
0xbc: {  	s0 =	sadd.s32 $0x8F2B, s0  }
0xbd: {  	[sflag:s0] =	ssyncadd.remote.s32 $0x1  }
0xbe: {  	_ =	sfence.sel $0xFFFF  }
0xbf: {  	[dreg:$0x0] =	wrdreg $0xFFFFFFFF;
	(pc) =	sbr.abs _section_cstart, $3  }
0xc0: {  	[dreg:$0x1] =	wrdreg $0xFFFFFFFF  }
0xc1: {  	_ =	task.clear_ibuf [dreg:s6], $0x2FFFF;
	_ =	strace $0x9FFFFFFF  }
0xc2: {  	(tm) =	ssettm $0x7FFFFFFF  }
0xc3: {  	_ =	shalt  }
tec
execute0_lowered:
.L_overlay_start_1:
0x0: {  	(tag) =	ssettag $0x1  }
0x1: {  	s0 =	rddreg [dreg:$0x0]  }
0x2: {  	s2 =	rddreg [dreg:$0x1];
	s3 =	simm.s32 $0x0  }
0x3: {  	s15 =	stileid.u32;
	s6 =	srdreg.scid;
	s16 =	simm.s32 $0x40  }
0x4: {  	s17 =	simm.s32 $0x2800;
	s18 =	simm.s32 $0x4800;
	s19 =	simm.s32 $0x80  }
0x5: {  	s20 =	simm.s32 $0x6800;
	s21 =	simm.s32 $0xC0;
	s28 =	simm.s32 $0x4  }
0x6: {  	s29 =	simm.s32 $0x2700;
	s30 =	simm.s32 $0x2780;
	s31 =	simm.s32 $0x0  }
0x7: {  	[smem:$0x7FF] =	sst s3;
	s1 =	smul.u32 $0x2800, s15;
	s4 =	sadd.s32 $0x18E00, s0  }
0x8: {  	s10 =	sadd.s32 $0x3E00, s0;
	s6 =	sand.u32 $0x1, s6;
	s7 =	sshll.u32 s15, $0x1  }
0x9: {  	s8 =	smul.u32 $0x50000, s15;
	s23 =	sshll.u32 s15, $0x6;
	s15 =	simm.s32 $0x1400  }
0xa: {  	s9 =	smul.u32 $0x28000, s6;
	s11 =	ssub.s32 $0x2, s6;
	s6 =	sor.u32 s6, s7  }
0xb: {  	_ =	strace $0x8000004A;
	s5 =	sadd.s32 s1, s0;
	s12 =	smul.u32 $0x2800, s6  }
0xc: {  	s22 =	sshrl.u32 s11, $0x1;
	s8 =	sshrl.u32 s8, $0x2;
	s24 =	smul.u32 $0x500, s6  }
0xd: {  	s6 =	sor.u32 $0x1C05, s23;
	s23 =	simm.s32 $0x1;
	s13 =	sadd.s32 s9, s0  }
0xe: {  	s11 =	ssub.s32 s11, s22;
	s14 =	sadd.s32 s8, s2;
	s5 =	sadd.s32 $0x40E00, s5  }
0xf: {  	s9 =	sadd.s32 $0xDE00, s0;
	s22 =	simm.s32 $0x8800;
	s25 =	sshrl.u32 s12, $0x3  }
0x10: {  	[dreg:$0x3] =	wrdreg s5;
	s8 =	sadd.s32 s10, s24;
	s26 =	sadd.s32 $0x68E00, s13  }
0x11: {  	s11 =	smax.u32 s11, $0x1;
	s12 =	sshrl.u32 s14, $0x3;
	s13 =	simm.s32 $0x5  }
0x12: {  	s14 =	sadd.s32 s24, s9;
	s7 =	sadd.s32 $0x280, s25;
	s24 =	sadd.s32 s1, s26  }
0x13: {  	s25 =	simm.s32 $0x2;
	s26 =	simm.s32 $0x3;
	s10 =	sadd.s32 s10, s7  }
.LBB2_1:
0x14: {  	s0 =	rddreg [dreg:$0x3]  }
0x15: {  	[spmem:s12], [sflag:s6] =	dma.local [hbm:s0], $0x2800  }
0x16: {  	_ =	swait.ge [sflag:s13], $0x2800  }
0x17: {  	[sflag:s13] =	ssyncset.done $0x0  }
0x18: {  	[sflag:s13] =	ssyncadd.s32 $0xFFFFD800  }
0x19: {  	[bflag:$0x0] =	sbarrier.arrive $0xFFFF  }
0x1a: {  	[tilespmem:s3], [sflag:$0x5] =	stream.linear.gather [hbm4b:s8+s3], $0x1400, $0x38;
	[tilespmem:$0x1E800] =	vst v63  }
0x1b: {  	_ =	swait.ge [sflag:s13], $0x1400  }
0x1c: {  	[sflag:s13] =	ssyncset.done $0x0  }
0x1d: {  	[sflag:s13] =	ssyncadd.s32 $0xFFFFEC00  }
0x1e: {  	[tilespmem:s15], [sflag:$0x5] =	stream.linear.gather [hbm4b:s14+s3], $0x1400, $0x38;
	[tilespmem:$0x1E800] =	vst v63  }
0x1f: {  	_ =	swait.ge [sflag:s13], $0x1400  }
0x20: {  	[sflag:s13] =	ssyncset.done $0x0  }
0x21: {  	[sflag:s13] =	ssyncadd.s32 $0xFFFFEC00  }
0x22: {  	[tilespmem:s17], [sflag:$0x1] =	stream.indirect.gather [hbm4b:s4+s16], $0x80, s3, s16, $0xb8;
	[tilespmem:$0x1E800] =	vst v63  }
0x23: {  	_ = 	snop  }
0x24: {  	[tilespmem:s18], [sflag:$0x2] =	stream.indirect.gather [hbm4b:s4+s16], $0x80, s16, s16, $0xb8;
	[tilespmem:$0x1E800] =	vst v63  }
0x25: {  	_ = 	snop  }
0x26: {  	[tilespmem:s20], [sflag:$0x3] =	stream.indirect.gather [hbm4b:s4+s16], $0x80, s19, s16, $0xb8;
	[tilespmem:$0x1E800] =	vst v63  }
0x27: {  	_ = 	snop  }
0x28: {  	[tilespmem:s22], [sflag:$0x4] =	stream.indirect.gather [hbm4b:s4+s16], $0x80, s21, s16, $0xb8;
	[tilespmem:$0x1E800] =	vst v63  }
0x29: {  	_ =	swait.ge [sflag:s23], $0x2000  }
0x2a: {  	[sflag:s23] =	ssyncset.done $0x0  }
0x2b: {  	[sflag:s23] =	ssyncadd.s32 $0xFFFFE000  }
0x2c: {  	_ =	swait.ge [sflag:s25], $0x2000  }
0x2d: {  	[sflag:s25] =	ssyncset.done $0x0  }
0x2e: {  	s5 =	simm.s32 $0x1400;
	[sflag:s25] =	ssyncadd.s32 $0xFFFFE000  }
0x2f: {  	[spmem:s2] =	stream.indirect.scatter.add.f32 [tilespmem:s17], [sflag:$0x5], $0x80, s5, s19, $0xb8;
	[tilespmem:$0x1E800] =	vst v63  }
0x30: {  	_ =	swait.ge [sflag:s13], $0x4000  }
0x31: {  	[sflag:s13] =	ssyncset.done $0x0  }
0x32: {  	s1 =	simm.s32 $0x100;
	[sflag:s13] =	ssyncadd.s32 $0xFFFFC000  }
0x33: {  	[tilespmem:s17], [sflag:$0x1] =	stream.indirect.gather [hbm4b:s4+s16], $0x80, s1, s16, $0xb8;
	[tilespmem:$0x1E800] =	vst v63  }
0x34: {  	s5 =	simm.s32 $0x140  }
0x35: {  	[tilespmem:s18], [sflag:$0x2] =	stream.indirect.gather [hbm4b:s4+s16], $0x80, s5, s16, $0xb8;
	[tilespmem:$0x1E800] =	vst v63  }
0x36: {  	_ =	swait.ge [sflag:s26], $0x2000  }
0x37: {  	[sflag:s26] =	ssyncset.done $0x0  }
0x38: {  	[sflag:s26] =	ssyncadd.s32 $0xFFFFE000  }
0x39: {  	_ =	swait.ge [sflag:s28], $0x2000  }
0x3a: {  	[sflag:s28] =	ssyncset.done $0x0  }
0x3b: {  	s1 =	simm.s32 $0x1480;
	[sflag:s28] =	ssyncadd.s32 $0xFFFFE000  }
0x3c: {  	[spmem:s2] =	stream.indirect.scatter.add.f32 [tilespmem:s20], [sflag:$0x5], $0x80, s1, s19, $0xb8;
	[tilespmem:$0x1E800] =	vst v63  }
0x3d: {  	_ =	swait.ge [sflag:s13], $0x4000  }
0x3e: {  	s0 =	simm.s32 $0x400;
	[sflag:s13] =	ssyncset.done $0x0  }
0x3f: {  	s5 =	simm.s32 $0x180;
	s1 =	simm.s32 $0x1C0;
	[sflag:s13] =	ssyncadd.s32 $0xFFFFC000  }
0x40: {  	[tilespmem:s20], [sflag:$0x3] =	stream.indirect.gather [hbm4b:s4+s16], $0x80, s5, s16, $0xb8;
	[tilespmem:$0x1E800] =	vst v63  }
.LBB2_2:
0x41: {  	[tilespmem:s22], [sflag:$0x4] =	stream.indirect.gather [hbm4b:s4+s16], $0x80, s1, s16, $0xb8;
	[tilespmem:$0x1E800] =	vst v63  }
0x42: {  	s1 =	smov.u32 s0  }
0x43: {  	p0 =	sne.s32 s0, $0x4800;
	s0 =	sadd.s32 $0x400, s0;
	_ =	swait.ge [sflag:s23], $0x2000  }
0x44: {  	[sflag:s23] =	ssyncset.done $0x0  }
0x45: {  	[sflag:s23] =	ssyncadd.s32 $0xFFFFE000  }
0x46: {  	_ =	swait.ge [sflag:s25], $0x2000  }
0x47: {  	s1 =	sshra.s32 s1, $0x2;
	[sflag:s25] =	ssyncset.done $0x0  }
0x48: {  	s5 =	sadd.s32 $0x1400, s1;
	[sflag:s25] =	ssyncadd.s32 $0xFFFFE000  }
0x49: {  	[spmem:s2] =	stream.indirect.scatter.add.f32 [tilespmem:s17], [sflag:$0x5], $0x80, s5, s19, $0xb8;
	[tilespmem:$0x1E800] =	vst v63  }
0x4a: {  	_ =	swait.ge [sflag:s13], $0x4000  }
0x4b: {  	[sflag:s13] =	ssyncset.done $0x0  }
0x4c: {  	s5 =	sadd.s32 $0x100, s1;
	[sflag:s13] =	ssyncadd.s32 $0xFFFFC000  }
0x4d: {  	[tilespmem:s17], [sflag:$0x1] =	stream.indirect.gather [hbm4b:s4+s16], $0x80, s5, s16, $0xb8;
	[tilespmem:$0x1E800] =	vst v63  }
0x4e: {  	s5 =	sadd.s32 $0x140, s1  }
0x4f: {  	[tilespmem:s18], [sflag:$0x2] =	stream.indirect.gather [hbm4b:s4+s16], $0x80, s5, s16, $0xb8;
	[tilespmem:$0x1E800] =	vst v63  }
0x50: {  	_ =	swait.ge [sflag:s26], $0x2000  }
0x51: {  	[sflag:s26] =	ssyncset.done $0x0  }
0x52: {  	[sflag:s26] =	ssyncadd.s32 $0xFFFFE000  }
0x53: {  	_ =	swait.ge [sflag:s28], $0x2000  }
0x54: {  	[sflag:s28] =	ssyncset.done $0x0  }
0x55: {  	s5 =	sadd.s32 $0x1480, s1;
	[sflag:s28] =	ssyncadd.s32 $0xFFFFE000  }
0x56: {  	[spmem:s2] =	stream.indirect.scatter.add.f32 [tilespmem:s20], [sflag:$0x5], $0x80, s5, s19, $0xb8;
	[tilespmem:$0x1E800] =	vst v63  }
.Ltmp0:
0x57: {  	_ =	swait.ge [sflag:s13], $0x4000;
	(pc) =	sbr.rel @p0 .LBB2_2-.Ltmp0, $4  }
0x58: {  	[sflag:s13] =	ssyncset.done $0x0  }
0x59: {  	s5 =	sadd.s32 $0x180, s1;
	[sflag:s13] =	ssyncadd.s32 $0xFFFFC000  }
0x5a: {  	[tilespmem:s20], [sflag:$0x3] =	stream.indirect.gather [hbm4b:s4+s16], $0x80, s5, s16, $0xb8;
	[tilespmem:$0x1E800] =	vst v63  }
0x5b: {  	s1 =	sadd.s32 $0x1C0, s1  }
0x5c: {  	[tilespmem:s22], [sflag:$0x4] =	stream.indirect.gather [hbm4b:s4+s16], $0x80, s1, s16, $0xb8;
	[tilespmem:$0x1E800] =	vst v63  }
0x5d: {  	_ =	swait.ge [sflag:s23], $0x2000  }
0x5e: {  	[sflag:s23] =	ssyncset.done $0x0  }
0x5f: {  	[sflag:s23] =	ssyncadd.s32 $0xFFFFE000  }
0x60: {  	_ =	swait.ge [sflag:s25], $0x2000  }
0x61: {  	[sflag:s25] =	ssyncset.done $0x0  }
0x62: {  	[sflag:s25] =	ssyncadd.s32 $0xFFFFE000  }
0x63: {  	[spmem:s2] =	stream.indirect.scatter.add.f32 [tilespmem:s17], [sflag:$0x5], $0x80, s29, s19, $0xb8;
	[tilespmem:$0x1E800] =	vst v63  }
0x64: {  	_ =	swait.ge [sflag:s13], $0x4000  }
0x65: {  	[sflag:s13] =	ssyncset.done $0x0  }
0x66: {  	[sflag:s13] =	ssyncadd.s32 $0xFFFFC000  }
0x67: {  	_ =	swait.ge [sflag:s26], $0x2000  }
0x68: {  	[sflag:s26] =	ssyncset.done $0x0  }
0x69: {  	[sflag:s26] =	ssyncadd.s32 $0xFFFFE000  }
0x6a: {  	_ =	swait.ge [sflag:s28], $0x2000  }
0x6b: {  	[sflag:s28] =	ssyncset.done $0x0  }
0x6c: {  	[sflag:s28] =	ssyncadd.s32 $0xFFFFE000  }
0x6d: {  	[spmem:s2] =	stream.indirect.scatter.add.f32 [tilespmem:s20], [sflag:$0x5], $0x80, s30, s19, $0xb8;
	[tilespmem:$0x1E800] =	vst v63  }
0x6e: {  	_ =	swait.ge [sflag:s13], $0x4000  }
0x6f: {  	[sflag:s13] =	ssyncset.done $0x0  }
0x70: {  	s0 =	simm.s32 $0x0;
	[sflag:s13] =	ssyncadd.s32 $0xFFFFC000  }
0x71: {  	[tilespmem:s0], [sflag:$0x5] =	stream.linear.gather [hbm4b:s10+s0], $0x1400, $0x38;
	[tilespmem:$0x1E800] =	vst v63  }
0x72: {  	_ =	swait.ge [sflag:s13], $0x1400  }
0x73: {  	[sflag:s13] =	ssyncset.done $0x0  }
0x74: {  	s5 =	sadd.s32 s7, s9;
	[sflag:s13] =	ssyncadd.s32 $0xFFFFEC00  }
0x75: {  	[tilespmem:s15], [sflag:$0x5] =	stream.linear.gather [hbm4b:s5+s0], $0x1400, $0x38;
	[tilespmem:$0x1E800] =	vst v63  }
0x76: {  	_ =	swait.ge [sflag:s13], $0x1400  }
0x77: {  	[sflag:s13] =	ssyncset.done $0x0  }
0x78: {  	[sflag:s13] =	ssyncadd.s32 $0xFFFFEC00  }
0x79: {  	[tilespmem:s17], [sflag:$0x1] =	stream.indirect.gather [hbm4b:s4+s16], $0x80, s0, s16, $0xb8;
	[tilespmem:$0x1E800] =	vst v63  }
0x7a: {  	_ = 	snop  }
0x7b: {  	[tilespmem:s18], [sflag:$0x2] =	stream.indirect.gather [hbm4b:s4+s16], $0x80, s16, s16, $0xb8;
	[tilespmem:$0x1E800] =	vst v63  }
0x7c: {  	_ = 	snop  }
0x7d: {  	[tilespmem:s20], [sflag:$0x3] =	stream.indirect.gather [hbm4b:s4+s16], $0x80, s19, s16, $0xb8;
	[tilespmem:$0x1E800] =	vst v63  }
0x7e: {  	_ = 	snop  }
0x7f: {  	[tilespmem:s22], [sflag:$0x4] =	stream.indirect.gather [hbm4b:s4+s16], $0x80, s21, s16, $0xb8;
	[tilespmem:$0x1E800] =	vst v63  }
0x80: {  	_ =	swait.ge [sflag:s23], $0x2000  }
0x81: {  	[sflag:s23] =	ssyncset.done $0x0  }
0x82: {  	[sflag:s23] =	ssyncadd.s32 $0xFFFFE000  }
0x83: {  	_ =	swait.ge [sflag:s25], $0x2000  }
0x84: {  	[sflag:s25] =	ssyncset.done $0x0  }
0x85: {  	s5 =	simm.s32 $0x1400;
	[sflag:s25] =	ssyncadd.s32 $0xFFFFE000  }
0x86: {  	[spmem:s2] =	stream.indirect.scatter.add.f32 [tilespmem:s17], [sflag:$0x5], $0x80, s5, s19, $0xb8;
	[tilespmem:$0x1E800] =	vst v63  }
0x87: {  	_ =	swait.ge [sflag:s13], $0x4000  }
0x88: {  	[sflag:s13] =	ssyncset.done $0x0  }
0x89: {  	s1 =	simm.s32 $0x100;
	[sflag:s13] =	ssyncadd.s32 $0xFFFFC000  }
0x8a: {  	[tilespmem:s17], [sflag:$0x1] =	stream.indirect.gather [hbm4b:s4+s16], $0x80, s1, s16, $0xb8;
	[tilespmem:$0x1E800] =	vst v63  }
0x8b: {  	s5 =	simm.s32 $0x140  }
0x8c: {  	[tilespmem:s18], [sflag:$0x2] =	stream.indirect.gather [hbm4b:s4+s16], $0x80, s5, s16, $0xb8;
	[tilespmem:$0x1E800] =	vst v63  }
0x8d: {  	_ =	swait.ge [sflag:s26], $0x2000  }
0x8e: {  	[sflag:s26] =	ssyncset.done $0x0  }
0x8f: {  	[sflag:s26] =	ssyncadd.s32 $0xFFFFE000  }
0x90: {  	_ =	swait.ge [sflag:s28], $0x2000  }
0x91: {  	[sflag:s28] =	ssyncset.done $0x0  }
0x92: {  	s1 =	simm.s32 $0x1480;
	[sflag:s28] =	ssyncadd.s32 $0xFFFFE000  }
0x93: {  	[spmem:s2] =	stream.indirect.scatter.add.f32 [tilespmem:s20], [sflag:$0x5], $0x80, s1, s19, $0xb8;
	[tilespmem:$0x1E800] =	vst v63  }
0x94: {  	_ =	swait.ge [sflag:s13], $0x4000  }
0x95: {  	s0 =	simm.s32 $0x400;
	[sflag:s13] =	ssyncset.done $0x0  }
0x96: {  	s5 =	simm.s32 $0x180;
	s1 =	simm.s32 $0x1C0;
	[sflag:s13] =	ssyncadd.s32 $0xFFFFC000  }
0x97: {  	[tilespmem:s20], [sflag:$0x3] =	stream.indirect.gather [hbm4b:s4+s16], $0x80, s5, s16, $0xb8;
	[tilespmem:$0x1E800] =	vst v63  }
.LBB2_4:
0x98: {  	[tilespmem:s22], [sflag:$0x4] =	stream.indirect.gather [hbm4b:s4+s16], $0x80, s1, s16, $0xb8;
	[tilespmem:$0x1E800] =	vst v63  }
0x99: {  	s1 =	smov.u32 s0  }
0x9a: {  	p0 =	sne.s32 s0, $0x4800;
	s0 =	sadd.s32 $0x400, s0;
	_ =	swait.ge [sflag:s23], $0x2000  }
0x9b: {  	[sflag:s23] =	ssyncset.done $0x0  }
0x9c: {  	[sflag:s23] =	ssyncadd.s32 $0xFFFFE000  }
0x9d: {  	_ =	swait.ge [sflag:s25], $0x2000  }
0x9e: {  	s1 =	sshra.s32 s1, $0x2;
	[sflag:s25] =	ssyncset.done $0x0  }
0x9f: {  	s5 =	sadd.s32 $0x1400, s1;
	[sflag:s25] =	ssyncadd.s32 $0xFFFFE000  }
0xa0: {  	[spmem:s2] =	stream.indirect.scatter.add.f32 [tilespmem:s17], [sflag:$0x5], $0x80, s5, s19, $0xb8;
	[tilespmem:$0x1E800] =	vst v63  }
0xa1: {  	_ =	swait.ge [sflag:s13], $0x4000  }
0xa2: {  	[sflag:s13] =	ssyncset.done $0x0  }
0xa3: {  	s5 =	sadd.s32 $0x100, s1;
	[sflag:s13] =	ssyncadd.s32 $0xFFFFC000  }
0xa4: {  	[tilespmem:s17], [sflag:$0x1] =	stream.indirect.gather [hbm4b:s4+s16], $0x80, s5, s16, $0xb8;
	[tilespmem:$0x1E800] =	vst v63  }
0xa5: {  	s5 =	sadd.s32 $0x140, s1  }
0xa6: {  	[tilespmem:s18], [sflag:$0x2] =	stream.indirect.gather [hbm4b:s4+s16], $0x80, s5, s16, $0xb8;
	[tilespmem:$0x1E800] =	vst v63  }
0xa7: {  	_ =	swait.ge [sflag:s26], $0x2000  }
0xa8: {  	[sflag:s26] =	ssyncset.done $0x0  }
0xa9: {  	[sflag:s26] =	ssyncadd.s32 $0xFFFFE000  }
0xaa: {  	_ =	swait.ge [sflag:s28], $0x2000  }
0xab: {  	[sflag:s28] =	ssyncset.done $0x0  }
0xac: {  	s5 =	sadd.s32 $0x1480, s1;
	[sflag:s28] =	ssyncadd.s32 $0xFFFFE000  }
0xad: {  	[spmem:s2] =	stream.indirect.scatter.add.f32 [tilespmem:s20], [sflag:$0x5], $0x80, s5, s19, $0xb8;
	[tilespmem:$0x1E800] =	vst v63  }
.Ltmp1:
0xae: {  	_ =	swait.ge [sflag:s13], $0x4000;
	(pc) =	sbr.rel @p0 .LBB2_4-.Ltmp1, $4  }
0xaf: {  	[sflag:s13] =	ssyncset.done $0x0  }
0xb0: {  	s5 =	sadd.s32 $0x180, s1;
	[sflag:s13] =	ssyncadd.s32 $0xFFFFC000  }
0xb1: {  	[tilespmem:s20], [sflag:$0x3] =	stream.indirect.gather [hbm4b:s4+s16], $0x80, s5, s16, $0xb8;
	[tilespmem:$0x1E800] =	vst v63  }
0xb2: {  	s1 =	sadd.s32 $0x1C0, s1  }
0xb3: {  	[tilespmem:s22], [sflag:$0x4] =	stream.indirect.gather [hbm4b:s4+s16], $0x80, s1, s16, $0xb8;
	[tilespmem:$0x1E800] =	vst v63  }
0xb4: {  	_ =	swait.ge [sflag:s23], $0x2000  }
0xb5: {  	[sflag:s23] =	ssyncset.done $0x0  }
0xb6: {  	[sflag:s23] =	ssyncadd.s32 $0xFFFFE000  }
0xb7: {  	_ =	swait.ge [sflag:s25], $0x2000  }
0xb8: {  	[sflag:s25] =	ssyncset.done $0x0  }
0xb9: {  	[sflag:s25] =	ssyncadd.s32 $0xFFFFE000  }
0xba: {  	[spmem:s2] =	stream.indirect.scatter.add.f32 [tilespmem:s17], [sflag:$0x5], $0x80, s29, s19, $0xb8;
	[tilespmem:$0x1E800] =	vst v63  }
0xbb: {  	_ =	swait.ge [sflag:s13], $0x4000  }
0xbc: {  	[sflag:s13] =	ssyncset.done $0x0  }
0xbd: {  	[sflag:s13] =	ssyncadd.s32 $0xFFFFC000  }
0xbe: {  	_ =	swait.ge [sflag:s26], $0x2000  }
0xbf: {  	[sflag:s26] =	ssyncset.done $0x0  }
0xc0: {  	[sflag:s26] =	ssyncadd.s32 $0xFFFFE000  }
0xc1: {  	_ =	swait.ge [sflag:s28], $0x2000  }
0xc2: {  	[sflag:s28] =	ssyncset.done $0x0  }
0xc3: {  	[sflag:s28] =	ssyncadd.s32 $0xFFFFE000  }
0xc4: {  	[spmem:s2] =	stream.indirect.scatter.add.f32 [tilespmem:s20], [sflag:$0x5], $0x80, s30, s19, $0xb8;
	[tilespmem:$0x1E800] =	vst v63  }
0xc5: {  	_ =	swait.ge [sflag:s13], $0x4000  }
0xc6: {  	s31 =	sadd.s32 $0x1, s31;
	[sflag:s13] =	ssyncset.done $0x0  }
0xc7: {  	p0 =	sne.s32 s31, s11;
	[sflag:s13] =	ssyncadd.s32 $0xFFFFC000  }
.Ltmp2:
0xc8: {  	[bflag:$0x0] =	sbarrier.arrive $0xFFFF;
	(pc) =	sbr.rel @p0 .LBB2_1-.Ltmp2, $4  }
0xc9: {  	[hbm:s24], [sflag:s6] =	dma.local [spmem:s12], $0x2800  }
0xca: {  	_ =	swait.ge [sflag:s13], $0x2800  }
0xcb: {  	[sflag:s13] =	ssyncset.done $0x0  }
0xcc: {  	[sflag:s13] =	ssyncadd.s32 $0xFFFFD800  }
0xcd: {  	_ =	sfence.sel $0x180000  }
0xce: {  	[bflag:$0x0] =	sbarrier.arrive $0xFFFF  }
0xcf: {  	_ =	strace $0x9000004A  }
0xd0: {  	s0 =	stileid.u32;
	[bflag:$0x2] =	sbarrier.arrive $0xFFFF  }
0xd1: {  	p0 =	sne.s32 s0, $0x0;
	s0 =	rddreg [dreg:$0x2]  }
0xd2: {  	s0 =	sadd.s32 @!p0 $0x100000, s0  }
0xd3: {  	[sflag:s0] =	ssyncadd.tile.s32 @!p0 $0x1;
	_ =	shalt  }
.Lfunc_end2:
_tile_overlayer_lowered:
.L_overlay_start_2:
0xd4: {  	(tag) =	ssettag $0x2  }
0xd5: {  	s0 =	rddreg [dreg:$0x0];
	s2 =	stileid.u32  }
0xd6: {  	s1 =	rddreg [dreg:$0x1];
	p0 =	sne.s32 s2, $0x0  }
0xd7: {  	s3 =	rddreg [dreg:$0x2];
	[bflag:$0x3] =	sbarrier.arrive $0xFFFF;
	s2 =	simm.s32 @!p0 $0x1C05  }
0xd8: {  	[timem:s3], [sflag:s2] =	dma.local @!p0 [hbm:s0], s1  }
0xd9: {  	s0 =	simm.s32 @!p0 $0x5  }
0xda: {  	_ =	swait.ge @!p0 [sflag:s0], s1  }
0xdb: {  	s1 =	ssub.s32 @!p0 $0x0, s1;
	[sflag:s0] =	ssyncset.done @!p0 $0x0  }
0xdc: {  	[sflag:s0] =	ssyncadd.s32 @!p0 s1  }
0xdd: {  	[bflag:$0x3] =	sbarrier.arrive $0xFFFF  }
0xde: {  	_ =	shalt  }

// kernel: kernel.15.cloned.1.call-start
scs
__scs_entry_jumppad:
0x0: {  	(pc) =	sbr.rel $0x88, $3  }
0x1: {  	(tag) =	ssettag $0x0;
	lr =	simm.s32 $0x1  }
0x2: {  	[smem:$0x3F95] =	sst lr;
	_ =	strace $0xD0000000  }
0x3: {  	_ = 	snop  }
0x4: {  	_ = 	snop  }
0x5: {  	_ = 	snop  }
0x6: {  	_ = 	snop  }
0x7: {  	_ = 	snop  }
__scs_overlays_trampoline_lowered:
0x8: {  	[smem:$0x3FA4] =	sst s0  }
0x9: {  	[smem:$0x3FA5] =	sst s1  }
0xa: {  	[smem:$0x3FA6] =	sst s2  }
0xb: {  	[smem:$0x3FA7] =	sst s3  }
0xc: {  	[smem:$0x3FA8] =	sst s4  }
0xd: {  	[smem:$0x3FA9] =	sst s5  }
0xe: {  	[smem:$0x3FAA] =	sst s6  }
0xf: {  	[smem:$0x3FAB] =	sst s7  }
0x10: {  	[smem:$0x3FAC] =	sst s8  }
0x11: {  	[smem:$0x3FAD] =	sst s9;
	s0 =	simm.s32 @!p0 $0x0  }
0x12: {  	s1 =	sld [smem:$0x3F93];
	s0 =	simm.s32 @p0 $0x1  }
0x13: {  	[smem:$0x3FAE] =	sst s0;
	s0 =	simm.s32 @!p1 $0x0  }
0x14: {  	s2 =	sld [smem:$0x3F92];
	s0 =	simm.s32 @p1 $0x1  }
0x15: {  	[smem:$0x3FAF] =	sst s0;
	s0 =	simm.s32 @!p2 $0x0  }
0x16: {  	s3 =	sld [smem:$0x3FDB];
	s0 =	simm.s32 @p2 $0x1  }
0x17: {  	s4 =	simm.s32 $0x1BF5;
	[smem:$0x3FB1] =	sst s0  }
0x18: {  	s0 =	sld [smem:$0x3F94];
	_ =	swait.ge [sflag:s4], $0x0  }
0x19: {  	s7 =	sld [smem:$0x3F95]  }
0x1a: {  	s8 =	sadd.s32 $0xFFFFE003, lr  }
0x1b: {  	s9 =	sadd.s32 $0xFFFFFEF7, lr;
	s5 =	simm.s32 $0xFFFFFFFF;
	p2 =	slt.u32 s8, $0xFFFFF086  }
0x1c: {  	p1 =	slt.u32 s9, $0xF7A;
	s5 =	simm.s32 @!p2 $0x0  }
0x1d: {  	s5 =	simm.s32 @p1 $0x1;
	p0 =	seq.s32 s7, s2  }
0x1e: {  	s7 =	smul.u32 @!p0 $0xF7A, s2;
	p2 =	seq.s32 @!p0 s5, $0x0  }
0x1f: {  	s9 =	smul.u32 $0xF7A, s1;
	s8 =	simm.s32 @!p0 $0x1BF5;
	p2 =	por !p2, p0  }
0x20: {  	[sflag:s8] =	ssyncset.s32 @!p0 $0xFFFFF086;
	s6 =	sadd.s32 @!p0 s3, s7;
	s7 =	simm.s32 @!p0 $0x108  }
0x21: {  	s3 =	sadd.s32 s3, s9;
	s6 =	sadd.s32 @!p0 $0x88, s6;
	s7 =	simm.s32 @p2 $0x1082  }
0x22: {  	[simem:s7], [sflag:s8] =	dma.local @!p0 [hbm:s6], $0xF7A  }
0x23: {  	s9 =	sor.u32 $0xD0000000, s2;
	s6 =	simm.s32 $0x108;
	_ =	swait.ge @!p0 [sflag:s8], $0x0  }
0x24: {  	s3 =	sadd.s32 $0x88, s3;
	s6 =	simm.s32 @!p1 $0x1082;
	[sflag:s4] =	ssyncset.s32 $0xFFFFF086  }
0x25: {  	[simem:s6], [sflag:s4] =	dma.local [hbm:s3], $0xF7A  }
0x26: {  	[smem:$0x3F95] =	sst s1;
	(tag) =	ssettag s2;
	_ =	strace s9  }
0x27: {  	s1 =	sld [smem:$0x3FA5]  }
0x28: {  	s2 =	sld [smem:$0x3FA6]  }
0x29: {  	s4 =	sld [smem:$0x3FA8]  }
0x2a: {  	p0 =	seq.s32 s5, $0x0;
	s5 =	sld [smem:$0x3FA9]  }
0x2b: {  	s6 =	sld [smem:$0x3FAA]  }
0x2c: {  	s7 =	sld [smem:$0x3FAB]  }
0x2d: {  	s3 =	simm.s32 $0x108;
	s8 =	sld [smem:$0x3FAC]  }
0x2e: {  	s3 =	simm.s32 @!p0 $0x1082;
	s9 =	sld [smem:$0x3FAD]  }
0x2f: {  	lr =	sadd.s32 s0, s3;
	s0 =	sld [smem:$0x3FA4]  }
0x30: {  	s3 =	sld [smem:$0x3FA7]  }
0x31: {  	[smem:$0x3FB0] =	sst s10  }
0x32: {  	s10 =	sld [smem:$0x3FAE];
	_ =	sdelay $0x3  }
0x33: {  	p0 =	seq.s32 s10, $0x1;
	s10 =	sld [smem:$0x3FB0];
	_ =	sdelay $0x3  }
0x34: {  	[smem:$0x3FB0] =	sst s10  }
0x35: {  	s10 =	sld [smem:$0x3FAF];
	_ =	sdelay $0x3  }
0x36: {  	p1 =	seq.s32 s10, $0x1;
	s10 =	sld [smem:$0x3FB0];
	_ =	sdelay $0x3  }
0x37: {  	[smem:$0x3FB0] =	sst s10  }
0x38: {  	s10 =	sld [smem:$0x3FB1]  }
0x39: {  	_ = 	snop;
	(pc) =	sbr.ind lr, $3  }
0x3a: {  	_ = 	snop  }
0x3b: {  	_ = 	snop  }
0x3c: {  	p2 =	seq.s32 s10, $0x1;
	s10 =	sld [smem:$0x3FB0]  }
0x3d: {  	_ =	shalt  }
0x3e: {  	_ =	shalt  }
0x3f: {  	_ =	shalt  }
0x40: {  	_ =	shalt  }
0x41: {  	_ =	shalt  }
0x42: {  	_ =	shalt  }
0x43: {  	_ =	shalt  }
0x44: {  	_ =	shalt  }
0x45: {  	_ =	shalt  }
0x46: {  	_ =	shalt  }
0x47: {  	_ =	shalt  }
0x48: {  	_ =	shalt  }
0x49: {  	_ =	shalt  }
0x4a: {  	_ =	shalt  }
0x4b: {  	_ =	shalt  }
0x4c: {  	_ =	shalt  }
0x4d: {  	_ =	shalt  }
0x4e: {  	_ =	shalt  }
0x4f: {  	_ =	shalt  }
0x50: {  	_ =	shalt  }
0x51: {  	_ =	shalt  }
0x52: {  	_ =	shalt  }
0x53: {  	_ =	shalt  }
0x54: {  	_ =	shalt  }
0x55: {  	_ =	shalt  }
0x56: {  	_ =	shalt  }
0x57: {  	_ =	shalt  }
0x58: {  	_ =	shalt  }
0x59: {  	_ =	shalt  }
0x5a: {  	_ =	shalt  }
0x5b: {  	_ =	shalt  }
0x5c: {  	_ =	shalt  }
0x5d: {  	_ =	shalt  }
0x5e: {  	_ =	shalt  }
0x5f: {  	_ =	shalt  }
0x60: {  	_ =	shalt  }
0x61: {  	_ =	shalt  }
0x62: {  	_ =	shalt  }
0x63: {  	_ =	shalt  }
0x64: {  	_ =	shalt  }
0x65: {  	_ =	shalt  }
0x66: {  	_ =	shalt  }
0x67: {  	_ =	shalt  }
0x68: {  	_ =	shalt  }
0x69: {  	_ =	shalt  }
0x6a: {  	_ =	shalt  }
0x6b: {  	_ =	shalt  }
0x6c: {  	_ =	shalt  }
0x6d: {  	_ =	shalt  }
0x6e: {  	_ =	shalt  }
0x6f: {  	_ =	shalt  }
0x70: {  	_ =	shalt  }
0x71: {  	_ =	shalt  }
0x72: {  	_ =	shalt  }
0x73: {  	_ =	shalt  }
0x74: {  	_ =	shalt  }
0x75: {  	_ =	shalt  }
0x76: {  	_ =	shalt  }
0x77: {  	_ =	shalt  }
0x78: {  	_ =	shalt  }
0x79: {  	_ =	shalt  }
0x7a: {  	_ =	shalt  }
0x7b: {  	_ =	shalt  }
0x7c: {  	_ =	shalt  }
0x7d: {  	_ =	shalt  }
0x7e: {  	_ =	shalt  }
0x7f: {  	_ =	shalt  }
0x80: {  	_ =	shalt  }
0x81: {  	_ =	shalt  }
0x82: {  	_ =	shalt  }
0x83: {  	_ =	shalt  }
0x84: {  	_ =	shalt  }
0x85: {  	_ =	shalt  }
0x86: {  	_ =	shalt  }
0x87: {  	_ =	shalt  }
.Lfunc_end0:
.L_simem_size_0:
called_computation.2_lowered:
.L_overlay_start_0:
0x88: {  	s2 =	sld [smem:$0x3FD9]  }
0x89: {  	s3 =	sld [smem:$0x3FFE];
	_ =	sdelay $0x1  }
0x8a: {  	s1 =	srdreg.scid  }
0x8b: {  	s0 =	sand.u32 $0x1, s1  }
0x8c: {  	s17 =	sshll.u32 s0, $0xA;
	s2 =	sadd.s32 s3, s2  }
0x8d: {  	s2 =	sadd.s32 s2, s17  }
0x8e: {  	[smem:$0x3FBC] =	sst s2  }
0x8f: {  	_ = 	snop  }
0x90: {  	(tm) =	ssettm $0x1  }
0x91: {  	s18 =	sld [smem:$0x3FFB];
	_ =	sdelay $0x3  }
0x92: {  	_ =	strace s18  }
0x93: {  	s2 =	sld [smem:$0x3FFC];
	_ =	sdelay $0x3  }
0x94: {  	_ =	strace s2  }
0x95: {  	s2 =	sld [smem:$0x3FFD];
	_ =	sdelay $0x3  }
0x96: {  	_ =	strace s2  }
0x97: {  	_ =	strace $0x8FFFFFFF  }
0x98: {  	s19 =	sld [smem:$0x3FDB];
	_ =	sdelay $0x1  }
0x99: {  	s20 =	simm.s32 $_scs_section_size  }
0x9a: {  	s4 =	simm.s32 $_size__tile_overlayer_lowered;
	s5 =	simm.s32 $_tile_overlayer_lowered  }
0x9b: {  	s6 =	simm.s32 $0x1BFF;
	s21 =	sshll.u32 s5, $0x1;
	s3 =	sadd.s32 s20, s19  }
0x9c: {  	s22 =	simm.s32 $0x0;
	s4 =	sshll.u32 s4, $0x1;
	s5 =	sadd.s32 s21, s3  }
0x9d: {  	[timem:s22], [sflag:s6] =	dma.local [hbm:s5], s4  }
0x9e: {  	_ =	swait.ge [sflag:s6], s4  }
0x9f: {  	s4 =	ssub.s32 $0x0, s4;
	[sflag:s6] =	ssyncset.done $0x0  }
0xa0: {  	[sflag:s6] =	ssyncadd.s32 s4;
	_ =	sdelay $0x1  }
0xa1: {  	s23 =	simm.s32 $0x1B8B  }
0xa2: {  	_ =	swait.ge [sflag:s23], $0x1  }
0xa3: {  	[sflag:s23] =	ssyncset.done $0x0  }
0xa4: {  	[sflag:s23] =	ssyncadd.s32 $0xFFFFFFFF  }
0xa5: {  	s4 =	sld [smem:$0x0]  }
0xa6: {  	s5 =	sand.u32 $0xFFFFFFFE, s1  }
0xa7: {  	p0 =	sne.s32 s1, s5  }
0xa8: {  	s5 =	sshll.u32 @p0 s5, $0xE  }
0xa9: {  	s5 =	sadd.s32 @p0 $0x11B8D, s5;
	s6 =	sshll.u32 @p0 s4, $0x11  }
0xaa: {  	s5 =	sor.u32 @p0 s6, s5  }
0xab: {  	[sflag:s5] =	ssyncadd.remote.s32 @p0 $0x1;
	_ =	sdelay $0x1  }
0xac: {  	s5 =	simm.s32 @p0 $0x1B8D  }
0xad: {  	_ =	swait.eq @p0 [sflag:s5], $0x1  }
0xae: {  	[sflag:s5] =	ssyncadd.s32 @p0 $0xFFFFFFFF  }
0xaf: {  	s6 =	sshll.u32 @!p0 s1, $0xE  }
0xb0: {  	s6 =	sor.u32 @!p0 $0x4000, s6;
	s5 =	simm.s32 @!p0 $0x1B8D  }
0xb1: {  	s4 =	sshll.u32 @!p0 s4, $0x11;
	s6 =	sadd.s32 @!p0 $0x11B8D, s6;
	_ =	swait.eq @!p0 [sflag:s5], $0x1  }
0xb2: {  	s4 =	sor.u32 @!p0 s4, s6;
	[sflag:s5] =	ssyncadd.s32 @!p0 $0xFFFFFFFF  }
0xb3: {  	s25 =	simm.s32 $0x1B8E;
	s24 =	sld [smem:$0x3FFE];
	[sflag:s4] =	ssyncadd.remote.s32 @!p0 $0x1  }
0xb4: {  	s26 =	simm.s32 $execute0_lowered;
	[smem:$0x3FD2] =	sst s25  }
0xb5: {  	s5 =	sshll.u32 s26, $0x1;
	_ =	strace $0x8000004F;
	[dreg:$0x1] =	wrdreg $0xFFFFFFFF  }
0xb6: {  	s28 =	simm.s32 $_size_execute0_lowered;
	s3 =	sadd.s32 s3, s5;
	[dreg:$0x0] =	wrdreg $0x0  }
0xb7: {  	s5 =	sshll.u32 s28, $0x1;
	[dreg:$0x2] =	wrdreg s3  }
0xb8: {  	[dreg:$0x3] =	wrdreg s5  }
0xb9: {  	[dreg:$0x4] =	wrdreg $0xC0  }
0xba: {  	_ =	task [dreg:s22], $0x5FFFF  }
0xbb: {  	[dreg:$0x1] =	wrdreg $0xFFFFFFFF  }
0xbc: {  	[dreg:$0x0] =	wrdreg $0x60  }
0xbd: {  	[dreg:$0x2] =	wrdreg s24  }
0xbe: {  	[dreg:$0x3] =	wrdreg $0xA8000  }
0xbf: {  	[dreg:$0x4] =	wrdreg $0xA  }
0xc0: {  	_ =	task.clear_ibuf [dreg:s22], $0x5FFFF;
	_ =	strace $0x9000004F  }
0xc1: {  	s29 =	simm.s32 $0xA;
	_ =	strace $0x80000051  }
0xc2: {  	_ =	swait.ge [sflag:s29], $0x1  }
0xc3: {  	[sflag:s29] =	ssyncadd.s32 $0xFFFFFFFF  }
0xc4: {  	_ =	strace $0x90000051  }
0xc5: {  	_ =	sfence  }
0xc6: {  	s30 =	sld [smem:$0x0];
	_ =	sdelay $0x2  }
0xc7: {  	s31 =	sshll.u32 s1, $0xD;
	s1 =	sshrl.u32 s1, $0x2  }
0xc8: {  	s4 =	sand.u32 $0x4000, s31;
	s1 =	sadd.s32 s1, s30  }
0xc9: {  	s0 =	sor.u32 s4, s0;
	s1 =	sshll.u32 s1, $0x11  }
0xca: {  	s0 =	sor.u32 s1, s0  }
0xcb: {  	s0 =	sadd.s32 $0x8F2B, s0  }
0xcc: {  	[sflag:s0] =	ssyncadd.remote.s32 $0x1  }
0xcd: {  	_ =	sfence.sel $0xFFFF  }
0xce: {  	[dreg:$0x0] =	wrdreg $0xFFFFFFFF;
	(pc) =	sbr.abs _section_cstart, $3  }
0xcf: {  	[dreg:$0x1] =	wrdreg $0xFFFFFFFF  }
0xd0: {  	_ =	task.clear_ibuf [dreg:s22], $0x2FFFF;
	_ =	strace $0x9FFFFFFF  }
0xd1: {  	(tm) =	ssettm $0x7FFFFFFF  }
tec
execute0_lowered:
.L_overlay_start_1:
0x0: {  	(tag) =	ssettag $0x1  }
0x1: {  	s0 =	rddreg [dreg:$0x0]  }
0x2: {  	s2 =	rddreg [dreg:$0x1];
	s3 =	simm.s32 $0x0  }
0x3: {  	s15 =	stileid.u32;
	s6 =	srdreg.scid;
	s16 =	simm.s32 $0x40  }
0x4: {  	s17 =	simm.s32 $0x2800;
	s18 =	simm.s32 $0x4800;
	s19 =	simm.s32 $0x80  }
0x5: {  	s20 =	simm.s32 $0x6800;
	s21 =	simm.s32 $0xC0;
	s28 =	simm.s32 $0x4  }
0x6: {  	s29 =	simm.s32 $0x2700;
	s30 =	simm.s32 $0x2780;
	s31 =	simm.s32 $0x0  }
0x7: {  	[smem:$0x7FF] =	sst s3;
	s1 =	smul.u32 $0x2800, s15;
	s4 =	sadd.s32 $0x18A00, s0  }
0x8: {  	s10 =	sadd.s32 $0x3E00, s0;
	s6 =	sand.u32 $0x1, s6;
	s7 =	sshll.u32 s15, $0x1  }
0x9: {  	s8 =	smul.u32 $0x50000, s15;
	s23 =	sshll.u32 s15, $0x6;
	s15 =	simm.s32 $0x1400  }
0xa: {  	s9 =	smul.u32 $0x28000, s6;
	s11 =	ssub.s32 $0x2, s6;
	s6 =	sor.u32 s6, s7  }
0xb: {  	_ =	strace $0x80000050;
	s5 =	sadd.s32 s1, s0;
	s12 =	smul.u32 $0x2800, s6  }
0xc: {  	s22 =	sshrl.u32 s11, $0x1;
	s8 =	sshrl.u32 s8, $0x2;
	s24 =	smul.u32 $0x500, s6  }
0xd: {  	s6 =	sor.u32 $0x1C05, s23;
	s23 =	simm.s32 $0x1;
	s13 =	sadd.s32 s9, s0  }
0xe: {  	s11 =	ssub.s32 s11, s22;
	s14 =	sadd.s32 s8, s2;
	s5 =	sadd.s32 $0x40E00, s5  }
0xf: {  	s9 =	sadd.s32 $0xDE00, s0;
	s22 =	simm.s32 $0x8800;
	s25 =	sshrl.u32 s12, $0x3  }
0x10: {  	[dreg:$0x3] =	wrdreg s5;
	s8 =	sadd.s32 s10, s24;
	s26 =	sadd.s32 $0x68E00, s13  }
0x11: {  	s11 =	smax.u32 s11, $0x1;
	s12 =	sshrl.u32 s14, $0x3;
	s13 =	simm.s32 $0x5  }
0x12: {  	s14 =	sadd.s32 s24, s9;
	s7 =	sadd.s32 $0x280, s25;
	s24 =	sadd.s32 s1, s26  }
0x13: {  	s25 =	simm.s32 $0x2;
	s26 =	simm.s32 $0x3;
	s10 =	sadd.s32 s10, s7  }
.LBB2_1:
0x14: {  	s0 =	rddreg [dreg:$0x3]  }
0x15: {  	[spmem:s12], [sflag:s6] =	dma.local [hbm:s0], $0x2800  }
0x16: {  	_ =	swait.ge [sflag:s13], $0x2800  }
0x17: {  	[sflag:s13] =	ssyncset.done $0x0  }
0x18: {  	[sflag:s13] =	ssyncadd.s32 $0xFFFFD800  }
0x19: {  	[bflag:$0x0] =	sbarrier.arrive $0xFFFF  }
0x1a: {  	[tilespmem:s3], [sflag:$0x5] =	stream.linear.gather [hbm4b:s8+s3], $0x1400, $0x38;
	[tilespmem:$0x1E800] =	vst v63  }
0x1b: {  	_ =	swait.ge [sflag:s13], $0x1400  }
0x1c: {  	[sflag:s13] =	ssyncset.done $0x0  }
0x1d: {  	[sflag:s13] =	ssyncadd.s32 $0xFFFFEC00  }
0x1e: {  	[tilespmem:s15], [sflag:$0x5] =	stream.linear.gather [hbm4b:s14+s3], $0x1400, $0x38;
	[tilespmem:$0x1E800] =	vst v63  }
0x1f: {  	_ =	swait.ge [sflag:s13], $0x1400  }
0x20: {  	[sflag:s13] =	ssyncset.done $0x0  }
0x21: {  	[sflag:s13] =	ssyncadd.s32 $0xFFFFEC00  }
0x22: {  	[tilespmem:s17], [sflag:$0x1] =	stream.indirect.gather [hbm4b:s4+s16], $0x80, s3, s16, $0xb8;
	[tilespmem:$0x1E800] =	vst v63  }
0x23: {  	_ = 	snop  }
0x24: {  	[tilespmem:s18], [sflag:$0x2] =	stream.indirect.gather [hbm4b:s4+s16], $0x80, s16, s16, $0xb8;
	[tilespmem:$0x1E800] =	vst v63  }
0x25: {  	_ = 	snop  }
0x26: {  	[tilespmem:s20], [sflag:$0x3] =	stream.indirect.gather [hbm4b:s4+s16], $0x80, s19, s16, $0xb8;
	[tilespmem:$0x1E800] =	vst v63  }
0x27: {  	_ = 	snop  }
0x28: {  	[tilespmem:s22], [sflag:$0x4] =	stream.indirect.gather [hbm4b:s4+s16], $0x80, s21, s16, $0xb8;
	[tilespmem:$0x1E800] =	vst v63  }
0x29: {  	_ =	swait.ge [sflag:s23], $0x2000  }
0x2a: {  	[sflag:s23] =	ssyncset.done $0x0  }
0x2b: {  	[sflag:s23] =	ssyncadd.s32 $0xFFFFE000  }
0x2c: {  	_ =	swait.ge [sflag:s25], $0x2000  }
0x2d: {  	[sflag:s25] =	ssyncset.done $0x0  }
0x2e: {  	s5 =	simm.s32 $0x1400;
	[sflag:s25] =	ssyncadd.s32 $0xFFFFE000  }
0x2f: {  	[spmem:s2] =	stream.indirect.scatter.add.f32 [tilespmem:s17], [sflag:$0x5], $0x80, s5, s19, $0xb8;
	[tilespmem:$0x1E800] =	vst v63  }
0x30: {  	_ =	swait.ge [sflag:s13], $0x4000  }
0x31: {  	[sflag:s13] =	ssyncset.done $0x0  }
0x32: {  	s1 =	simm.s32 $0x100;
	[sflag:s13] =	ssyncadd.s32 $0xFFFFC000  }
0x33: {  	[tilespmem:s17], [sflag:$0x1] =	stream.indirect.gather [hbm4b:s4+s16], $0x80, s1, s16, $0xb8;
	[tilespmem:$0x1E800] =	vst v63  }
0x34: {  	s5 =	simm.s32 $0x140  }
0x35: {  	[tilespmem:s18], [sflag:$0x2] =	stream.indirect.gather [hbm4b:s4+s16], $0x80, s5, s16, $0xb8;
	[tilespmem:$0x1E800] =	vst v63  }
0x36: {  	_ =	swait.ge [sflag:s26], $0x2000  }
0x37: {  	[sflag:s26] =	ssyncset.done $0x0  }
0x38: {  	[sflag:s26] =	ssyncadd.s32 $0xFFFFE000  }
0x39: {  	_ =	swait.ge [sflag:s28], $0x2000  }
0x3a: {  	[sflag:s28] =	ssyncset.done $0x0  }
0x3b: {  	s1 =	simm.s32 $0x1480;
	[sflag:s28] =	ssyncadd.s32 $0xFFFFE000  }
0x3c: {  	[spmem:s2] =	stream.indirect.scatter.add.f32 [tilespmem:s20], [sflag:$0x5], $0x80, s1, s19, $0xb8;
	[tilespmem:$0x1E800] =	vst v63  }
0x3d: {  	_ =	swait.ge [sflag:s13], $0x4000  }
0x3e: {  	s0 =	simm.s32 $0x400;
	[sflag:s13] =	ssyncset.done $0x0  }
0x3f: {  	s5 =	simm.s32 $0x180;
	s1 =	simm.s32 $0x1C0;
	[sflag:s13] =	ssyncadd.s32 $0xFFFFC000  }
0x40: {  	[tilespmem:s20], [sflag:$0x3] =	stream.indirect.gather [hbm4b:s4+s16], $0x80, s5, s16, $0xb8;
	[tilespmem:$0x1E800] =	vst v63  }
.LBB2_2:
0x41: {  	[tilespmem:s22], [sflag:$0x4] =	stream.indirect.gather [hbm4b:s4+s16], $0x80, s1, s16, $0xb8;
	[tilespmem:$0x1E800] =	vst v63  }
0x42: {  	s1 =	smov.u32 s0  }
0x43: {  	p0 =	sne.s32 s0, $0x4800;
	s0 =	sadd.s32 $0x400, s0;
	_ =	swait.ge [sflag:s23], $0x2000  }
0x44: {  	[sflag:s23] =	ssyncset.done $0x0  }
0x45: {  	[sflag:s23] =	ssyncadd.s32 $0xFFFFE000  }
0x46: {  	_ =	swait.ge [sflag:s25], $0x2000  }
0x47: {  	s1 =	sshra.s32 s1, $0x2;
	[sflag:s25] =	ssyncset.done $0x0  }
0x48: {  	s5 =	sadd.s32 $0x1400, s1;
	[sflag:s25] =	ssyncadd.s32 $0xFFFFE000  }
0x49: {  	[spmem:s2] =	stream.indirect.scatter.add.f32 [tilespmem:s17], [sflag:$0x5], $0x80, s5, s19, $0xb8;
	[tilespmem:$0x1E800] =	vst v63  }
0x4a: {  	_ =	swait.ge [sflag:s13], $0x4000  }
0x4b: {  	[sflag:s13] =	ssyncset.done $0x0  }
0x4c: {  	s5 =	sadd.s32 $0x100, s1;
	[sflag:s13] =	ssyncadd.s32 $0xFFFFC000  }
0x4d: {  	[tilespmem:s17], [sflag:$0x1] =	stream.indirect.gather [hbm4b:s4+s16], $0x80, s5, s16, $0xb8;
	[tilespmem:$0x1E800] =	vst v63  }
0x4e: {  	s5 =	sadd.s32 $0x140, s1  }
0x4f: {  	[tilespmem:s18], [sflag:$0x2] =	stream.indirect.gather [hbm4b:s4+s16], $0x80, s5, s16, $0xb8;
	[tilespmem:$0x1E800] =	vst v63  }
0x50: {  	_ =	swait.ge [sflag:s26], $0x2000  }
0x51: {  	[sflag:s26] =	ssyncset.done $0x0  }
0x52: {  	[sflag:s26] =	ssyncadd.s32 $0xFFFFE000  }
0x53: {  	_ =	swait.ge [sflag:s28], $0x2000  }
0x54: {  	[sflag:s28] =	ssyncset.done $0x0  }
0x55: {  	s5 =	sadd.s32 $0x1480, s1;
	[sflag:s28] =	ssyncadd.s32 $0xFFFFE000  }
0x56: {  	[spmem:s2] =	stream.indirect.scatter.add.f32 [tilespmem:s20], [sflag:$0x5], $0x80, s5, s19, $0xb8;
	[tilespmem:$0x1E800] =	vst v63  }
.Ltmp0:
0x57: {  	_ =	swait.ge [sflag:s13], $0x4000;
	(pc) =	sbr.rel @p0 .LBB2_2-.Ltmp0, $4  }
0x58: {  	[sflag:s13] =	ssyncset.done $0x0  }
0x59: {  	s5 =	sadd.s32 $0x180, s1;
	[sflag:s13] =	ssyncadd.s32 $0xFFFFC000  }
0x5a: {  	[tilespmem:s20], [sflag:$0x3] =	stream.indirect.gather [hbm4b:s4+s16], $0x80, s5, s16, $0xb8;
	[tilespmem:$0x1E800] =	vst v63  }
0x5b: {  	s1 =	sadd.s32 $0x1C0, s1  }
0x5c: {  	[tilespmem:s22], [sflag:$0x4] =	stream.indirect.gather [hbm4b:s4+s16], $0x80, s1, s16, $0xb8;
	[tilespmem:$0x1E800] =	vst v63  }
0x5d: {  	_ =	swait.ge [sflag:s23], $0x2000  }
0x5e: {  	[sflag:s23] =	ssyncset.done $0x0  }
0x5f: {  	[sflag:s23] =	ssyncadd.s32 $0xFFFFE000  }
0x60: {  	_ =	swait.ge [sflag:s25], $0x2000  }
0x61: {  	[sflag:s25] =	ssyncset.done $0x0  }
0x62: {  	[sflag:s25] =	ssyncadd.s32 $0xFFFFE000  }
0x63: {  	[spmem:s2] =	stream.indirect.scatter.add.f32 [tilespmem:s17], [sflag:$0x5], $0x80, s29, s19, $0xb8;
	[tilespmem:$0x1E800] =	vst v63  }
0x64: {  	_ =	swait.ge [sflag:s13], $0x4000  }
0x65: {  	[sflag:s13] =	ssyncset.done $0x0  }
0x66: {  	[sflag:s13] =	ssyncadd.s32 $0xFFFFC000  }
0x67: {  	_ =	swait.ge [sflag:s26], $0x2000  }
0x68: {  	[sflag:s26] =	ssyncset.done $0x0  }
0x69: {  	[sflag:s26] =	ssyncadd.s32 $0xFFFFE000  }
0x6a: {  	_ =	swait.ge [sflag:s28], $0x2000  }
0x6b: {  	[sflag:s28] =	ssyncset.done $0x0  }
0x6c: {  	[sflag:s28] =	ssyncadd.s32 $0xFFFFE000  }
0x6d: {  	[spmem:s2] =	stream.indirect.scatter.add.f32 [tilespmem:s20], [sflag:$0x5], $0x80, s30, s19, $0xb8;
	[tilespmem:$0x1E800] =	vst v63  }
0x6e: {  	_ =	swait.ge [sflag:s13], $0x4000  }
0x6f: {  	[sflag:s13] =	ssyncset.done $0x0  }
0x70: {  	s0 =	simm.s32 $0x0;
	[sflag:s13] =	ssyncadd.s32 $0xFFFFC000  }
0x71: {  	[tilespmem:s0], [sflag:$0x5] =	stream.linear.gather [hbm4b:s10+s0], $0x1400, $0x38;
	[tilespmem:$0x1E800] =	vst v63  }
0x72: {  	_ =	swait.ge [sflag:s13], $0x1400  }
0x73: {  	[sflag:s13] =	ssyncset.done $0x0  }
0x74: {  	s5 =	sadd.s32 s7, s9;
	[sflag:s13] =	ssyncadd.s32 $0xFFFFEC00  }
0x75: {  	[tilespmem:s15], [sflag:$0x5] =	stream.linear.gather [hbm4b:s5+s0], $0x1400, $0x38;
	[tilespmem:$0x1E800] =	vst v63  }
0x76: {  	_ =	swait.ge [sflag:s13], $0x1400  }
0x77: {  	[sflag:s13] =	ssyncset.done $0x0  }
0x78: {  	[sflag:s13] =	ssyncadd.s32 $0xFFFFEC00  }
0x79: {  	[tilespmem:s17], [sflag:$0x1] =	stream.indirect.gather [hbm4b:s4+s16], $0x80, s0, s16, $0xb8;
	[tilespmem:$0x1E800] =	vst v63  }
0x7a: {  	_ = 	snop  }
0x7b: {  	[tilespmem:s18], [sflag:$0x2] =	stream.indirect.gather [hbm4b:s4+s16], $0x80, s16, s16, $0xb8;
	[tilespmem:$0x1E800] =	vst v63  }
0x7c: {  	_ = 	snop  }
0x7d: {  	[tilespmem:s20], [sflag:$0x3] =	stream.indirect.gather [hbm4b:s4+s16], $0x80, s19, s16, $0xb8;
	[tilespmem:$0x1E800] =	vst v63  }
0x7e: {  	_ = 	snop  }
0x7f: {  	[tilespmem:s22], [sflag:$0x4] =	stream.indirect.gather [hbm4b:s4+s16], $0x80, s21, s16, $0xb8;
	[tilespmem:$0x1E800] =	vst v63  }
0x80: {  	_ =	swait.ge [sflag:s23], $0x2000  }
0x81: {  	[sflag:s23] =	ssyncset.done $0x0  }
0x82: {  	[sflag:s23] =	ssyncadd.s32 $0xFFFFE000  }
0x83: {  	_ =	swait.ge [sflag:s25], $0x2000  }
0x84: {  	[sflag:s25] =	ssyncset.done $0x0  }
0x85: {  	s5 =	simm.s32 $0x1400;
	[sflag:s25] =	ssyncadd.s32 $0xFFFFE000  }
0x86: {  	[spmem:s2] =	stream.indirect.scatter.add.f32 [tilespmem:s17], [sflag:$0x5], $0x80, s5, s19, $0xb8;
	[tilespmem:$0x1E800] =	vst v63  }
0x87: {  	_ =	swait.ge [sflag:s13], $0x4000  }
0x88: {  	[sflag:s13] =	ssyncset.done $0x0  }
0x89: {  	s1 =	simm.s32 $0x100;
	[sflag:s13] =	ssyncadd.s32 $0xFFFFC000  }
0x8a: {  	[tilespmem:s17], [sflag:$0x1] =	stream.indirect.gather [hbm4b:s4+s16], $0x80, s1, s16, $0xb8;
	[tilespmem:$0x1E800] =	vst v63  }
0x8b: {  	s5 =	simm.s32 $0x140  }
0x8c: {  	[tilespmem:s18], [sflag:$0x2] =	stream.indirect.gather [hbm4b:s4+s16], $0x80, s5, s16, $0xb8;
	[tilespmem:$0x1E800] =	vst v63  }
0x8d: {  	_ =	swait.ge [sflag:s26], $0x2000  }
0x8e: {  	[sflag:s26] =	ssyncset.done $0x0  }
0x8f: {  	[sflag:s26] =	ssyncadd.s32 $0xFFFFE000  }
0x90: {  	_ =	swait.ge [sflag:s28], $0x2000  }
0x91: {  	[sflag:s28] =	ssyncset.done $0x0  }
0x92: {  	s1 =	simm.s32 $0x1480;
	[sflag:s28] =	ssyncadd.s32 $0xFFFFE000  }
0x93: {  	[spmem:s2] =	stream.indirect.scatter.add.f32 [tilespmem:s20], [sflag:$0x5], $0x80, s1, s19, $0xb8;
	[tilespmem:$0x1E800] =	vst v63  }
0x94: {  	_ =	swait.ge [sflag:s13], $0x4000  }
0x95: {  	s0 =	simm.s32 $0x400;
	[sflag:s13] =	ssyncset.done $0x0  }
0x96: {  	s5 =	simm.s32 $0x180;
	s1 =	simm.s32 $0x1C0;
	[sflag:s13] =	ssyncadd.s32 $0xFFFFC000  }
0x97: {  	[tilespmem:s20], [sflag:$0x3] =	stream.indirect.gather [hbm4b:s4+s16], $0x80, s5, s16, $0xb8;
	[tilespmem:$0x1E800] =	vst v63  }
.LBB2_4:
0x98: {  	[tilespmem:s22], [sflag:$0x4] =	stream.indirect.gather [hbm4b:s4+s16], $0x80, s1, s16, $0xb8;
	[tilespmem:$0x1E800] =	vst v63  }
0x99: {  	s1 =	smov.u32 s0  }
0x9a: {  	p0 =	sne.s32 s0, $0x4800;
	s0 =	sadd.s32 $0x400, s0;
	_ =	swait.ge [sflag:s23], $0x2000  }
0x9b: {  	[sflag:s23] =	ssyncset.done $0x0  }
0x9c: {  	[sflag:s23] =	ssyncadd.s32 $0xFFFFE000  }
0x9d: {  	_ =	swait.ge [sflag:s25], $0x2000  }
0x9e: {  	s1 =	sshra.s32 s1, $0x2;
	[sflag:s25] =	ssyncset.done $0x0  }
0x9f: {  	s5 =	sadd.s32 $0x1400, s1;
	[sflag:s25] =	ssyncadd.s32 $0xFFFFE000  }
0xa0: {  	[spmem:s2] =	stream.indirect.scatter.add.f32 [tilespmem:s17], [sflag:$0x5], $0x80, s5, s19, $0xb8;
	[tilespmem:$0x1E800] =	vst v63  }
0xa1: {  	_ =	swait.ge [sflag:s13], $0x4000  }
0xa2: {  	[sflag:s13] =	ssyncset.done $0x0  }
0xa3: {  	s5 =	sadd.s32 $0x100, s1;
	[sflag:s13] =	ssyncadd.s32 $0xFFFFC000  }
0xa4: {  	[tilespmem:s17], [sflag:$0x1] =	stream.indirect.gather [hbm4b:s4+s16], $0x80, s5, s16, $0xb8;
	[tilespmem:$0x1E800] =	vst v63  }
0xa5: {  	s5 =	sadd.s32 $0x140, s1  }
0xa6: {  	[tilespmem:s18], [sflag:$0x2] =	stream.indirect.gather [hbm4b:s4+s16], $0x80, s5, s16, $0xb8;
	[tilespmem:$0x1E800] =	vst v63  }
0xa7: {  	_ =	swait.ge [sflag:s26], $0x2000  }
0xa8: {  	[sflag:s26] =	ssyncset.done $0x0  }
0xa9: {  	[sflag:s26] =	ssyncadd.s32 $0xFFFFE000  }
0xaa: {  	_ =	swait.ge [sflag:s28], $0x2000  }
0xab: {  	[sflag:s28] =	ssyncset.done $0x0  }
0xac: {  	s5 =	sadd.s32 $0x1480, s1;
	[sflag:s28] =	ssyncadd.s32 $0xFFFFE000  }
0xad: {  	[spmem:s2] =	stream.indirect.scatter.add.f32 [tilespmem:s20], [sflag:$0x5], $0x80, s5, s19, $0xb8;
	[tilespmem:$0x1E800] =	vst v63  }
.Ltmp1:
0xae: {  	_ =	swait.ge [sflag:s13], $0x4000;
	(pc) =	sbr.rel @p0 .LBB2_4-.Ltmp1, $4  }
0xaf: {  	[sflag:s13] =	ssyncset.done $0x0  }
0xb0: {  	s5 =	sadd.s32 $0x180, s1;
	[sflag:s13] =	ssyncadd.s32 $0xFFFFC000  }
0xb1: {  	[tilespmem:s20], [sflag:$0x3] =	stream.indirect.gather [hbm4b:s4+s16], $0x80, s5, s16, $0xb8;
	[tilespmem:$0x1E800] =	vst v63  }
0xb2: {  	s1 =	sadd.s32 $0x1C0, s1  }
0xb3: {  	[tilespmem:s22], [sflag:$0x4] =	stream.indirect.gather [hbm4b:s4+s16], $0x80, s1, s16, $0xb8;
	[tilespmem:$0x1E800] =	vst v63  }
0xb4: {  	_ =	swait.ge [sflag:s23], $0x2000  }
0xb5: {  	[sflag:s23] =	ssyncset.done $0x0  }
0xb6: {  	[sflag:s23] =	ssyncadd.s32 $0xFFFFE000  }
0xb7: {  	_ =	swait.ge [sflag:s25], $0x2000  }
0xb8: {  	[sflag:s25] =	ssyncset.done $0x0  }
0xb9: {  	[sflag:s25] =	ssyncadd.s32 $0xFFFFE000  }
0xba: {  	[spmem:s2] =	stream.indirect.scatter.add.f32 [tilespmem:s17], [sflag:$0x5], $0x80, s29, s19, $0xb8;
	[tilespmem:$0x1E800] =	vst v63  }
0xbb: {  	_ =	swait.ge [sflag:s13], $0x4000  }
0xbc: {  	[sflag:s13] =	ssyncset.done $0x0  }
0xbd: {  	[sflag:s13] =	ssyncadd.s32 $0xFFFFC000  }
0xbe: {  	_ =	swait.ge [sflag:s26], $0x2000  }
0xbf: {  	[sflag:s26] =	ssyncset.done $0x0  }
0xc0: {  	[sflag:s26] =	ssyncadd.s32 $0xFFFFE000  }
0xc1: {  	_ =	swait.ge [sflag:s28], $0x2000  }
0xc2: {  	[sflag:s28] =	ssyncset.done $0x0  }
0xc3: {  	[sflag:s28] =	ssyncadd.s32 $0xFFFFE000  }
0xc4: {  	[spmem:s2] =	stream.indirect.scatter.add.f32 [tilespmem:s20], [sflag:$0x5], $0x80, s30, s19, $0xb8;
	[tilespmem:$0x1E800] =	vst v63  }
0xc5: {  	_ =	swait.ge [sflag:s13], $0x4000  }
0xc6: {  	s31 =	sadd.s32 $0x1, s31;
	[sflag:s13] =	ssyncset.done $0x0  }
0xc7: {  	p0 =	sne.s32 s31, s11;
	[sflag:s13] =	ssyncadd.s32 $0xFFFFC000  }
.Ltmp2:
0xc8: {  	[bflag:$0x0] =	sbarrier.arrive $0xFFFF;
	(pc) =	sbr.rel @p0 .LBB2_1-.Ltmp2, $4  }
0xc9: {  	[hbm:s24], [sflag:s6] =	dma.local [spmem:s12], $0x2800  }
0xca: {  	_ =	swait.ge [sflag:s13], $0x2800  }
0xcb: {  	[sflag:s13] =	ssyncset.done $0x0  }
0xcc: {  	[sflag:s13] =	ssyncadd.s32 $0xFFFFD800  }
0xcd: {  	_ =	sfence.sel $0x180000  }
0xce: {  	[bflag:$0x0] =	sbarrier.arrive $0xFFFF  }
0xcf: {  	_ =	strace $0x90000050  }
0xd0: {  	s0 =	stileid.u32;
	[bflag:$0x2] =	sbarrier.arrive $0xFFFF  }
0xd1: {  	p0 =	sne.s32 s0, $0x0;
	s0 =	rddreg [dreg:$0x2]  }
0xd2: {  	s0 =	sadd.s32 @!p0 $0x100000, s0  }
0xd3: {  	[sflag:s0] =	ssyncadd.tile.s32 @!p0 $0x1;
	_ =	shalt  }
.Lfunc_end2:
_tile_overlayer_lowered:
.L_overlay_start_2:
0xd4: {  	(tag) =	ssettag $0x2  }
0xd5: {  	s0 =	rddreg [dreg:$0x0];
	s2 =	stileid.u32  }
0xd6: {  	s1 =	rddreg [dreg:$0x1];
	p0 =	sne.s32 s2, $0x0  }
0xd7: {  	s3 =	rddreg [dreg:$0x2];
	[bflag:$0x3] =	sbarrier.arrive $0xFFFF;
	s2 =	simm.s32 @!p0 $0x1C05  }
0xd8: {  	[timem:s3], [sflag:s2] =	dma.local @!p0 [hbm:s0], s1  }
0xd9: {  	s0 =	simm.s32 @!p0 $0x5  }
0xda: {  	_ =	swait.ge @!p0 [sflag:s0], s1  }
0xdb: {  	s1 =	ssub.s32 @!p0 $0x0, s1;
	[sflag:s0] =	ssyncset.done @!p0 $0x0  }
0xdc: {  	[sflag:s0] =	ssyncadd.s32 @!p0 s1  }
0xdd: {  	[bflag:$0x3] =	sbarrier.arrive $0xFFFF  }
0xde: {  	_ =	shalt  }

// kernel: kernel.18.cloned.1.call-start
scs
__scs_entry_jumppad:
0x0: {  	(pc) =	sbr.rel $0x88, $3  }
0x1: {  	(tag) =	ssettag $0x0;
	lr =	simm.s32 $0x1  }
0x2: {  	[smem:$0x3F95] =	sst lr;
	_ =	strace $0xD0000000  }
0x3: {  	_ = 	snop  }
0x4: {  	_ = 	snop  }
0x5: {  	_ = 	snop  }
0x6: {  	_ = 	snop  }
0x7: {  	_ = 	snop  }
__scs_overlays_trampoline_lowered:
0x8: {  	[smem:$0x3FA4] =	sst s0  }
0x9: {  	[smem:$0x3FA5] =	sst s1  }
0xa: {  	[smem:$0x3FA6] =	sst s2  }
0xb: {  	[smem:$0x3FA7] =	sst s3  }
0xc: {  	[smem:$0x3FA8] =	sst s4  }
0xd: {  	[smem:$0x3FA9] =	sst s5  }
0xe: {  	[smem:$0x3FAA] =	sst s6  }
0xf: {  	[smem:$0x3FAB] =	sst s7  }
0x10: {  	[smem:$0x3FAC] =	sst s8  }
0x11: {  	[smem:$0x3FAD] =	sst s9;
	s0 =	simm.s32 @!p0 $0x0  }
0x12: {  	s1 =	sld [smem:$0x3F93];
	s0 =	simm.s32 @p0 $0x1  }
0x13: {  	[smem:$0x3FAE] =	sst s0;
	s0 =	simm.s32 @!p1 $0x0  }
0x14: {  	s2 =	sld [smem:$0x3F92];
	s0 =	simm.s32 @p1 $0x1  }
0x15: {  	[smem:$0x3FAF] =	sst s0;
	s0 =	simm.s32 @!p2 $0x0  }
0x16: {  	s3 =	sld [smem:$0x3FDB];
	s0 =	simm.s32 @p2 $0x1  }
0x17: {  	s4 =	simm.s32 $0x1BF5;
	[smem:$0x3FB1] =	sst s0  }
0x18: {  	s0 =	sld [smem:$0x3F94];
	_ =	swait.ge [sflag:s4], $0x0  }
0x19: {  	s7 =	sld [smem:$0x3F95]  }
0x1a: {  	s8 =	sadd.s32 $0xFFFFE003, lr  }
0x1b: {  	s9 =	sadd.s32 $0xFFFFFEF7, lr;
	s5 =	simm.s32 $0xFFFFFFFF;
	p2 =	slt.u32 s8, $0xFFFFF086  }
0x1c: {  	p1 =	slt.u32 s9, $0xF7A;
	s5 =	simm.s32 @!p2 $0x0  }
0x1d: {  	s5 =	simm.s32 @p1 $0x1;
	p0 =	seq.s32 s7, s2  }
0x1e: {  	s7 =	smul.u32 @!p0 $0xF7A, s2;
	p2 =	seq.s32 @!p0 s5, $0x0  }
0x1f: {  	s9 =	smul.u32 $0xF7A, s1;
	s8 =	simm.s32 @!p0 $0x1BF5;
	p2 =	por !p2, p0  }
0x20: {  	[sflag:s8] =	ssyncset.s32 @!p0 $0xFFFFF086;
	s6 =	sadd.s32 @!p0 s3, s7;
	s7 =	simm.s32 @!p0 $0x108  }
0x21: {  	s3 =	sadd.s32 s3, s9;
	s6 =	sadd.s32 @!p0 $0x88, s6;
	s7 =	simm.s32 @p2 $0x1082  }
0x22: {  	[simem:s7], [sflag:s8] =	dma.local @!p0 [hbm:s6], $0xF7A  }
0x23: {  	s9 =	sor.u32 $0xD0000000, s2;
	s6 =	simm.s32 $0x108;
	_ =	swait.ge @!p0 [sflag:s8], $0x0  }
0x24: {  	s3 =	sadd.s32 $0x88, s3;
	s6 =	simm.s32 @!p1 $0x1082;
	[sflag:s4] =	ssyncset.s32 $0xFFFFF086  }
0x25: {  	[simem:s6], [sflag:s4] =	dma.local [hbm:s3], $0xF7A  }
0x26: {  	[smem:$0x3F95] =	sst s1;
	(tag) =	ssettag s2;
	_ =	strace s9  }
0x27: {  	s1 =	sld [smem:$0x3FA5]  }
0x28: {  	s2 =	sld [smem:$0x3FA6]  }
0x29: {  	s4 =	sld [smem:$0x3FA8]  }
0x2a: {  	p0 =	seq.s32 s5, $0x0;
	s5 =	sld [smem:$0x3FA9]  }
0x2b: {  	s6 =	sld [smem:$0x3FAA]  }
0x2c: {  	s7 =	sld [smem:$0x3FAB]  }
0x2d: {  	s3 =	simm.s32 $0x108;
	s8 =	sld [smem:$0x3FAC]  }
0x2e: {  	s3 =	simm.s32 @!p0 $0x1082;
	s9 =	sld [smem:$0x3FAD]  }
0x2f: {  	lr =	sadd.s32 s0, s3;
	s0 =	sld [smem:$0x3FA4]  }
0x30: {  	s3 =	sld [smem:$0x3FA7]  }
0x31: {  	[smem:$0x3FB0] =	sst s10  }
0x32: {  	s10 =	sld [smem:$0x3FAE];
	_ =	sdelay $0x3  }
0x33: {  	p0 =	seq.s32 s10, $0x1;
	s10 =	sld [smem:$0x3FB0];
	_ =	sdelay $0x3  }
0x34: {  	[smem:$0x3FB0] =	sst s10  }
0x35: {  	s10 =	sld [smem:$0x3FAF];
	_ =	sdelay $0x3  }
0x36: {  	p1 =	seq.s32 s10, $0x1;
	s10 =	sld [smem:$0x3FB0];
	_ =	sdelay $0x3  }
0x37: {  	[smem:$0x3FB0] =	sst s10  }
0x38: {  	s10 =	sld [smem:$0x3FB1]  }
0x39: {  	_ = 	snop;
	(pc) =	sbr.ind lr, $3  }
0x3a: {  	_ = 	snop  }
0x3b: {  	_ = 	snop  }
0x3c: {  	p2 =	seq.s32 s10, $0x1;
	s10 =	sld [smem:$0x3FB0]  }
0x3d: {  	_ =	shalt  }
0x3e: {  	_ =	shalt  }
0x3f: {  	_ =	shalt  }
0x40: {  	_ =	shalt  }
0x41: {  	_ =	shalt  }
0x42: {  	_ =	shalt  }
0x43: {  	_ =	shalt  }
0x44: {  	_ =	shalt  }
0x45: {  	_ =	shalt  }
0x46: {  	_ =	shalt  }
0x47: {  	_ =	shalt  }
0x48: {  	_ =	shalt  }
0x49: {  	_ =	shalt  }
0x4a: {  	_ =	shalt  }
0x4b: {  	_ =	shalt  }
0x4c: {  	_ =	shalt  }
0x4d: {  	_ =	shalt  }
0x4e: {  	_ =	shalt  }
0x4f: {  	_ =	shalt  }
0x50: {  	_ =	shalt  }
0x51: {  	_ =	shalt  }
0x52: {  	_ =	shalt  }
0x53: {  	_ =	shalt  }
0x54: {  	_ =	shalt  }
0x55: {  	_ =	shalt  }
0x56: {  	_ =	shalt  }
0x57: {  	_ =	shalt  }
0x58: {  	_ =	shalt  }
0x59: {  	_ =	shalt  }
0x5a: {  	_ =	shalt  }
0x5b: {  	_ =	shalt  }
0x5c: {  	_ =	shalt  }
0x5d: {  	_ =	shalt  }
0x5e: {  	_ =	shalt  }
0x5f: {  	_ =	shalt  }
0x60: {  	_ =	shalt  }
0x61: {  	_ =	shalt  }
0x62: {  	_ =	shalt  }
0x63: {  	_ =	shalt  }
0x64: {  	_ =	shalt  }
0x65: {  	_ =	shalt  }
0x66: {  	_ =	shalt  }
0x67: {  	_ =	shalt  }
0x68: {  	_ =	shalt  }
0x69: {  	_ =	shalt  }
0x6a: {  	_ =	shalt  }
0x6b: {  	_ =	shalt  }
0x6c: {  	_ =	shalt  }
0x6d: {  	_ =	shalt  }
0x6e: {  	_ =	shalt  }
0x6f: {  	_ =	shalt  }
0x70: {  	_ =	shalt  }
0x71: {  	_ =	shalt  }
0x72: {  	_ =	shalt  }
0x73: {  	_ =	shalt  }
0x74: {  	_ =	shalt  }
0x75: {  	_ =	shalt  }
0x76: {  	_ =	shalt  }
0x77: {  	_ =	shalt  }
0x78: {  	_ =	shalt  }
0x79: {  	_ =	shalt  }
0x7a: {  	_ =	shalt  }
0x7b: {  	_ =	shalt  }
0x7c: {  	_ =	shalt  }
0x7d: {  	_ =	shalt  }
0x7e: {  	_ =	shalt  }
0x7f: {  	_ =	shalt  }
0x80: {  	_ =	shalt  }
0x81: {  	_ =	shalt  }
0x82: {  	_ =	shalt  }
0x83: {  	_ =	shalt  }
0x84: {  	_ =	shalt  }
0x85: {  	_ =	shalt  }
0x86: {  	_ =	shalt  }
0x87: {  	_ =	shalt  }
.Lfunc_end0:
.L_simem_size_0:
called_computation.3_lowered:
.L_overlay_start_0:
0x88: {  	s2 =	sld [smem:$0x3FD9]  }
0x89: {  	s3 =	sld [smem:$0x3FFE];
	_ =	sdelay $0x1  }
0x8a: {  	s1 =	srdreg.scid  }
0x8b: {  	s0 =	sand.u32 $0x1, s1  }
0x8c: {  	s17 =	sshll.u32 s0, $0xA;
	s2 =	sadd.s32 s3, s2  }
0x8d: {  	s2 =	sadd.s32 s2, s17  }
0x8e: {  	[smem:$0x3FBC] =	sst s2  }
0x8f: {  	_ = 	snop  }
0x90: {  	(tm) =	ssettm $0x1  }
0x91: {  	s18 =	sld [smem:$0x3FFB];
	_ =	sdelay $0x3  }
0x92: {  	_ =	strace s18  }
0x93: {  	s2 =	sld [smem:$0x3FFC];
	_ =	sdelay $0x3  }
0x94: {  	_ =	strace s2  }
0x95: {  	s2 =	sld [smem:$0x3FFD];
	_ =	sdelay $0x3  }
0x96: {  	_ =	strace s2  }
0x97: {  	_ =	strace $0x8FFFFFFF  }
0x98: {  	s19 =	sld [smem:$0x3FDB];
	_ =	sdelay $0x1  }
0x99: {  	s20 =	simm.s32 $_scs_section_size  }
0x9a: {  	s4 =	simm.s32 $_size__tile_overlayer_lowered;
	s5 =	simm.s32 $_tile_overlayer_lowered  }
0x9b: {  	s6 =	simm.s32 $0x1BFF;
	s21 =	sshll.u32 s5, $0x1;
	s3 =	sadd.s32 s20, s19  }
0x9c: {  	s22 =	simm.s32 $0x0;
	s4 =	sshll.u32 s4, $0x1;
	s5 =	sadd.s32 s21, s3  }
0x9d: {  	[timem:s22], [sflag:s6] =	dma.local [hbm:s5], s4  }
0x9e: {  	_ =	swait.ge [sflag:s6], s4  }
0x9f: {  	s4 =	ssub.s32 $0x0, s4;
	[sflag:s6] =	ssyncset.done $0x0  }
0xa0: {  	[sflag:s6] =	ssyncadd.s32 s4;
	_ =	sdelay $0x1  }
0xa1: {  	s23 =	simm.s32 $0x1B8B  }
0xa2: {  	_ =	swait.ge [sflag:s23], $0x1  }
0xa3: {  	[sflag:s23] =	ssyncset.done $0x0  }
0xa4: {  	[sflag:s23] =	ssyncadd.s32 $0xFFFFFFFF  }
0xa5: {  	s4 =	sld [smem:$0x0]  }
0xa6: {  	s5 =	sand.u32 $0xFFFFFFFE, s1  }
0xa7: {  	p0 =	sne.s32 s1, s5  }
0xa8: {  	s5 =	sshll.u32 @p0 s5, $0xE  }
0xa9: {  	s5 =	sadd.s32 @p0 $0x11B8D, s5;
	s6 =	sshll.u32 @p0 s4, $0x11  }
0xaa: {  	s5 =	sor.u32 @p0 s6, s5  }
0xab: {  	[sflag:s5] =	ssyncadd.remote.s32 @p0 $0x1;
	_ =	sdelay $0x1  }
0xac: {  	s5 =	simm.s32 @p0 $0x1B8D  }
0xad: {  	_ =	swait.eq @p0 [sflag:s5], $0x1  }
0xae: {  	[sflag:s5] =	ssyncadd.s32 @p0 $0xFFFFFFFF  }
0xaf: {  	s6 =	sshll.u32 @!p0 s1, $0xE  }
0xb0: {  	s6 =	sor.u32 @!p0 $0x4000, s6;
	s5 =	simm.s32 @!p0 $0x1B8D  }
0xb1: {  	s4 =	sshll.u32 @!p0 s4, $0x11;
	s6 =	sadd.s32 @!p0 $0x11B8D, s6;
	_ =	swait.eq @!p0 [sflag:s5], $0x1  }
0xb2: {  	s4 =	sor.u32 @!p0 s4, s6;
	[sflag:s5] =	ssyncadd.s32 @!p0 $0xFFFFFFFF  }
0xb3: {  	s25 =	simm.s32 $0x1B8E;
	s24 =	sld [smem:$0x3FFE];
	[sflag:s4] =	ssyncadd.remote.s32 @!p0 $0x1  }
0xb4: {  	s26 =	simm.s32 $execute0_lowered;
	[smem:$0x3FD2] =	sst s25  }
0xb5: {  	s5 =	sshll.u32 s26, $0x1;
	_ =	strace $0x8000004C;
	[dreg:$0x1] =	wrdreg $0xFFFFFFFF  }
0xb6: {  	s28 =	simm.s32 $_size_execute0_lowered;
	s3 =	sadd.s32 s3, s5;
	[dreg:$0x0] =	wrdreg $0x0  }
0xb7: {  	s5 =	sshll.u32 s28, $0x1;
	[dreg:$0x2] =	wrdreg s3  }
0xb8: {  	[dreg:$0x3] =	wrdreg s5  }
0xb9: {  	[dreg:$0x4] =	wrdreg $0xC0  }
0xba: {  	_ =	task [dreg:s22], $0x5FFFF  }
0xbb: {  	[dreg:$0x1] =	wrdreg $0xFFFFFFFF  }
0xbc: {  	[dreg:$0x0] =	wrdreg $0x60  }
0xbd: {  	[dreg:$0x2] =	wrdreg s24  }
0xbe: {  	[dreg:$0x3] =	wrdreg $0x50800  }
0xbf: {  	[dreg:$0x4] =	wrdreg $0x9  }
0xc0: {  	_ =	task.clear_ibuf [dreg:s22], $0x5FFFF;
	_ =	strace $0x9000004C  }
0xc1: {  	s29 =	simm.s32 $0x9;
	_ =	strace $0x8000004E  }
0xc2: {  	_ =	swait.ge [sflag:s29], $0x1  }
0xc3: {  	[sflag:s29] =	ssyncadd.s32 $0xFFFFFFFF  }
0xc4: {  	_ =	strace $0x9000004E  }
0xc5: {  	_ =	sfence  }
0xc6: {  	s30 =	sld [smem:$0x0];
	_ =	sdelay $0x2  }
0xc7: {  	s31 =	sshll.u32 s1, $0xD;
	s1 =	sshrl.u32 s1, $0x2  }
0xc8: {  	s4 =	sand.u32 $0x4000, s31;
	s1 =	sadd.s32 s1, s30  }
0xc9: {  	s0 =	sor.u32 s4, s0;
	s1 =	sshll.u32 s1, $0x11  }
0xca: {  	s0 =	sor.u32 s1, s0  }
0xcb: {  	s0 =	sadd.s32 $0x8F2B, s0  }
0xcc: {  	[sflag:s0] =	ssyncadd.remote.s32 $0x1  }
0xcd: {  	_ =	sfence.sel $0xFFFF  }
0xce: {  	[dreg:$0x0] =	wrdreg $0xFFFFFFFF;
	(pc) =	sbr.abs _section_cstart, $3  }
0xcf: {  	[dreg:$0x1] =	wrdreg $0xFFFFFFFF  }
0xd0: {  	_ =	task.clear_ibuf [dreg:s22], $0x2FFFF;
	_ =	strace $0x9FFFFFFF  }
0xd1: {  	(tm) =	ssettm $0x7FFFFFFF  }
tec
execute0_lowered:
.L_overlay_start_1:
0x0: {  	(tag) =	ssettag $0x1  }
0x1: {  	s1 =	srdreg.scid  }
0x2: {  	s0 =	stileid.u32;
	s8 =	rddreg [dreg:$0x0]  }
0x3: {  	s2 =	rddreg [dreg:$0x1];
	s3 =	simm.s32 $0x0;
	s15 =	simm.s32 $0x1  }
0x4: {  	s18 =	simm.s32 $0x10;
	s5 =	sand.u32 $0x1, s1;
	s1 =	rddreg [dreg:$0x2]  }
0x5: {  	s19 =	simm.s32 $0x0;
	s30 =	sshll.u32 s0, $0x1;
	[smem:$0x7FF] =	sst s3  }
0x6: {  	s6 =	smul.u32 $0x280, s0;
	s31 =	sshll.u32 s0, $0x6;
	s14 =	sadd.s32 $0xDE00, s8  }
0x7: {  	s17 =	smul.u32 $0xA0, s0;
	s4 =	sor.u32 s5, s30;
	_ =	strace $0x8000004D  }
0x8: {  	s10 =	sshll.u32 s5, $0x4;
	s5 =	ssub.s32 $0x2, s5;
	s11 =	smul.u32 $0x500, s4  }
0x9: {  	s4 =	sadd.s32 $0x18400, s8;
	s9 =	sshrl.u32 s6, $0x3;
	s10 =	sadd.s32 s10, s8  }
0xa: {  	s12 =	sshrl.u32 s5, $0x1;
	s13 =	sadd.s32 s6, s2;
	s6 =	sor.u32 $0x1C02, s31  }
0xb: {  	s9 =	sadd.s32 s9, s8;
	s12 =	ssub.s32 s5, s12;
	s16 =	sadd.s32 $0xB8E00, s10  }
0xc: {  	s10 =	simm.s32 $0x2;
	s7 =	sadd.s32 s11, s8;
	s5 =	sadd.s32 $0x17E00, s9  }
0xd: {  	s8 =	smax.u32 s12, $0x1;
	s9 =	sshrl.u32 s13, $0x3;
	s11 =	sadd.s32 s11, s14  }
0xe: {  	s12 =	simm.s32 $0x2800;
	s13 =	simm.s32 $0x80;
	s14 =	simm.s32 $0x5000  }
0xf: {  	s16 =	sadd.s32 s17, s16;
	s17 =	simm.s32 $0x20;
	s7 =	sadd.s32 $0x3E00, s7  }
.LBB2_1:
0x10: {  	[spmem:s9], [sflag:s6] =	dma.local [hbm:s5], $0x50  }
0x11: {  	_ =	swait.ge [sflag:s10], $0x50  }
0x12: {  	[sflag:s10] =	ssyncset.done $0x0  }
0x13: {  	[sflag:s10] =	ssyncadd.s32 $0xFFFFFFB0  }
0x14: {  	[bflag:$0x0] =	sbarrier.arrive $0xFFFF  }
0x15: {  	[tilespmem:s3], [sflag:$0x2] =	stream.linear.gather [hbm4b:s7+s3], $0x2800, $0x38;
	[tilespmem:$0x5300] =	vst v63  }
0x16: {  	_ =	swait.ge [sflag:s10], $0x2800  }
0x17: {  	[sflag:s10] =	ssyncset.done $0x0  }
0x18: {  	[sflag:s10] =	ssyncadd.s32 $0xFFFFD800  }
0x19: {  	[tilespmem:s12], [sflag:$0x2] =	stream.linear.gather [hbm4b:s11+s3], $0x2800, $0x38;
	[tilespmem:$0x5300] =	vst v63  }
0x1a: {  	_ =	swait.ge [sflag:s10], $0x2800  }
0x1b: {  	[sflag:s10] =	ssyncset.done $0x0  }
0x1c: {  	s20 =	simm.s32 $0x2800;
	[sflag:s10] =	ssyncadd.s32 $0xFFFFD800  }
0x1d: {  	[tilespmem:s14], [sflag:$0x1] =	stream.indirect.gather [hbm4b:s4+s13], $0x1, s20, s13, $0xb8;
	[tilespmem:$0x5300] =	vst v63  }
0x1e: {  	_ =	swait.ge [sflag:s15], $0x80  }
0x1f: {  	[sflag:s15] =	ssyncset.done $0x0  }
0x20: {  	s31 =	simm.s32 $0x0;
	[sflag:s15] =	ssyncadd.s32 $0xFFFFFF80  }
0x21: {  	[spmem:s2] =	stream.indirect.scatter.add.f32 [tilespmem:s14], [sflag:$0x2], $0x1, s31, s13, $0xb8;
	[tilespmem:$0x5300] =	vst v63  }
0x22: {  	_ =	swait.ge [sflag:s10], $0x80  }
0x23: {  	s21 =	simm.s32 $0x400;
	s20 =	simm.s32 $0x80;
	[sflag:s10] =	ssyncset.done $0x0  }
.LBB2_2:
0x24: {  	s22 =	sadd.s32 $0x2800, s20  }
0x25: {  	[sflag:s10] =	ssyncadd.s32 $0xFFFFFF80;
	s23 =	smov.u32 s21;
	s24 =	sadd.s32 $0x200, s21  }
0x26: {  	[tilespmem:s14], [sflag:$0x1] =	stream.indirect.gather [hbm4b:s4+s13], $0x1, s22, s13, $0xb8;
	[tilespmem:$0x5300] =	vst v63  }
0x27: {  	p0 =	sne.s32 s21, $0x9E00;
	_ =	swait.ge [sflag:s15], $0x80  }
.Ltmp0:
0x28: {  	[sflag:s15] =	ssyncset.done $0x0;
	(pc) =	sbr.rel @p0 .LBB2_2-.Ltmp0, $4  }
0x29: {  	[sflag:s15] =	ssyncadd.s32 $0xFFFFFF80  }
0x2a: {  	[spmem:s2] =	stream.indirect.scatter.add.f32 [tilespmem:s14], [sflag:$0x2], $0x1, s20, s13, $0xb8;
	[tilespmem:$0x5300] =	vst v63  }
0x2b: {  	_ =	swait.ge [sflag:s10], $0x80  }
0x2c: {  	s21 =	smov.u32 s24;
	s20 =	sshra.s32 s23, $0x2;
	[sflag:s10] =	ssyncset.done $0x0  }
0x2d: {  	s21 =	sadd.s32 $0x2800, s20;
	[sflag:s10] =	ssyncadd.s32 $0xFFFFFF80  }
0x2e: {  	[tilespmem:s14], [sflag:$0x1] =	stream.indirect.gather [hbm4b:s4+s13], $0x1, s21, s13, $0xb8;
	[tilespmem:$0x5300] =	vst v63  }
0x2f: {  	_ =	swait.ge [sflag:s15], $0x80  }
0x30: {  	[sflag:s15] =	ssyncset.done $0x0  }
0x31: {  	[sflag:s15] =	ssyncadd.s32 $0xFFFFFF80  }
0x32: {  	[spmem:s2] =	stream.indirect.scatter.add.f32 [tilespmem:s14], [sflag:$0x2], $0x1, s20, s13, $0xb8;
	[tilespmem:$0x5300] =	vst v63  }
0x33: {  	_ =	swait.ge [sflag:s10], $0x80  }
0x34: {  	s19 =	sadd.s32 $0x1, s19;
	[sflag:s10] =	ssyncset.done $0x0  }
0x35: {  	p0 =	sne.s32 s19, s8;
	[sflag:s10] =	ssyncadd.s32 $0xFFFFFF80  }
.Ltmp1:
0x36: {  	[bflag:$0x0] =	sbarrier.arrive $0xFFFF;
	(pc) =	sbr.rel @p0 .LBB2_1-.Ltmp1, $4  }
0x37: {  	[hbm:s16@s17], [sflag:s6] =	dma.strided [spmem:s9@s18], $0x50, s15, $0x10   }
0x38: {  	_ =	swait.ge [sflag:s10], $0x50  }
0x39: {  	[sflag:s10] =	ssyncset.done $0x0  }
0x3a: {  	[sflag:s10] =	ssyncadd.s32 $0xFFFFFFB0  }
0x3b: {  	_ =	sfence.sel $0x180000  }
0x3c: {  	[bflag:$0x0] =	sbarrier.arrive $0xFFFF  }
0x3d: {  	p0 =	sne.s32 s0, $0x0;
	_ =	strace $0x9000004D  }
0x3e: {  	s0 =	sadd.s32 @!p0 $0x100000, s1;
	[bflag:$0x2] =	sbarrier.arrive $0xFFFF  }
0x3f: {  	[sflag:s0] =	ssyncadd.tile.s32 @!p0 $0x1;
	_ =	shalt  }
.Lfunc_end2:
_tile_overlayer_lowered:
.L_overlay_start_2:
0x40: {  	(tag) =	ssettag $0x2  }
0x41: {  	s0 =	rddreg [dreg:$0x0];
	s2 =	stileid.u32  }
0x42: {  	s1 =	rddreg [dreg:$0x1];
	p0 =	sne.s32 s2, $0x0  }
0x43: {  	s3 =	rddreg [dreg:$0x2];
	[bflag:$0x3] =	sbarrier.arrive $0xFFFF;
	s2 =	simm.s32 @!p0 $0x1C02  }
0x44: {  	[timem:s3], [sflag:s2] =	dma.local @!p0 [hbm:s0], s1  }
0x45: {  	s0 =	simm.s32 @!p0 $0x2  }
0x46: {  	_ =	swait.ge @!p0 [sflag:s0], s1  }
0x47: {  	s1 =	ssub.s32 @!p0 $0x0, s1;
	[sflag:s0] =	ssyncset.done @!p0 $0x0  }
0x48: {  	[sflag:s0] =	ssyncadd.s32 @!p0 s1  }
0x49: {  	[bflag:$0x3] =	sbarrier.arrive $0xFFFF  }
0x4a: {  	_ =	shalt  }

// kernel: kernel.9.cloned.1.call-start
scs
__scs_entry_jumppad:
0x0: {  	(pc) =	sbr.rel $0x88, $3  }
0x1: {  	(tag) =	ssettag $0x0;
	lr =	simm.s32 $0x1  }
0x2: {  	[smem:$0x3F95] =	sst lr;
	_ =	strace $0xD0000000  }
0x3: {  	_ = 	snop  }
0x4: {  	_ = 	snop  }
0x5: {  	_ = 	snop  }
0x6: {  	_ = 	snop  }
0x7: {  	_ = 	snop  }
__scs_overlays_trampoline_lowered:
0x8: {  	[smem:$0x3FA4] =	sst s0  }
0x9: {  	[smem:$0x3FA5] =	sst s1  }
0xa: {  	[smem:$0x3FA6] =	sst s2  }
0xb: {  	[smem:$0x3FA7] =	sst s3  }
0xc: {  	[smem:$0x3FA8] =	sst s4  }
0xd: {  	[smem:$0x3FA9] =	sst s5  }
0xe: {  	[smem:$0x3FAA] =	sst s6  }
0xf: {  	[smem:$0x3FAB] =	sst s7  }
0x10: {  	[smem:$0x3FAC] =	sst s8  }
0x11: {  	[smem:$0x3FAD] =	sst s9;
	s0 =	simm.s32 @!p0 $0x0  }
0x12: {  	s1 =	sld [smem:$0x3F93];
	s0 =	simm.s32 @p0 $0x1  }
0x13: {  	[smem:$0x3FAE] =	sst s0;
	s0 =	simm.s32 @!p1 $0x0  }
0x14: {  	s2 =	sld [smem:$0x3F92];
	s0 =	simm.s32 @p1 $0x1  }
0x15: {  	[smem:$0x3FAF] =	sst s0;
	s0 =	simm.s32 @!p2 $0x0  }
0x16: {  	s3 =	sld [smem:$0x3FDB];
	s0 =	simm.s32 @p2 $0x1  }
0x17: {  	s4 =	simm.s32 $0x1BF5;
	[smem:$0x3FB1] =	sst s0  }
0x18: {  	s0 =	sld [smem:$0x3F94];
	_ =	swait.ge [sflag:s4], $0x0  }
0x19: {  	s7 =	sld [smem:$0x3F95]  }
0x1a: {  	s8 =	sadd.s32 $0xFFFFE003, lr  }
0x1b: {  	s9 =	sadd.s32 $0xFFFFFEF7, lr;
	s5 =	simm.s32 $0xFFFFFFFF;
	p2 =	slt.u32 s8, $0xFFFFF086  }
0x1c: {  	p1 =	slt.u32 s9, $0xF7A;
	s5 =	simm.s32 @!p2 $0x0  }
0x1d: {  	s5 =	simm.s32 @p1 $0x1;
	p0 =	seq.s32 s7, s2  }
0x1e: {  	s7 =	smul.u32 @!p0 $0xF7A, s2;
	p2 =	seq.s32 @!p0 s5, $0x0  }
0x1f: {  	s9 =	smul.u32 $0xF7A, s1;
	s8 =	simm.s32 @!p0 $0x1BF5;
	p2 =	por !p2, p0  }
0x20: {  	[sflag:s8] =	ssyncset.s32 @!p0 $0xFFFFF086;
	s6 =	sadd.s32 @!p0 s3, s7;
	s7 =	simm.s32 @!p0 $0x108  }
0x21: {  	s3 =	sadd.s32 s3, s9;
	s6 =	sadd.s32 @!p0 $0x88, s6;
	s7 =	simm.s32 @p2 $0x1082  }
0x22: {  	[simem:s7], [sflag:s8] =	dma.local @!p0 [hbm:s6], $0xF7A  }
0x23: {  	s9 =	sor.u32 $0xD0000000, s2;
	s6 =	simm.s32 $0x108;
	_ =	swait.ge @!p0 [sflag:s8], $0x0  }
0x24: {  	s3 =	sadd.s32 $0x88, s3;
	s6 =	simm.s32 @!p1 $0x1082;
	[sflag:s4] =	ssyncset.s32 $0xFFFFF086  }
0x25: {  	[simem:s6], [sflag:s4] =	dma.local [hbm:s3], $0xF7A  }
0x26: {  	[smem:$0x3F95] =	sst s1;
	(tag) =	ssettag s2;
	_ =	strace s9  }
0x27: {  	s1 =	sld [smem:$0x3FA5]  }
0x28: {  	s2 =	sld [smem:$0x3FA6]  }
0x29: {  	s4 =	sld [smem:$0x3FA8]  }
0x2a: {  	p0 =	seq.s32 s5, $0x0;
	s5 =	sld [smem:$0x3FA9]  }
0x2b: {  	s6 =	sld [smem:$0x3FAA]  }
0x2c: {  	s7 =	sld [smem:$0x3FAB]  }
0x2d: {  	s3 =	simm.s32 $0x108;
	s8 =	sld [smem:$0x3FAC]  }
0x2e: {  	s3 =	simm.s32 @!p0 $0x1082;
	s9 =	sld [smem:$0x3FAD]  }
0x2f: {  	lr =	sadd.s32 s0, s3;
	s0 =	sld [smem:$0x3FA4]  }
0x30: {  	s3 =	sld [smem:$0x3FA7]  }
0x31: {  	[smem:$0x3FB0] =	sst s10  }
0x32: {  	s10 =	sld [smem:$0x3FAE];
	_ =	sdelay $0x3  }
0x33: {  	p0 =	seq.s32 s10, $0x1;
	s10 =	sld [smem:$0x3FB0];
	_ =	sdelay $0x3  }
0x34: {  	[smem:$0x3FB0] =	sst s10  }
0x35: {  	s10 =	sld [smem:$0x3FAF];
	_ =	sdelay $0x3  }
0x36: {  	p1 =	seq.s32 s10, $0x1;
	s10 =	sld [smem:$0x3FB0];
	_ =	sdelay $0x3  }
0x37: {  	[smem:$0x3FB0] =	sst s10  }
0x38: {  	s10 =	sld [smem:$0x3FB1]  }
0x39: {  	_ = 	snop;
	(pc) =	sbr.ind lr, $3  }
0x3a: {  	_ = 	snop  }
0x3b: {  	_ = 	snop  }
0x3c: {  	p2 =	seq.s32 s10, $0x1;
	s10 =	sld [smem:$0x3FB0]  }
0x3d: {  	_ =	shalt  }
0x3e: {  	_ =	shalt  }
0x3f: {  	_ =	shalt  }
0x40: {  	_ =	shalt  }
0x41: {  	_ =	shalt  }
0x42: {  	_ =	shalt  }
0x43: {  	_ =	shalt  }
0x44: {  	_ =	shalt  }
0x45: {  	_ =	shalt  }
0x46: {  	_ =	shalt  }
0x47: {  	_ =	shalt  }
0x48: {  	_ =	shalt  }
0x49: {  	_ =	shalt  }
0x4a: {  	_ =	shalt  }
0x4b: {  	_ =	shalt  }
0x4c: {  	_ =	shalt  }
0x4d: {  	_ =	shalt  }
0x4e: {  	_ =	shalt  }
0x4f: {  	_ =	shalt  }
0x50: {  	_ =	shalt  }
0x51: {  	_ =	shalt  }
0x52: {  	_ =	shalt  }
0x53: {  	_ =	shalt  }
0x54: {  	_ =	shalt  }
0x55: {  	_ =	shalt  }
0x56: {  	_ =	shalt  }
0x57: {  	_ =	shalt  }
0x58: {  	_ =	shalt  }
0x59: {  	_ =	shalt  }
0x5a: {  	_ =	shalt  }
0x5b: {  	_ =	shalt  }
0x5c: {  	_ =	shalt  }
0x5d: {  	_ =	shalt  }
0x5e: {  	_ =	shalt  }
0x5f: {  	_ =	shalt  }
0x60: {  	_ =	shalt  }
0x61: {  	_ =	shalt  }
0x62: {  	_ =	shalt  }
0x63: {  	_ =	shalt  }
0x64: {  	_ =	shalt  }
0x65: {  	_ =	shalt  }
0x66: {  	_ =	shalt  }
0x67: {  	_ =	shalt  }
0x68: {  	_ =	shalt  }
0x69: {  	_ =	shalt  }
0x6a: {  	_ =	shalt  }
0x6b: {  	_ =	shalt  }
0x6c: {  	_ =	shalt  }
0x6d: {  	_ =	shalt  }
0x6e: {  	_ =	shalt  }
0x6f: {  	_ =	shalt  }
0x70: {  	_ =	shalt  }
0x71: {  	_ =	shalt  }
0x72: {  	_ =	shalt  }
0x73: {  	_ =	shalt  }
0x74: {  	_ =	shalt  }
0x75: {  	_ =	shalt  }
0x76: {  	_ =	shalt  }
0x77: {  	_ =	shalt  }
0x78: {  	_ =	shalt  }
0x79: {  	_ =	shalt  }
0x7a: {  	_ =	shalt  }
0x7b: {  	_ =	shalt  }
0x7c: {  	_ =	shalt  }
0x7d: {  	_ =	shalt  }
0x7e: {  	_ =	shalt  }
0x7f: {  	_ =	shalt  }
0x80: {  	_ =	shalt  }
0x81: {  	_ =	shalt  }
0x82: {  	_ =	shalt  }
0x83: {  	_ =	shalt  }
0x84: {  	_ =	shalt  }
0x85: {  	_ =	shalt  }
0x86: {  	_ =	shalt  }
0x87: {  	_ =	shalt  }
.Lfunc_end0:
.L_simem_size_0:
called_computation_lowered:
.L_overlay_start_0:
0x88: {  	s2 =	sld [smem:$0x3FD9]  }
0x89: {  	s3 =	sld [smem:$0x3FFE];
	_ =	sdelay $0x1  }
0x8a: {  	s1 =	srdreg.scid  }
0x8b: {  	s0 =	sand.u32 $0x1, s1  }
0x8c: {  	s16 =	sshll.u32 s0, $0xA;
	s2 =	sadd.s32 s3, s2  }
0x8d: {  	s2 =	sadd.s32 s2, s16  }
0x8e: {  	[smem:$0x3FBC] =	sst s2  }
0x8f: {  	_ = 	snop  }
0x90: {  	(tm) =	ssettm $0x1  }
0x91: {  	s17 =	sld [smem:$0x3FFB];
	_ =	sdelay $0x3  }
0x92: {  	_ =	strace s17  }
0x93: {  	s2 =	sld [smem:$0x3FFC];
	_ =	sdelay $0x3  }
0x94: {  	_ =	strace s2  }
0x95: {  	s2 =	sld [smem:$0x3FFD];
	_ =	sdelay $0x3  }
0x96: {  	_ =	strace s2  }
0x97: {  	_ =	strace $0x8FFFFFFF  }
0x98: {  	s18 =	sld [smem:$0x3FDB];
	_ =	sdelay $0x1  }
0x99: {  	s19 =	simm.s32 $_scs_section_size  }
0x9a: {  	s4 =	simm.s32 $_size__tile_overlayer_lowered;
	s5 =	simm.s32 $_tile_overlayer_lowered  }
0x9b: {  	s22 =	simm.s32 $0x1BFF;
	s21 =	sshll.u32 s5, $0x1;
	s2 =	sadd.s32 s19, s18  }
0x9c: {  	s6 =	simm.s32 $0x0;
	s20 =	sshll.u32 s4, $0x1;
	s4 =	sadd.s32 s21, s2  }
0x9d: {  	[timem:s6], [sflag:s22] =	dma.local [hbm:s4], s20  }
0x9e: {  	_ =	swait.ge [sflag:s22], s20  }
0x9f: {  	s3 =	ssub.s32 $0x0, s20;
	[sflag:s22] =	ssyncset.done $0x0  }
0xa0: {  	[sflag:s22] =	ssyncadd.s32 s3;
	_ =	sdelay $0x1  }
0xa1: {  	s23 =	simm.s32 $0x1B8B  }
0xa2: {  	_ =	swait.ge [sflag:s23], $0x1  }
0xa3: {  	[sflag:s23] =	ssyncset.done $0x0  }
0xa4: {  	s25 =	simm.s32 $0x1B8E;
	s24 =	sld [smem:$0x3FFE];
	[sflag:s23] =	ssyncadd.s32 $0xFFFFFFFF  }
0xa5: {  	s26 =	simm.s32 $execute0_lowered;
	[smem:$0x3FD2] =	sst s25  }
0xa6: {  	s4 =	sshll.u32 s26, $0x1;
	_ =	strace $0x80000046;
	[dreg:$0x1] =	wrdreg $0xFFFFFFFF  }
0xa7: {  	s28 =	simm.s32 $_size_execute0_lowered;
	s2 =	sadd.s32 s2, s4;
	[dreg:$0x0] =	wrdreg $0x0  }
0xa8: {  	s4 =	sshll.u32 s28, $0x1;
	[dreg:$0x2] =	wrdreg s2  }
0xa9: {  	[dreg:$0x3] =	wrdreg s4  }
0xaa: {  	[dreg:$0x4] =	wrdreg $0xC0  }
0xab: {  	_ =	task [dreg:s6], $0x5FFFF  }
0xac: {  	[dreg:$0x1] =	wrdreg $0xFFFFFFFF  }
0xad: {  	[dreg:$0x0] =	wrdreg $0x60  }
0xae: {  	[dreg:$0x2] =	wrdreg s24  }
0xaf: {  	[dreg:$0x3] =	wrdreg $0x28800  }
0xb0: {  	[dreg:$0x4] =	wrdreg $0x9  }
0xb1: {  	_ =	task.clear_ibuf [dreg:s6], $0x5FFFF;
	_ =	strace $0x90000046  }
0xb2: {  	s29 =	simm.s32 $0x9;
	_ =	strace $0x80000048  }
0xb3: {  	_ =	swait.ge [sflag:s29], $0x1  }
0xb4: {  	[sflag:s29] =	ssyncadd.s32 $0xFFFFFFFF  }
0xb5: {  	_ =	strace $0x90000048  }
0xb6: {  	_ =	sfence  }
0xb7: {  	s30 =	sld [smem:$0x0];
	_ =	sdelay $0x2  }
0xb8: {  	s31 =	sshll.u32 s1, $0xD;
	s1 =	sshrl.u32 s1, $0x2  }
0xb9: {  	s3 =	sand.u32 $0x4000, s31;
	s1 =	sadd.s32 s1, s30  }
0xba: {  	s0 =	sor.u32 s3, s0;
	s1 =	sshll.u32 s1, $0x11  }
0xbb: {  	s0 =	sor.u32 s1, s0  }
0xbc: {  	s0 =	sadd.s32 $0x8F2B, s0  }
0xbd: {  	[sflag:s0] =	ssyncadd.remote.s32 $0x1  }
0xbe: {  	_ =	sfence.sel $0xFFFF  }
0xbf: {  	[dreg:$0x0] =	wrdreg $0xFFFFFFFF;
	(pc) =	sbr.abs _section_cstart, $3  }
0xc0: {  	[dreg:$0x1] =	wrdreg $0xFFFFFFFF  }
0xc1: {  	_ =	task.clear_ibuf [dreg:s6], $0x2FFFF;
	_ =	strace $0x9FFFFFFF  }
0xc2: {  	(tm) =	ssettm $0x7FFFFFFF  }
0xc3: {  	_ =	shalt  }
tec
execute0_lowered:
.L_overlay_start_1:
0x0: {  	(tag) =	ssettag $0x1  }
0x1: {  	s6 =	rddreg [dreg:$0x0]  }
0x2: {  	s2 =	rddreg [dreg:$0x1]  }
0x3: {  	s0 =	stileid.u32;
	s1 =	rddreg [dreg:$0x2]  }
0x4: {  	s3 =	simm.s32 $0x0;
	s5 =	srdreg.scid;
	s15 =	simm.s32 $0x0  }
0x5: {  	s4 =	smul.u32 $0x280, s0;
	[smem:$0x7FF] =	sst s3;
	s5 =	sand.u32 $0x1, s5  }
0x6: {  	s11 =	sshll.u32 s0, $0x1;
	s31 =	sshll.u32 s0, $0x6;
	s12 =	sadd.s32 $0xDE00, s6  }
0x7: {  	s14 =	smul.u32 $0xA0, s0;
	_ =	strace $0x80000047;
	s8 =	ssub.s32 $0x2, s5  }
0x8: {  	s9 =	sshll.u32 s5, $0x4;
	s29 =	sor.u32 s5, s11;
	s5 =	sor.u32 $0x1C01, s31  }
0x9: {  	s11 =	simm.s32 $0x2800;
	s7 =	sshrl.u32 s4, $0x3;
	s10 =	sshrl.u32 s8, $0x1  }
0xa: {  	s9 =	sadd.s32 s9, s6;
	s30 =	sadd.s32 s4, s2;
	s7 =	sadd.s32 s7, s6  }
0xb: {  	s8 =	ssub.s32 s8, s10;
	s10 =	smul.u32 $0x500, s29;
	s13 =	sadd.s32 $0x18400, s9  }
0xc: {  	s4 =	sadd.s32 $0x17E00, s7;
	s6 =	smax.u32 s8, $0x1;
	s7 =	sshrl.u32 s30, $0x3  }
0xd: {  	s8 =	simm.s32 $0x1;
	s9 =	sadd.s32 s10, s12;
	s10 =	simm.s32 $0x80  }
0xe: {  	v0 =	vimm.f32 $1.000000000e+00;
	s12 =	sadd.s32 s14, s13;
	s13 =	simm.s32 $0x20;
	s14 =	simm.s32 $0x10  }
.LBB2_1:
0xf: {  	[tilespmem:$0x2800] =	vst v0  }
0x10: {  	[tilespmem:$0x2810] =	vst v0  }
0x11: {  	[tilespmem:$0x2820] =	vst v0  }
0x12: {  	[tilespmem:$0x2830] =	vst v0  }
0x13: {  	[tilespmem:$0x2840] =	vst v0  }
0x14: {  	[tilespmem:$0x2850] =	vst v0  }
0x15: {  	[tilespmem:$0x2860] =	vst v0  }
0x16: {  	[tilespmem:$0x2870] =	vst v0  }
0x17: {  	[spmem:s7], [sflag:s5] =	dma.local [hbm:s4], $0x50  }
0x18: {  	_ =	swait.ge [sflag:s8], $0x50  }
0x19: {  	[sflag:s8] =	ssyncset.done $0x0  }
0x1a: {  	[sflag:s8] =	ssyncadd.s32 $0xFFFFFFB0  }
0x1b: {  	[bflag:$0x0] =	sbarrier.arrive $0xFFFF  }
0x1c: {  	[tilespmem:s3], [sflag:$0x1] =	stream.linear.gather [hbm4b:s9+s3], $0x2800, $0x38;
	[tilespmem:$0x2B00] =	vst v63  }
0x1d: {  	_ =	swait.ge [sflag:s8], $0x2800  }
0x1e: {  	[sflag:s8] =	ssyncset.done $0x0  }
0x1f: {  	s16 =	simm.s32 $0x0;
	[sflag:s8] =	ssyncadd.s32 $0xFFFFD800  }
0x20: {  	[spmem:s2] =	stream.indirect.scatter.add.f32 [tilespmem:s11], [sflag:$0x1], $0x1, s16, s10, $0xb8;
	[tilespmem:$0x2B00] =	vst v63  }
0x21: {  	_ =	swait.ge [sflag:s8], $0x80  }
0x22: {  	s16 =	simm.s32 $0x200;
	[sflag:s8] =	ssyncset.done $0x0  }
.LBB2_2:
0x23: {  	s17 =	sshra.s32 s16, $0x2;
	[sflag:s8] =	ssyncadd.s32 $0xFFFFFF80;
	p0 =	sne.s32 s16, $0x9E00  }
0x24: {  	[spmem:s2] =	stream.indirect.scatter.add.f32 [tilespmem:s11], [sflag:$0x1], $0x1, s17, s10, $0xb8;
	[tilespmem:$0x2B00] =	vst v63  }
.Ltmp0:
0x25: {  	_ = 	snop;
	(pc) =	sbr.rel @p0 .LBB2_2-.Ltmp0, $4  }
0x26: {  	_ = 	snop  }
0x27: {  	s16 =	sadd.s32 $0x200, s16  }
0x28: {  	_ =	swait.ge [sflag:s8], $0x80  }
0x29: {  	[sflag:s8] =	ssyncset.done $0x0  }
0x2a: {  	s15 =	sadd.s32 $0x1, s15  }
0x2b: {  	[sflag:s8] =	ssyncadd.s32 $0xFFFFFF80;
	p0 =	sne.s32 s15, s6  }
.Ltmp1:
0x2c: {  	[bflag:$0x0] =	sbarrier.arrive $0xFFFF;
	(pc) =	sbr.rel @p0 .LBB2_1-.Ltmp1, $4  }
0x2d: {  	[hbm:s12@s13], [sflag:s5] =	dma.strided [spmem:s7@s14], $0x50, s8, $0x10   }
0x2e: {  	_ =	swait.ge [sflag:s8], $0x50  }
0x2f: {  	[sflag:s8] =	ssyncset.done $0x0  }
0x30: {  	[sflag:s8] =	ssyncadd.s32 $0xFFFFFFB0  }
0x31: {  	_ =	sfence.sel $0x180000  }
0x32: {  	[bflag:$0x0] =	sbarrier.arrive $0xFFFF  }
0x33: {  	p0 =	sne.s32 s0, $0x0;
	_ =	strace $0x90000047  }
0x34: {  	s0 =	sadd.s32 @!p0 $0x100000, s1;
	[bflag:$0x2] =	sbarrier.arrive $0xFFFF  }
0x35: {  	[sflag:s0] =	ssyncadd.tile.s32 @!p0 $0x1;
	_ =	shalt  }
.Lfunc_end2:
_tile_overlayer_lowered:
.L_overlay_start_2:
0x36: {  	(tag) =	ssettag $0x2  }
0x37: {  	s0 =	rddreg [dreg:$0x0];
	s2 =	stileid.u32  }
0x38: {  	s1 =	rddreg [dreg:$0x1];
	p0 =	sne.s32 s2, $0x0  }
0x39: {  	s3 =	rddreg [dreg:$0x2];
	[bflag:$0x3] =	sbarrier.arrive $0xFFFF;
	s2 =	simm.s32 @!p0 $0x1C01  }
0x3a: {  	[timem:s3], [sflag:s2] =	dma.local @!p0 [hbm:s0], s1  }
0x3b: {  	s0 =	simm.s32 @!p0 $0x1  }
0x3c: {  	_ =	swait.ge @!p0 [sflag:s0], s1  }
0x3d: {  	s1 =	ssub.s32 @!p0 $0x0, s1;
	[sflag:s0] =	ssyncset.done @!p0 $0x0  }
0x3e: {  	[sflag:s0] =	ssyncadd.s32 @!p0 s1  }
0x3f: {  	[bflag:$0x3] =	sbarrier.arrive $0xFFFF  }
0x40: {  	_ =	shalt  }

</sc_bundles>
